<compile_context>
chip_gen: v7x
topology: tpu7x:2x2x1
jax: 0.10.2.dev20260603
libtpu: 0.0.44.dev20260713+nightly
codegen_flags: <defaults>
</compile_context>

<pallas_src>
import functools

import jax
import jax.numpy as jnp
from jax import lax
from jax.experimental import pallas as pl
from jax.experimental.pallas import tpu as pltpu
from jax.experimental.pallas import tpu_sc as plsc

_B, _N, _K = 4, 4096, 20
_BN = _B * _N
_KBN = _K * _BN
_EPS = 1e-5
_KP = 32
_RT = 128
_RN = 1024
_RF = 512
_NEG = -3.0e38



def _knn_body(xt_ref, xa_ref, idx_ref):
    b = pl.program_id(0)
    xt = xt_ref[0][:, :64]
    xa = xa_ref[0][:, :64]
    s = 2.0 * lax.dot_general(xt, xa, (((1,), (1,)), ((), ())),
                              preferred_element_type=jnp.float32)
    rn = jnp.sum(xt * xt, axis=1, keepdims=True)
    cn = jnp.sum(xa * xa, axis=1).reshape(1, _N)
    s = s - rn - cn
    ng = _N // 128
    s3 = s.reshape(_RT, ng, 128)
    gidx3 = lax.broadcasted_iota(jnp.int32, (_RT, ng, 128), 1) * 128 \
        + lax.broadcasted_iota(jnp.int32, (_RT, ng, 128), 2)
    vs, ids = [], []
    for lev in range(8):
        gm = jnp.max(s3, axis=2)
        cand = jnp.where(s3 >= gm[:, :, None], gidx3, _N)
        am = jnp.min(cand, axis=2)
        vs.append(gm)
        ids.append(am)
        if lev < 7:
            s3 = jnp.where(gidx3 == am[:, :, None], _NEG, s3)
    v = jnp.concatenate(vs, axis=1)
    a = jnp.concatenate(ids, axis=1)
    ki = lax.broadcasted_iota(jnp.int32, (_RT, _KP), 1)
    base = b * _N
    acc = jnp.zeros((_RT, _KP), jnp.int32)
    for k in range(_K):
        m = jnp.max(v, axis=1, keepdims=True)
        cand = jnp.where(v >= m, a, _N)
        amin = jnp.min(cand, axis=1, keepdims=True)
        acc = jnp.where(ki == k, amin + base, acc)
        v = jnp.where(a == amin, _NEG, v)
    idx_ref[0] = acc


def _knn(h_table):
    return pl.pallas_call(
        _knn_body,
        grid=(_B, _N // _RT),
        in_specs=[
            pl.BlockSpec((1, _RT, 128), lambda b, t: (b, t, 0)),
            pl.BlockSpec((1, _N, 128), lambda b, t: (b, 0, 0)),
        ],
        out_specs=pl.BlockSpec((1, _RT, _KP), lambda b, t: (b, t, 0)),
        out_shape=jax.ShapeDtypeStruct((_B, _N, _KP), jnp.int32),
    )(h_table, h_table)



_SC_NW = 32
_SC_CH = 512


def _gather_rows(table, idxg):
    total = idxg.shape[0]
    per_w = total // _SC_NW
    nch = per_w // _SC_CH
    mesh = plsc.VectorSubcoreMesh(core_axis_name="c", subcore_axis_name="s")

    @functools.partial(
        pl.kernel,
        mesh=mesh,
        out_type=jax.ShapeDtypeStruct((total, 128), jnp.float32),
        scratch_types=[
            pltpu.VMEM((_SC_CH,), jnp.int32),
            pltpu.VMEM((_SC_CH, 128), jnp.float32),
            pltpu.SemaphoreType.DMA,
        ],
    )
    def k(table_hbm, idx_hbm, out_hbm, idx_v, rows_v, sem):
        wid = lax.axis_index("s") * 2 + lax.axis_index("c")
        base = wid * per_w

        def body(i, carry):
            off = base + i * _SC_CH
            pltpu.sync_copy(idx_hbm.at[pl.ds(off, _SC_CH)], idx_v)
            pltpu.async_copy(table_hbm.at[idx_v], rows_v, sem).wait()
            pltpu.sync_copy(rows_v, out_hbm.at[pl.ds(off, _SC_CH)])
            return carry

        lax.fori_loop(0, nch, body, 0)

    return k(table, idxg)



def _acc_stats(st_ref, y):
    s0 = jnp.sum(y, axis=0)
    s1 = jnp.sum(y * y, axis=0)
    y0 = s0 - st_ref[2, :]
    t0 = st_ref[0, :] + y0
    st_ref[2, :] = (t0 - st_ref[0, :]) - y0
    st_ref[0, :] = t0
    y1 = s1 - st_ref[3, :]
    t1 = st_ref[1, :] + y1
    st_ref[3, :] = (t1 - st_ref[1, :]) - y1
    st_ref[1, :] = t1


def _edge_feat(g, hc):
    lane = lax.broadcasted_iota(jnp.int32, g.shape, 1)
    return jnp.where(lane < 64, g - hc, hc)



def _pair_stats_body(g_ref, hc_ref, w1_ref, out_ref):
    step = pl.program_id(0) * pl.num_programs(1) + pl.program_id(1)

    @pl.when(step == 0)
    def _():
        out_ref[...] = jnp.zeros_like(out_ref)

    ef = _edge_feat(g_ref[...], hc_ref[...])
    y = jnp.dot(ef, w1_ref[...], preferred_element_type=jnp.float32)
    _acc_stats(out_ref, y)


def _pair_stats(g, table_rows, w1eT):
    nj = _BN // _RN
    return pl.pallas_call(
        _pair_stats_body,
        grid=(_K, nj),
        in_specs=[
            pl.BlockSpec((_RN, 128), lambda k, j: (k * nj + j, 0)),
            pl.BlockSpec((_RN, 128), lambda k, j: (j, 0)),
            pl.BlockSpec((128, 64), lambda k, j: (0, 0)),
        ],
        out_specs=pl.BlockSpec((8, 64), lambda k, j: (0, 0)),
        out_shape=jax.ShapeDtypeStruct((8, 64), jnp.float32),
    )(g, table_rows, w1eT)



def _layer2_body(g_ref, hc_ref, w1_ref, st_ref, w2_ref, hmax_ref, st2_ref):
    j = pl.program_id(0)
    k = pl.program_id(1)
    np_ = jnp.float32(_KBN)
    mean = st_ref[0, :] / np_
    var = st_ref[1, :] / np_ - mean * mean
    sd = jnp.sqrt(var + _EPS)
    ef = _edge_feat(g_ref[...], hc_ref[...])
    y1 = jnp.dot(ef, w1_ref[...], preferred_element_type=jnp.float32)
    v = (y1 - mean[None, :]) / sd[None, :]
    v = jnp.where(v > 0, v, 0.2 * v)
    y = jnp.dot(v, w2_ref[...], preferred_element_type=jnp.float32)

    @pl.when((j == 0) & (k == 0))
    def _():
        st2_ref[...] = jnp.zeros_like(st2_ref)

    _acc_stats(st2_ref, y)

    @pl.when(k == 0)
    def _():
        hmax_ref[...] = y

    @pl.when(k > 0)
    def _():
        hmax_ref[...] = jnp.maximum(hmax_ref[...], y)


def _layer2_max(g, table_rows, w1eT, stats1, w2T):
    nj = _BN // _RN
    return pl.pallas_call(
        _layer2_body,
        grid=(nj, _K),
        in_specs=[
            pl.BlockSpec((_RN, 128), lambda j, k: (k * nj + j, 0)),
            pl.BlockSpec((_RN, 128), lambda j, k: (j, 0)),
            pl.BlockSpec((128, 64), lambda j, k: (0, 0)),
            pl.BlockSpec((8, 64), lambda j, k: (0, 0)),
            pl.BlockSpec((64, 64), lambda j, k: (0, 0)),
        ],
        out_specs=[
            pl.BlockSpec((_RN, 64), lambda j, k: (j, 0)),
            pl.BlockSpec((8, 64), lambda j, k: (0, 0)),
        ],
        out_shape=[
            jax.ShapeDtypeStruct((_BN, 64), jnp.float32),
            jax.ShapeDtypeStruct((8, 64), jnp.float32),
        ],
    )(g, table_rows, w1eT, stats1, w2T)



def _stats_max_body(g_ref, hc_ref, w1_ref, st_ref, hmax_ref):
    j = pl.program_id(0)
    k = pl.program_id(1)
    ef = _edge_feat(g_ref[...], hc_ref[...])
    y = jnp.dot(ef, w1_ref[...], preferred_element_type=jnp.float32)

    @pl.when((j == 0) & (k == 0))
    def _():
        st_ref[...] = jnp.zeros_like(st_ref)

    _acc_stats(st_ref, y)

    @pl.when(k == 0)
    def _():
        hmax_ref[...] = y

    @pl.when(k > 0)
    def _():
        hmax_ref[...] = jnp.maximum(hmax_ref[...], y)


def _stats_max(g, table_rows, w1eT):
    nj = _BN // _RN
    return pl.pallas_call(
        _stats_max_body,
        grid=(nj, _K),
        in_specs=[
            pl.BlockSpec((_RN, 128), lambda j, k: (k * nj + j, 0)),
            pl.BlockSpec((_RN, 128), lambda j, k: (j, 0)),
            pl.BlockSpec((128, 64), lambda j, k: (0, 0)),
        ],
        out_specs=[
            pl.BlockSpec((8, 64), lambda j, k: (0, 0)),
            pl.BlockSpec((_RN, 64), lambda j, k: (j, 0)),
        ],
        out_shape=[
            jax.ShapeDtypeStruct((8, 64), jnp.float32),
            jax.ShapeDtypeStruct((_BN, 64), jnp.float32),
        ],
    )(g, table_rows, w1eT)



def _bn_lrelu(h, st_ref, np_):
    mean = st_ref[0, :] / np_
    var = st_ref[1, :] / np_ - mean * mean
    sd = jnp.sqrt(var + _EPS)
    v = (h - mean[None, :]) / sd[None, :]
    return jnp.where(v > 0, v, 0.2 * v)


def _finalize_body(h_ref, st_ref, out_ref, tab_ref):
    v = _bn_lrelu(h_ref[...], st_ref, jnp.float32(_KBN))
    out_ref[...] = v
    tab_ref[...] = jnp.concatenate([v, v], axis=1)


def _finalize_t_body(h_ref, st_ref, out_ref, tab_ref, outt_ref):
    v = _bn_lrelu(h_ref[...], st_ref, jnp.float32(_KBN))
    out_ref[...] = v
    tab_ref[...] = jnp.concatenate([v, v], axis=1)
    outt_ref[0] = v.T


def _finalize(hmax, stats):
    nj = _BN // _RF
    return pl.pallas_call(
        _finalize_body,
        grid=(nj,),
        in_specs=[
            pl.BlockSpec((_RF, 64), lambda j: (j, 0)),
            pl.BlockSpec((8, 64), lambda j: (0, 0)),
        ],
        out_specs=[
            pl.BlockSpec((_RF, 64), lambda j: (j, 0)),
            pl.BlockSpec((_RF, 128), lambda j: (j, 0)),
        ],
        out_shape=[
            jax.ShapeDtypeStruct((_BN, 64), jnp.float32),
            jax.ShapeDtypeStruct((_BN, 128), jnp.float32),
        ],
    )(hmax, stats)


def _finalize_t(hmax, stats):
    nj = _BN // _RF
    npb = _N // _RF
    return pl.pallas_call(
        _finalize_t_body,
        grid=(nj,),
        in_specs=[
            pl.BlockSpec((_RF, 64), lambda j: (j, 0)),
            pl.BlockSpec((8, 64), lambda j: (0, 0)),
        ],
        out_specs=[
            pl.BlockSpec((_RF, 64), lambda j: (j, 0)),
            pl.BlockSpec((_RF, 128), lambda j: (j, 0)),
            pl.BlockSpec((1, 64, _RF), lambda j: (j // npb, 0, j % npb)),
        ],
        out_shape=[
            jax.ShapeDtypeStruct((_BN, 64), jnp.float32),
            jax.ShapeDtypeStruct((_BN, 128), jnp.float32),
            jax.ShapeDtypeStruct((_B, 64, _N), jnp.float32),
        ],
    )(hmax, stats)



def _mlp1_body(x_ref, w_ref, y_ref, st_ref):
    y = jnp.dot(x_ref[...], w_ref[...], preferred_element_type=jnp.float32)

    @pl.when(pl.program_id(0) == 0)
    def _():
        st_ref[...] = jnp.zeros_like(st_ref)

    _acc_stats(st_ref, y)
    y_ref[...] = y


def _mlp1(x, wT):
    din, dout = wT.shape
    nj = _BN // _RF
    return pl.pallas_call(
        _mlp1_body,
        grid=(nj,),
        in_specs=[
            pl.BlockSpec((_RF, din), lambda j: (j, 0)),
            pl.BlockSpec((din, dout), lambda j: (0, 0)),
        ],
        out_specs=[
            pl.BlockSpec((_RF, dout), lambda j: (j, 0)),
            pl.BlockSpec((8, dout), lambda j: (0, 0)),
        ],
        out_shape=[
            jax.ShapeDtypeStruct((_BN, dout), jnp.float32),
            jax.ShapeDtypeStruct((8, dout), jnp.float32),
        ],
    )(x, wT)


def _mlp2_body(x_ref, st_ref, w_ref, y_ref, st2_ref):
    v = _bn_lrelu(x_ref[...], st_ref, jnp.float32(_BN))
    y = jnp.dot(v, w_ref[...], preferred_element_type=jnp.float32)

    @pl.when(pl.program_id(0) == 0)
    def _():
        st2_ref[...] = jnp.zeros_like(st2_ref)

    _acc_stats(st2_ref, y)
    y_ref[...] = y


def _mlp2(x, stats1, wT):
    din, dout = wT.shape
    nj = _BN // _RF
    return pl.pallas_call(
        _mlp2_body,
        grid=(nj,),
        in_specs=[
            pl.BlockSpec((_RF, din), lambda j: (j, 0)),
            pl.BlockSpec((8, din), lambda j: (0, 0)),
            pl.BlockSpec((din, dout), lambda j: (0, 0)),
        ],
        out_specs=[
            pl.BlockSpec((_RF, dout), lambda j: (j, 0)),
            pl.BlockSpec((8, dout), lambda j: (0, 0)),
        ],
        out_shape=[
            jax.ShapeDtypeStruct((_BN, dout), jnp.float32),
            jax.ShapeDtypeStruct((8, dout), jnp.float32),
        ],
    )(x, stats1, wT)


def _mlp_fin_body(x_ref, st_ref, out_ref):
    v = _bn_lrelu(x_ref[...], st_ref, jnp.float32(_BN))
    out_ref[0] = v.T


def _mlp_fin(x, stats):
    dout = x.shape[-1]
    nj = _BN // _RF
    npb = _N // _RF
    return pl.pallas_call(
        _mlp_fin_body,
        grid=(nj,),
        in_specs=[
            pl.BlockSpec((_RF, dout), lambda j: (j, 0)),
            pl.BlockSpec((8, dout), lambda j: (0, 0)),
        ],
        out_specs=pl.BlockSpec((1, dout, _RF), lambda j: (j // npb, 0, j % npb)),
        out_shape=jax.ShapeDtypeStruct((_B, dout, _N), jnp.float32),
    )(x, stats)



def _prep_w1(w, c):
    wt = jnp.zeros((128, 64), jnp.float32)
    wt = wt.at[:c, :].set(jnp.transpose(w[:, :c]))
    wt = wt.at[64:64 + c, :].set(jnp.transpose(w[:, c:]))
    return wt


def _edge_block(h_table, layers, c, want_transposed):
    idx = _knn(h_table)
    idx_t = jnp.transpose(idx[:, :, :_K].reshape(_BN, _K)).reshape(_KBN)
    table_rows = h_table.reshape(_BN, 128)
    g = _gather_rows(table_rows, idx_t)
    w1eT = _prep_w1(layers[0]['W'], c)
    if len(layers) == 2:
        stats1 = _pair_stats(g, table_rows, w1eT)
        w2T = jnp.transpose(layers[1]['W'])
        hmax, stats2 = _layer2_max(g, table_rows, w1eT, stats1, w2T)
    else:
        stats2, hmax = _stats_max(g, table_rows, w1eT)
    if want_transposed:
        return tuple(_finalize_t(hmax, stats2))
    return tuple(_finalize(hmax, stats2)) + (None,)


def kernel(x, params):
    xr = jnp.transpose(x, (0, 2, 1))
    zp = jnp.zeros((_B, _N, 61), jnp.float32)
    table0 = jnp.concatenate([xr, zp, xr, zp], axis=-1)
    blocks = params['edge']

    h1, t1, out0 = _edge_block(table0, blocks[0], 3, True)
    h2, t2, _ = _edge_block(t1.reshape(_B, _N, 128), blocks[1], 64, False)
    h3, _, _ = _edge_block(t2.reshape(_B, _N, 128), blocks[2], 64, False)

    cat = jnp.concatenate([h1, h2, h3], axis=-1)
    y1, st1 = _mlp1(cat, jnp.transpose(params['mlp'][0]['W']))
    y2, st2 = _mlp2(y1, st1, jnp.transpose(params['mlp'][1]['W']))
    out = _mlp_fin(y2, st2)
    return (out0, out)

# --- scband reference (transcript-rebuilt; emitter-appended) ---
"""Pipeline reference for scband-dgcnn-9620726743754 (READ-ONLY COPY).

The authoritative reference and input builder live on the scoring server;
editing this copy changes nothing except your own understanding.
"""

import jax, jax.numpy as jnp
import numpy as np

B, C, N, K = 4, 3, 4096, 20
EDGECONV_WIDTHS = [[64, 64], [64, 64], [64]]
MLP_WIDTHS = [512, 256]
EPS = 1e-5


def knn(x, k):
    # x: (B, C, N)
    inner = -2.0 * jnp.einsum('bcn,bcm->bnm', x, x)
    xx = jnp.sum(x ** 2, axis=1, keepdims=True)  # (B,1,N)
    pairwise_distance = -xx - inner - jnp.transpose(xx, (0, 2, 1))
    idx = jax.lax.top_k(pairwise_distance, k)[1]  # (B,N,K)
    return idx


def get_edge_feature(x, k):
    b, c, n = x.shape
    idx = knn(x, k)  # (B,N,K)
    central_feat = jnp.broadcast_to(x[:, :, :, None], (b, c, n, k))
    idx2 = jnp.broadcast_to(idx[:, None, :, :], (b, c, n, k)).reshape(b, c, n * k)
    knn_feat = jnp.take_along_axis(x, idx2, axis=2).reshape(b, c, n, k)
    edge_feat = jnp.concatenate((knn_feat - central_feat, central_feat), axis=1)
    return edge_feat


def setup_inputs(seed: int = 0):
    key = jax.random.key(seed)
    keys = list(jax.random.split(key, 64))
    ki = iter(keys)
    x = jax.random.normal(next(ki), (B, C, N), dtype=jnp.float32)
    params = {'edge': [], 'mlp': []}
    for i, widths in enumerate(EDGECONV_WIDTHS):
        in_dim = C * 2 if i == 0 else EDGECONV_WIDTHS[i - 1][-1] * 2
        block = []
        for out_dim in widths:
            W = jax.random.normal(next(ki), (out_dim, in_dim), dtype=jnp.float32) * (1.0 / np.sqrt(in_dim))
            block.append({'W': W, 'gamma': jnp.ones((out_dim,), jnp.float32), 'beta': jnp.zeros((out_dim,), jnp.float32)})
            in_dim = out_dim
        params['edge'].append(block)
    in_dim = sum(w[-1] for w in EDGECONV_WIDTHS)
    for out_dim in MLP_WIDTHS:
        W = jax.random.normal(next(ki), (out_dim, in_dim), dtype=jnp.float32) * (1.0 / np.sqrt(in_dim))
        params['mlp'].append({'W': W, 'gamma': jnp.ones((out_dim,), jnp.float32), 'beta': jnp.zeros((out_dim,), jnp.float32)})
        in_dim = out_dim
    return {'x': x, 'params': params}


def reference(x, params):
    edgeconv_outputs = []
    h = x
    for block in params['edge']:
        h = get_edge_feature(h, K)
        for layer in block:
            h = jnp.einsum('oi,bink->bonk', layer['W'], h)
            mean = jnp.mean(h, axis=(0, 2, 3), keepdims=True)
            var = jnp.var(h, axis=(0, 2, 3), keepdims=True)
            h = (h - mean) / jnp.sqrt(var + EPS)
            h = h * layer['gamma'][None, :, None, None] + layer['beta'][None, :, None, None]
            h = jnp.where(h > 0, h, 0.2 * h)
        h = jnp.max(h, axis=-1)
        edgeconv_outputs.append(h)
    out = jnp.concatenate(edgeconv_outputs, axis=1)
    for layer in params['mlp']:
        out = jnp.einsum('oi,bin->bon', layer['W'], out)
        mean = jnp.mean(out, axis=(0, 2), keepdims=True)
        var = jnp.var(out, axis=(0, 2), keepdims=True)
        out = (out - mean) / jnp.sqrt(var + EPS)
        out = out * layer['gamma'][None, :, None] + layer['beta'][None, :, None]
        out = jnp.where(out > 0, out, 0.2 * out)
    return (edgeconv_outputs[0], out)

if __name__ == "__main__":
    import jax
    _d = setup_inputs()
    print(jax.jit(kernel)(*tuple(_d.values())))

</pallas_src>

<mosaic_0001>
#map = affine_map<(d0, d1) -> (0, 0)>
#map1 = affine_map<(d0, d1) -> (0)>
module attributes {stable_mosaic.version = 14 : i64} {
  func.func @k(%arg0: i32, %arg1: i32, %arg2: memref<16384x128xf32, #tpu.memory_space<hbm>>, %arg3: memref<327680xi32, #tpu.memory_space<hbm>>, %arg4: memref<327680x128xf32, #tpu.memory_space<hbm>>, %arg5: memref<512xi32, #tpu.memory_space<vmem>>, %arg6: memref<512x128xf32, #tpu.memory_space<vmem>>, %arg7: memref<!tpu.dma_semaphore, #tpu.memory_space<semaphore_mem>>) attributes {dimension_semantics = [#tpu.dimension_semantics<core_parallel>, #tpu.dimension_semantics<subcore_parallel>], iteration_bounds = array<i64: 2, 16>, scalar_prefetch = 0 : i64, scratch_operands = 3 : i64, tpu.core_type = #tpu.core_type<sc_vector_subcore>, window_params = [{transform_indices = #map}, {transform_indices = #map1}, {transform_indices = #map}]} {
    %mul3A = arith.constant 2 : i32
    %mul3A_0 = arith.muli %arg1, %mul3A : i32
    %add3A = arith.addi %mul3A_0, %arg0 : i32
    %mul3A_1 = arith.constant 10240 : i32
    %mul3A_2 = arith.muli %add3A, %mul3A_1 : i32
    %scan3A = arith.constant 0 : i32
    %scan3A_3 = arith.constant 0 : i32
    %scan3A_4 = arith.constant 20 : i32
    %scan3A_5 = arith.addi %scan3A_3, %scan3A_4 : i32
    %scan3A_6 = arith.constant 1 : i32
    scf.for %scan3A_8 = %scan3A_3 to %scan3A_5 step %scan3A_6  : i32 {
      %mul3A_9 = arith.constant 512 : i32
      %mul3A_10 = arith.muli %scan3A_8, %mul3A_9 : i32
      %add3A_11 = arith.addi %mul3A_2, %mul3A_10 : i32
      "tpu.region"() ({
        %run_scoped3A = tpu.sem_alloc : memref<!tpu.dma_semaphore, #tpu.memory_space<semaphore_mem>>
        %dma_start3A_16 = tpu.memref_slice %arg3[%add3A_11] : memref<327680xi32, #tpu.memory_space<hbm>> -> memref<512xi32, #tpu.memory_space<hbm>>
        %dma_start3A_17 = tpu.memref_slice %arg3[%add3A_11] : memref<327680xi32, #tpu.memory_space<hbm>> -> memref<512xi32, #tpu.memory_space<hbm>>
        tpu.enqueue_dma source(%dma_start3A_17 : memref<512xi32, #tpu.memory_space<hbm>>) target(%arg5 : memref<512xi32, #tpu.memory_space<vmem>>) target_semaphore(%run_scoped3A : memref<!tpu.dma_semaphore, #tpu.memory_space<semaphore_mem>>)
        %dma_wait3A_18 = tpu.memref_slice %arg3[%add3A_11] : memref<327680xi32, #tpu.memory_space<hbm>> -> memref<512xi32, #tpu.memory_space<hbm>>
        %dma_wait3A_19 = tpu.memref_slice %arg3[%add3A_11] : memref<327680xi32, #tpu.memory_space<hbm>> -> memref<512xi32, #tpu.memory_space<hbm>>
        tpu.wait_dma2 semaphore(%run_scoped3A : memref<!tpu.dma_semaphore, #tpu.memory_space<semaphore_mem>>) src(%dma_wait3A_19 : memref<512xi32, #tpu.memory_space<hbm>>) dst(%arg5 : memref<512xi32, #tpu.memory_space<vmem>>)
        tpu.yield
      }) : () -> ()
      %dma_start3A = arith.constant 0 : i32
      %dma_start3A_12 = arith.constant 0 : i32
      %dma_start3A_13 = tpu.memref_slice %arg2[%dma_start3A, %dma_start3A_12] : memref<16384x128xf32, #tpu.memory_space<hbm>> -> memref<16384x128xf32, #tpu.memory_space<hbm>>
      tpu.enqueue_indirect_dma source(%dma_start3A_13 : memref<16384x128xf32, #tpu.memory_space<hbm>>) target(%arg6 : memref<512x128xf32, #tpu.memory_space<vmem>>) offsets(%arg5 : memref<512xi32, #tpu.memory_space<vmem>>) semaphore(%arg7 : memref<!tpu.dma_semaphore, #tpu.memory_space<semaphore_mem>>)
      %dma_wait3A = arith.constant 0 : i32
      %dma_wait3A_14 = arith.constant 0 : i32
      %dma_wait3A_15 = tpu.memref_slice %arg2[%dma_wait3A, %dma_wait3A_14] : memref<16384x128xf32, #tpu.memory_space<hbm>> -> memref<16384x128xf32, #tpu.memory_space<hbm>>
      tpu.wait_indirect_dma semaphore(%arg7 : memref<!tpu.dma_semaphore, #tpu.memory_space<semaphore_mem>>) src(%dma_wait3A_15 : memref<16384x128xf32, #tpu.memory_space<hbm>>) dst(%arg6 : memref<512x128xf32, #tpu.memory_space<vmem>>)
      "tpu.region"() ({
        %run_scoped3A = tpu.sem_alloc : memref<!tpu.dma_semaphore, #tpu.memory_space<semaphore_mem>>
        %dma_start3A_16 = arith.constant 0 : i32
        %dma_start3A_17 = tpu.memref_slice %arg4[%add3A_11, %dma_start3A_16] : memref<327680x128xf32, #tpu.memory_space<hbm>> -> memref<512x128xf32, #tpu.memory_space<hbm>>
        %dma_start3A_18 = arith.constant 0 : i32
        %dma_start3A_19 = tpu.memref_slice %arg4[%add3A_11, %dma_start3A_18] : memref<327680x128xf32, #tpu.memory_space<hbm>> -> memref<512x128xf32, #tpu.memory_space<hbm>>
        tpu.enqueue_dma source(%arg6 : memref<512x128xf32, #tpu.memory_space<vmem>>) target(%dma_start3A_19 : memref<512x128xf32, #tpu.memory_space<hbm>>) target_semaphore(%run_scoped3A : memref<!tpu.dma_semaphore, #tpu.memory_space<semaphore_mem>>)
        %dma_wait3A_20 = arith.constant 0 : i32
        %dma_wait3A_21 = tpu.memref_slice %arg4[%add3A_11, %dma_wait3A_20] : memref<327680x128xf32, #tpu.memory_space<hbm>> -> memref<512x128xf32, #tpu.memory_space<hbm>>
        %dma_wait3A_22 = arith.constant 0 : i32
        %dma_wait3A_23 = tpu.memref_slice %arg4[%add3A_11, %dma_wait3A_22] : memref<327680x128xf32, #tpu.memory_space<hbm>> -> memref<512x128xf32, #tpu.memory_space<hbm>>
        tpu.wait_dma2 semaphore(%run_scoped3A : memref<!tpu.dma_semaphore, #tpu.memory_space<semaphore_mem>>) src(%arg6 : memref<512x128xf32, #tpu.memory_space<vmem>>) dst(%dma_wait3A_23 : memref<512x128xf32, #tpu.memory_space<hbm>>)
        tpu.yield
      }) : () -> ()
    }
    %scan3A_7 = arith.constant 20 : i32
    return
  }
}

#map = affine_map<(d0, d1) -> (0, 0)>
#map1 = affine_map<(d0, d1) -> (0)>
module attributes {stable_mosaic.version = 14 : i64} {
  func.func @k(%arg0: i32, %arg1: i32, %arg2: memref<16384x128xf32, #tpu.memory_space<hbm>>, %arg3: memref<327680xi32, #tpu.memory_space<hbm>>, %arg4: memref<327680x128xf32, #tpu.memory_space<hbm>>, %arg5: memref<512xi32, #tpu.memory_space<vmem>>, %arg6: memref<512x128xf32, #tpu.memory_space<vmem>>, %arg7: memref<!tpu.dma_semaphore, #tpu.memory_space<semaphore_mem>>) attributes {dimension_semantics = [#tpu.dimension_semantics<core_parallel>, #tpu.dimension_semantics<subcore_parallel>], iteration_bounds = array<i64: 2, 16>, scalar_prefetch = 0 : i64, scratch_operands = 3 : i64, tpu.core_type = #tpu.core_type<sc_vector_subcore>, window_params = [{transform_indices = #map}, {transform_indices = #map1}, {transform_indices = #map}]} {
    %mul3A = arith.constant 2 : i32
    %mul3A_0 = arith.muli %arg1, %mul3A : i32
    %add3A = arith.addi %mul3A_0, %arg0 : i32
    %mul3A_1 = arith.constant 10240 : i32
    %mul3A_2 = arith.muli %add3A, %mul3A_1 : i32
    %scan3A = arith.constant 0 : i32
    %scan3A_3 = arith.constant 0 : i32
    %scan3A_4 = arith.constant 20 : i32
    %scan3A_5 = arith.addi %scan3A_3, %scan3A_4 : i32
    %scan3A_6 = arith.constant 1 : i32
    scf.for %scan3A_8 = %scan3A_3 to %scan3A_5 step %scan3A_6  : i32 {
      %mul3A_9 = arith.constant 512 : i32
      %mul3A_10 = arith.muli %scan3A_8, %mul3A_9 : i32
      %add3A_11 = arith.addi %mul3A_2, %mul3A_10 : i32
      "tpu.region"() ({
        %run_scoped3A = tpu.sem_alloc : memref<!tpu.dma_semaphore, #tpu.memory_space<semaphore_mem>>
        %dma_start3A_16 = tpu.memref_slice %arg3[%add3A_11] : memref<327680xi32, #tpu.memory_space<hbm>> -> memref<512xi32, #tpu.memory_space<hbm>>
        %dma_start3A_17 = tpu.memref_slice %arg3[%add3A_11] : memref<327680xi32, #tpu.memory_space<hbm>> -> memref<512xi32, #tpu.memory_space<hbm>>
        tpu.enqueue_dma source(%dma_start3A_17 : memref<512xi32, #tpu.memory_space<hbm>>) target(%arg5 : memref<512xi32, #tpu.memory_space<vmem>>) target_semaphore(%run_scoped3A : memref<!tpu.dma_semaphore, #tpu.memory_space<semaphore_mem>>)
        %dma_wait3A_18 = tpu.memref_slice %arg3[%add3A_11] : memref<327680xi32, #tpu.memory_space<hbm>> -> memref<512xi32, #tpu.memory_space<hbm>>
        %dma_wait3A_19 = tpu.memref_slice %arg3[%add3A_11] : memref<327680xi32, #tpu.memory_space<hbm>> -> memref<512xi32, #tpu.memory_space<hbm>>
        tpu.wait_dma2 semaphore(%run_scoped3A : memref<!tpu.dma_semaphore, #tpu.memory_space<semaphore_mem>>) src(%dma_wait3A_19 : memref<512xi32, #tpu.memory_space<hbm>>) dst(%arg5 : memref<512xi32, #tpu.memory_space<vmem>>)
        tpu.yield
      }) : () -> ()
      %dma_start3A = arith.constant 0 : i32
      %dma_start3A_12 = arith.constant 0 : i32
      %dma_start3A_13 = tpu.memref_slice %arg2[%dma_start3A, %dma_start3A_12] : memref<16384x128xf32, #tpu.memory_space<hbm>> -> memref<16384x128xf32, #tpu.memory_space<hbm>>
      tpu.enqueue_indirect_dma source(%dma_start3A_13 : memref<16384x128xf32, #tpu.memory_space<hbm>>) target(%arg6 : memref<512x128xf32, #tpu.memory_space<vmem>>) offsets(%arg5 : memref<512xi32, #tpu.memory_space<vmem>>) semaphore(%arg7 : memref<!tpu.dma_semaphore, #tpu.memory_space<semaphore_mem>>)
      %dma_wait3A = arith.constant 0 : i32
      %dma_wait3A_14 = arith.constant 0 : i32
      %dma_wait3A_15 = tpu.memref_slice %arg2[%dma_wait3A, %dma_wait3A_14] : memref<16384x128xf32, #tpu.memory_space<hbm>> -> memref<16384x128xf32, #tpu.memory_space<hbm>>
      tpu.wait_indirect_dma semaphore(%arg7 : memref<!tpu.dma_semaphore, #tpu.memory_space<semaphore_mem>>) src(%dma_wait3A_15 : memref<16384x128xf32, #tpu.memory_space<hbm>>) dst(%arg6 : memref<512x128xf32, #tpu.memory_space<vmem>>)
      "tpu.region"() ({
        %run_scoped3A = tpu.sem_alloc : memref<!tpu.dma_semaphore, #tpu.memory_space<semaphore_mem>>
        %dma_start3A_16 = arith.constant 0 : i32
        %dma_start3A_17 = tpu.memref_slice %arg4[%add3A_11, %dma_start3A_16] : memref<327680x128xf32, #tpu.memory_space<hbm>> -> memref<512x128xf32, #tpu.memory_space<hbm>>
        %dma_start3A_18 = arith.constant 0 : i32
        %dma_start3A_19 = tpu.memref_slice %arg4[%add3A_11, %dma_start3A_18] : memref<327680x128xf32, #tpu.memory_space<hbm>> -> memref<512x128xf32, #tpu.memory_space<hbm>>
        tpu.enqueue_dma source(%arg6 : memref<512x128xf32, #tpu.memory_space<vmem>>) target(%dma_start3A_19 : memref<512x128xf32, #tpu.memory_space<hbm>>) target_semaphore(%run_scoped3A : memref<!tpu.dma_semaphore, #tpu.memory_space<semaphore_mem>>)
        %dma_wait3A_20 = arith.constant 0 : i32
        %dma_wait3A_21 = tpu.memref_slice %arg4[%add3A_11, %dma_wait3A_20] : memref<327680x128xf32, #tpu.memory_space<hbm>> -> memref<512x128xf32, #tpu.memory_space<hbm>>
        %dma_wait3A_22 = arith.constant 0 : i32
        %dma_wait3A_23 = tpu.memref_slice %arg4[%add3A_11, %dma_wait3A_22] : memref<327680x128xf32, #tpu.memory_space<hbm>> -> memref<512x128xf32, #tpu.memory_space<hbm>>
        tpu.wait_dma2 semaphore(%run_scoped3A : memref<!tpu.dma_semaphore, #tpu.memory_space<semaphore_mem>>) src(%arg6 : memref<512x128xf32, #tpu.memory_space<vmem>>) dst(%dma_wait3A_23 : memref<512x128xf32, #tpu.memory_space<hbm>>)
        tpu.yield
      }) : () -> ()
    }
    %scan3A_7 = arith.constant 20 : i32
    return
  }
}

#map = affine_map<(d0, d1) -> (0, 0)>
#map1 = affine_map<(d0, d1) -> (0)>
module attributes {stable_mosaic.version = 14 : i64} {
  func.func @k(%arg0: i32, %arg1: i32, %arg2: memref<16384x128xf32, #tpu.memory_space<hbm>>, %arg3: memref<327680xi32, #tpu.memory_space<hbm>>, %arg4: memref<327680x128xf32, #tpu.memory_space<hbm>>, %arg5: memref<512xi32, #tpu.memory_space<vmem>>, %arg6: memref<512x128xf32, #tpu.memory_space<vmem>>, %arg7: memref<!tpu.dma_semaphore, #tpu.memory_space<semaphore_mem>>) attributes {dimension_semantics = [#tpu.dimension_semantics<core_parallel>, #tpu.dimension_semantics<subcore_parallel>], iteration_bounds = array<i64: 2, 16>, scalar_prefetch = 0 : i64, scratch_operands = 3 : i64, tpu.core_type = #tpu.core_type<sc_vector_subcore>, window_params = [{transform_indices = #map}, {transform_indices = #map1}, {transform_indices = #map}]} {
    %mul3A = arith.constant 2 : i32
    %mul3A_0 = arith.muli %arg1, %mul3A : i32
    %add3A = arith.addi %mul3A_0, %arg0 : i32
    %mul3A_1 = arith.constant 10240 : i32
    %mul3A_2 = arith.muli %add3A, %mul3A_1 : i32
    %scan3A = arith.constant 0 : i32
    %scan3A_3 = arith.constant 0 : i32
    %scan3A_4 = arith.constant 20 : i32
    %scan3A_5 = arith.addi %scan3A_3, %scan3A_4 : i32
    %scan3A_6 = arith.constant 1 : i32
    scf.for %scan3A_8 = %scan3A_3 to %scan3A_5 step %scan3A_6  : i32 {
      %mul3A_9 = arith.constant 512 : i32
      %mul3A_10 = arith.muli %scan3A_8, %mul3A_9 : i32
      %add3A_11 = arith.addi %mul3A_2, %mul3A_10 : i32
      "tpu.region"() ({
        %run_scoped3A = tpu.sem_alloc : memref<!tpu.dma_semaphore, #tpu.memory_space<semaphore_mem>>
        %dma_start3A_16 = tpu.memref_slice %arg3[%add3A_11] : memref<327680xi32, #tpu.memory_space<hbm>> -> memref<512xi32, #tpu.memory_space<hbm>>
        %dma_start3A_17 = tpu.memref_slice %arg3[%add3A_11] : memref<327680xi32, #tpu.memory_space<hbm>> -> memref<512xi32, #tpu.memory_space<hbm>>
        tpu.enqueue_dma source(%dma_start3A_17 : memref<512xi32, #tpu.memory_space<hbm>>) target(%arg5 : memref<512xi32, #tpu.memory_space<vmem>>) target_semaphore(%run_scoped3A : memref<!tpu.dma_semaphore, #tpu.memory_space<semaphore_mem>>)
        %dma_wait3A_18 = tpu.memref_slice %arg3[%add3A_11] : memref<327680xi32, #tpu.memory_space<hbm>> -> memref<512xi32, #tpu.memory_space<hbm>>
        %dma_wait3A_19 = tpu.memref_slice %arg3[%add3A_11] : memref<327680xi32, #tpu.memory_space<hbm>> -> memref<512xi32, #tpu.memory_space<hbm>>
        tpu.wait_dma2 semaphore(%run_scoped3A : memref<!tpu.dma_semaphore, #tpu.memory_space<semaphore_mem>>) src(%dma_wait3A_19 : memref<512xi32, #tpu.memory_space<hbm>>) dst(%arg5 : memref<512xi32, #tpu.memory_space<vmem>>)
        tpu.yield
      }) : () -> ()
      %dma_start3A = arith.constant 0 : i32
      %dma_start3A_12 = arith.constant 0 : i32
      %dma_start3A_13 = tpu.memref_slice %arg2[%dma_start3A, %dma_start3A_12] : memref<16384x128xf32, #tpu.memory_space<hbm>> -> memref<16384x128xf32, #tpu.memory_space<hbm>>
      tpu.enqueue_indirect_dma source(%dma_start3A_13 : memref<16384x128xf32, #tpu.memory_space<hbm>>) target(%arg6 : memref<512x128xf32, #tpu.memory_space<vmem>>) offsets(%arg5 : memref<512xi32, #tpu.memory_space<vmem>>) semaphore(%arg7 : memref<!tpu.dma_semaphore, #tpu.memory_space<semaphore_mem>>)
      %dma_wait3A = arith.constant 0 : i32
      %dma_wait3A_14 = arith.constant 0 : i32
      %dma_wait3A_15 = tpu.memref_slice %arg2[%dma_wait3A, %dma_wait3A_14] : memref<16384x128xf32, #tpu.memory_space<hbm>> -> memref<16384x128xf32, #tpu.memory_space<hbm>>
      tpu.wait_indirect_dma semaphore(%arg7 : memref<!tpu.dma_semaphore, #tpu.memory_space<semaphore_mem>>) src(%dma_wait3A_15 : memref<16384x128xf32, #tpu.memory_space<hbm>>) dst(%arg6 : memref<512x128xf32, #tpu.memory_space<vmem>>)
      "tpu.region"() ({
        %run_scoped3A = tpu.sem_alloc : memref<!tpu.dma_semaphore, #tpu.memory_space<semaphore_mem>>
        %dma_start3A_16 = arith.constant 0 : i32
        %dma_start3A_17 = tpu.memref_slice %arg4[%add3A_11, %dma_start3A_16] : memref<327680x128xf32, #tpu.memory_space<hbm>> -> memref<512x128xf32, #tpu.memory_space<hbm>>
        %dma_start3A_18 = arith.constant 0 : i32
        %dma_start3A_19 = tpu.memref_slice %arg4[%add3A_11, %dma_start3A_18] : memref<327680x128xf32, #tpu.memory_space<hbm>> -> memref<512x128xf32, #tpu.memory_space<hbm>>
        tpu.enqueue_dma source(%arg6 : memref<512x128xf32, #tpu.memory_space<vmem>>) target(%dma_start3A_19 : memref<512x128xf32, #tpu.memory_space<hbm>>) target_semaphore(%run_scoped3A : memref<!tpu.dma_semaphore, #tpu.memory_space<semaphore_mem>>)
        %dma_wait3A_20 = arith.constant 0 : i32
        %dma_wait3A_21 = tpu.memref_slice %arg4[%add3A_11, %dma_wait3A_20] : memref<327680x128xf32, #tpu.memory_space<hbm>> -> memref<512x128xf32, #tpu.memory_space<hbm>>
        %dma_wait3A_22 = arith.constant 0 : i32
        %dma_wait3A_23 = tpu.memref_slice %arg4[%add3A_11, %dma_wait3A_22] : memref<327680x128xf32, #tpu.memory_space<hbm>> -> memref<512x128xf32, #tpu.memory_space<hbm>>
        tpu.wait_dma2 semaphore(%run_scoped3A : memref<!tpu.dma_semaphore, #tpu.memory_space<semaphore_mem>>) src(%arg6 : memref<512x128xf32, #tpu.memory_space<vmem>>) dst(%dma_wait3A_23 : memref<512x128xf32, #tpu.memory_space<hbm>>)
        tpu.yield
      }) : () -> ()
    }
    %scan3A_7 = arith.constant 20 : i32
    return
  }
}

module attributes {stable_mosaic.version = 14 : i64} {
  func.func @_knn_body(%arg0: i32, %arg1: i32, %arg2: memref<1x128x128xf32, #tpu.memory_space<vmem>>, %arg3: memref<1x4096x128xf32, #tpu.memory_space<vmem>>, %arg4: memref<1x128x32xi32, #tpu.memory_space<vmem>>) attributes {dimension_semantics = [#tpu.dimension_semantics<arbitrary>, #tpu.dimension_semantics<arbitrary>], iteration_bounds = array<i64: 4, 32>, scalar_prefetch = 0 : i64, scratch_operands = 0 : i64, tpu.core_type = #tpu.core_type<tc>, window_params = [{transform_indices = @transform_0, window_bounds = array<i64: 1, 128, 128>}, {transform_indices = @transform_1, window_bounds = array<i64: 1, 4096, 128>}, {transform_indices = @transform_2, window_bounds = array<i64: 1, 128, 32>}]} {
    %get3A = arith.constant 0 : index
    %get3A_0 = arith.constant 0 : index
    %get3A_1 = arith.constant 0 : index
    %get3A_2 = vector.load %arg2[%get3A, %get3A_0, %get3A_1] : memref<1x128x128xf32, #tpu.memory_space<vmem>>, vector<1x128x128xf32>
    %get3A_3 = vector.shape_cast %get3A_2 : vector<1x128x128xf32> to vector<128x128xf32>
    %slice3A = vector.extract_strided_slice %get3A_3 {offsets = [0, 0], sizes = [128, 64], strides = [1, 1]} : vector<128x128xf32> to vector<128x64xf32>
    %get3A_4 = arith.constant 0 : index
    %get3A_5 = arith.constant 0 : index
    %get3A_6 = arith.constant 0 : index
    %get3A_7 = vector.load %arg3[%get3A_4, %get3A_5, %get3A_6] : memref<1x4096x128xf32, #tpu.memory_space<vmem>>, vector<1x4096x128xf32>
    %get3A_8 = vector.shape_cast %get3A_7 : vector<1x4096x128xf32> to vector<4096x128xf32>
    %slice3A_9 = vector.extract_strided_slice %get3A_8 {offsets = [0, 0], sizes = [4096, 64], strides = [1, 1]} : vector<4096x128xf32> to vector<4096x64xf32>
    %dot_general3A = arith.constant dense<0.000000e+00> : vector<128x4096xf32>
    %dot_general3A_10 = tpu.matmul %slice3A, %slice3A_9, %dot_general3A {dimension_numbers = #tpu.dot_dimension_numbers<[1], [1], [0], [0], [0, 0, 1, 0], [], []>, transpose_lhs_hint = false} : vector<128x64xf32>, vector<4096x64xf32>, vector<128x4096xf32> -> vector<128x4096xf32>
    %mul3A = arith.constant 2.000000e+00 : f32
    %mul3A_11 = vector.broadcast %mul3A : f32 to vector<128x4096xf32>
    %mul3A_12 = arith.mulf %mul3A_11, %dot_general3A_10 : vector<128x4096xf32>
    %mul3A_13 = arith.mulf %slice3A, %slice3A : vector<128x64xf32>
    %reduce_sum3A = arith.constant dense<0.000000e+00> : vector<128xf32>
    %reduce_sum3A_14 = vector.multi_reduction <add>, %mul3A_13, %reduce_sum3A [1] : vector<128x64xf32> to vector<128xf32>
    %broadcast_in_dim3A = vector.shape_cast %reduce_sum3A_14 : vector<128xf32> to vector<128x1xf32>
    %mul3A_15 = arith.mulf %slice3A_9, %slice3A_9 : vector<4096x64xf32>
    %reduce_sum3A_16 = arith.constant dense<0.000000e+00> : vector<4096xf32>
    %reduce_sum3A_17 = vector.multi_reduction <add>, %mul3A_15, %reduce_sum3A_16 [1] : vector<4096x64xf32> to vector<4096xf32>
    %reshape3A = vector.shape_cast %reduce_sum3A_17 : vector<4096xf32> to vector<1x4096xf32>
    %sub3A = vector.broadcast %broadcast_in_dim3A : vector<128x1xf32> to vector<128x4096xf32>
    %sub3A_18 = arith.subf %mul3A_12, %sub3A : vector<128x4096xf32>
    %sub3A_19 = vector.broadcast %reshape3A : vector<1x4096xf32> to vector<128x4096xf32>
    %sub3A_20 = arith.subf %sub3A_18, %sub3A_19 : vector<128x4096xf32>
    %reshape3A_21 = vector.shape_cast %sub3A_20 : vector<128x4096xf32> to vector<128x32x128xf32>
    %iota3A = tpu.iota {dimensions = array<i32: 1>} : vector<128x32x128xi32>
    %mul3A_22 = arith.constant 128 : i32
    %mul3A_23 = vector.broadcast %mul3A_22 : i32 to vector<128x32x128xi32>
    %mul3A_24 = arith.muli %iota3A, %mul3A_23 : vector<128x32x128xi32>
    %iota3A_25 = tpu.iota {dimensions = array<i32: 2>} : vector<128x32x128xi32>
    %add3A = arith.addi %mul3A_24, %iota3A_25 : vector<128x32x128xi32>
    %reduce_max3A = arith.constant dense<0xFF800000> : vector<128x32xf32>
    %reduce_max3A_26 = vector.multi_reduction <maximumf>, %reshape3A_21, %reduce_max3A [2] : vector<128x32x128xf32> to vector<128x32xf32>
    %broadcast_in_dim3A_27 = vector.shape_cast %reduce_max3A_26 : vector<128x32xf32> to vector<128x32x1xf32>
    %ge3A = vector.broadcast %broadcast_in_dim3A_27 : vector<128x32x1xf32> to vector<128x32x128xf32>
    %ge3A_28 = arith.cmpf oge, %reshape3A_21, %ge3A : vector<128x32x128xf32>
    %jit3A = arith.constant 4096 : i32
    %broadcast_in_dim3A_29 = vector.broadcast %jit3A : i32 to vector<128x32x128xi32>
    %select_n3A = arith.select %ge3A_28, %add3A, %broadcast_in_dim3A_29 : vector<128x32x128xi1>, vector<128x32x128xi32>
    %reduce_min3A = arith.constant dense<2147483647> : vector<128x32xi32>
    %reduce_min3A_30 = vector.multi_reduction <minsi>, %select_n3A, %reduce_min3A [2] : vector<128x32x128xi32> to vector<128x32xi32>
    %broadcast_in_dim3A_31 = vector.shape_cast %reduce_min3A_30 : vector<128x32xi32> to vector<128x32x1xi32>
    %eq3A = vector.broadcast %broadcast_in_dim3A_31 : vector<128x32x1xi32> to vector<128x32x128xi32>
    %eq3A_32 = arith.cmpi eq, %add3A, %eq3A : vector<128x32x128xi32>
    %jit3A_33 = arith.constant -3.000000e+38 : f32
    %broadcast_in_dim3A_34 = vector.broadcast %jit3A_33 : f32 to vector<128x32x128xf32>
    %select_n3A_35 = arith.select %eq3A_32, %broadcast_in_dim3A_34, %reshape3A_21 : vector<128x32x128xi1>, vector<128x32x128xf32>
    %reduce_max3A_36 = arith.constant dense<0xFF800000> : vector<128x32xf32>
    %reduce_max3A_37 = vector.multi_reduction <maximumf>, %select_n3A_35, %reduce_max3A_36 [2] : vector<128x32x128xf32> to vector<128x32xf32>
    %broadcast_in_dim3A_38 = vector.shape_cast %reduce_max3A_37 : vector<128x32xf32> to vector<128x32x1xf32>
    %ge3A_39 = vector.broadcast %broadcast_in_dim3A_38 : vector<128x32x1xf32> to vector<128x32x128xf32>
    %ge3A_40 = arith.cmpf oge, %select_n3A_35, %ge3A_39 : vector<128x32x128xf32>
    %jit3A_41 = arith.constant 4096 : i32
    %broadcast_in_dim3A_42 = vector.broadcast %jit3A_41 : i32 to vector<128x32x128xi32>
    %select_n3A_43 = arith.select %ge3A_40, %add3A, %broadcast_in_dim3A_42 : vector<128x32x128xi1>, vector<128x32x128xi32>
    %reduce_min3A_44 = arith.constant dense<2147483647> : vector<128x32xi32>
    %reduce_min3A_45 = vector.multi_reduction <minsi>, %select_n3A_43, %reduce_min3A_44 [2] : vector<128x32x128xi32> to vector<128x32xi32>
    %broadcast_in_dim3A_46 = vector.shape_cast %reduce_min3A_45 : vector<128x32xi32> to vector<128x32x1xi32>
    %eq3A_47 = vector.broadcast %broadcast_in_dim3A_46 : vector<128x32x1xi32> to vector<128x32x128xi32>
    %eq3A_48 = arith.cmpi eq, %add3A, %eq3A_47 : vector<128x32x128xi32>
    %jit3A_49 = arith.constant -3.000000e+38 : f32
    %broadcast_in_dim3A_50 = vector.broadcast %jit3A_49 : f32 to vector<128x32x128xf32>
    %select_n3A_51 = arith.select %eq3A_48, %broadcast_in_dim3A_50, %select_n3A_35 : vector<128x32x128xi1>, vector<128x32x128xf32>
    %reduce_max3A_52 = arith.constant dense<0xFF800000> : vector<128x32xf32>
    %reduce_max3A_53 = vector.multi_reduction <maximumf>, %select_n3A_51, %reduce_max3A_52 [2] : vector<128x32x128xf32> to vector<128x32xf32>
    %broadcast_in_dim3A_54 = vector.shape_cast %reduce_max3A_53 : vector<128x32xf32> to vector<128x32x1xf32>
    %ge3A_55 = vector.broadcast %broadcast_in_dim3A_54 : vector<128x32x1xf32> to vector<128x32x128xf32>
    %ge3A_56 = arith.cmpf oge, %select_n3A_51, %ge3A_55 : vector<128x32x128xf32>
    %jit3A_57 = arith.constant 4096 : i32
    %broadcast_in_dim3A_58 = vector.broadcast %jit3A_57 : i32 to vector<128x32x128xi32>
    %select_n3A_59 = arith.select %ge3A_56, %add3A, %broadcast_in_dim3A_58 : vector<128x32x128xi1>, vector<128x32x128xi32>
    %reduce_min3A_60 = arith.constant dense<2147483647> : vector<128x32xi32>
    %reduce_min3A_61 = vector.multi_reduction <minsi>, %select_n3A_59, %reduce_min3A_60 [2] : vector<128x32x128xi32> to vector<128x32xi32>
    %broadcast_in_dim3A_62 = vector.shape_cast %reduce_min3A_61 : vector<128x32xi32> to vector<128x32x1xi32>
    %eq3A_63 = vector.broadcast %broadcast_in_dim3A_62 : vector<128x32x1xi32> to vector<128x32x128xi32>
    %eq3A_64 = arith.cmpi eq, %add3A, %eq3A_63 : vector<128x32x128xi32>
    %jit3A_65 = arith.constant -3.000000e+38 : f32
    %broadcast_in_dim3A_66 = vector.broadcast %jit3A_65 : f32 to vector<128x32x128xf32>
    %select_n3A_67 = arith.select %eq3A_64, %broadcast_in_dim3A_66, %select_n3A_51 : vector<128x32x128xi1>, vector<128x32x128xf32>
    %reduce_max3A_68 = arith.constant dense<0xFF800000> : vector<128x32xf32>
    %reduce_max3A_69 = vector.multi_reduction <maximumf>, %select_n3A_67, %reduce_max3A_68 [2] : vector<128x32x128xf32> to vector<128x32xf32>
    %broadcast_in_dim3A_70 = vector.shape_cast %reduce_max3A_69 : vector<128x32xf32> to vector<128x32x1xf32>
    %ge3A_71 = vector.broadcast %broadcast_in_dim3A_70 : vector<128x32x1xf32> to vector<128x32x128xf32>
    %ge3A_72 = arith.cmpf oge, %select_n3A_67, %ge3A_71 : vector<128x32x128xf32>
    %jit3A_73 = arith.constant 4096 : i32
    %broadcast_in_dim3A_74 = vector.broadcast %jit3A_73 : i32 to vector<128x32x128xi32>
    %select_n3A_75 = arith.select %ge3A_72, %add3A, %broadcast_in_dim3A_74 : vector<128x32x128xi1>, vector<128x32x128xi32>
    %reduce_min3A_76 = arith.constant dense<2147483647> : vector<128x32xi32>
    %reduce_min3A_77 = vector.multi_reduction <minsi>, %select_n3A_75, %reduce_min3A_76 [2] : vector<128x32x128xi32> to vector<128x32xi32>
    %broadcast_in_dim3A_78 = vector.shape_cast %reduce_min3A_77 : vector<128x32xi32> to vector<128x32x1xi32>
    %eq3A_79 = vector.broadcast %broadcast_in_dim3A_78 : vector<128x32x1xi32> to vector<128x32x128xi32>
    %eq3A_80 = arith.cmpi eq, %add3A, %eq3A_79 : vector<128x32x128xi32>
    %jit3A_81 = arith.constant -3.000000e+38 : f32
    %broadcast_in_dim3A_82 = vector.broadcast %jit3A_81 : f32 to vector<128x32x128xf32>
    %select_n3A_83 = arith.select %eq3A_80, %broadcast_in_dim3A_82, %select_n3A_67 : vector<128x32x128xi1>, vector<128x32x128xf32>
    %reduce_max3A_84 = arith.constant dense<0xFF800000> : vector<128x32xf32>
    %reduce_max3A_85 = vector.multi_reduction <maximumf>, %select_n3A_83, %reduce_max3A_84 [2] : vector<128x32x128xf32> to vector<128x32xf32>
    %broadcast_in_dim3A_86 = vector.shape_cast %reduce_max3A_85 : vector<128x32xf32> to vector<128x32x1xf32>
    %ge3A_87 = vector.broadcast %broadcast_in_dim3A_86 : vector<128x32x1xf32> to vector<128x32x128xf32>
    %ge3A_88 = arith.cmpf oge, %select_n3A_83, %ge3A_87 : vector<128x32x128xf32>
    %jit3A_89 = arith.constant 4096 : i32
    %broadcast_in_dim3A_90 = vector.broadcast %jit3A_89 : i32 to vector<128x32x128xi32>
    %select_n3A_91 = arith.select %ge3A_88, %add3A, %broadcast_in_dim3A_90 : vector<128x32x128xi1>, vector<128x32x128xi32>
    %reduce_min3A_92 = arith.constant dense<2147483647> : vector<128x32xi32>
    %reduce_min3A_93 = vector.multi_reduction <minsi>, %select_n3A_91, %reduce_min3A_92 [2] : vector<128x32x128xi32> to vector<128x32xi32>
    %broadcast_in_dim3A_94 = vector.shape_cast %reduce_min3A_93 : vector<128x32xi32> to vector<128x32x1xi32>
    %eq3A_95 = vector.broadcast %broadcast_in_dim3A_94 : vector<128x32x1xi32> to vector<128x32x128xi32>
    %eq3A_96 = arith.cmpi eq, %add3A, %eq3A_95 : vector<128x32x128xi32>
    %jit3A_97 = arith.constant -3.000000e+38 : f32
    %broadcast_in_dim3A_98 = vector.broadcast %jit3A_97 : f32 to vector<128x32x128xf32>
    %select_n3A_99 = arith.select %eq3A_96, %broadcast_in_dim3A_98, %select_n3A_83 : vector<128x32x128xi1>, vector<128x32x128xf32>
    %reduce_max3A_100 = arith.constant dense<0xFF800000> : vector<128x32xf32>
    %reduce_max3A_101 = vector.multi_reduction <maximumf>, %select_n3A_99, %reduce_max3A_100 [2] : vector<128x32x128xf32> to vector<128x32xf32>
    %broadcast_in_dim3A_102 = vector.shape_cast %reduce_max3A_101 : vector<128x32xf32> to vector<128x32x1xf32>
    %ge3A_103 = vector.broadcast %broadcast_in_dim3A_102 : vector<128x32x1xf32> to vector<128x32x128xf32>
    %ge3A_104 = arith.cmpf oge, %select_n3A_99, %ge3A_103 : vector<128x32x128xf32>
    %jit3A_105 = arith.constant 4096 : i32
    %broadcast_in_dim3A_106 = vector.broadcast %jit3A_105 : i32 to vector<128x32x128xi32>
    %select_n3A_107 = arith.select %ge3A_104, %add3A, %broadcast_in_dim3A_106 : vector<128x32x128xi1>, vector<128x32x128xi32>
    %reduce_min3A_108 = arith.constant dense<2147483647> : vector<128x32xi32>
    %reduce_min3A_109 = vector.multi_reduction <minsi>, %select_n3A_107, %reduce_min3A_108 [2] : vector<128x32x128xi32> to vector<128x32xi32>
    %broadcast_in_dim3A_110 = vector.shape_cast %reduce_min3A_109 : vector<128x32xi32> to vector<128x32x1xi32>
    %eq3A_111 = vector.broadcast %broadcast_in_dim3A_110 : vector<128x32x1xi32> to vector<128x32x128xi32>
    %eq3A_112 = arith.cmpi eq, %add3A, %eq3A_111 : vector<128x32x128xi32>
    %jit3A_113 = arith.constant -3.000000e+38 : f32
    %broadcast_in_dim3A_114 = vector.broadcast %jit3A_113 : f32 to vector<128x32x128xf32>
    %select_n3A_115 = arith.select %eq3A_112, %broadcast_in_dim3A_114, %select_n3A_99 : vector<128x32x128xi1>, vector<128x32x128xf32>
    %reduce_max3A_116 = arith.constant dense<0xFF800000> : vector<128x32xf32>
    %reduce_max3A_117 = vector.multi_reduction <maximumf>, %select_n3A_115, %reduce_max3A_116 [2] : vector<128x32x128xf32> to vector<128x32xf32>
    %broadcast_in_dim3A_118 = vector.shape_cast %reduce_max3A_117 : vector<128x32xf32> to vector<128x32x1xf32>
    %ge3A_119 = vector.broadcast %broadcast_in_dim3A_118 : vector<128x32x1xf32> to vector<128x32x128xf32>
    %ge3A_120 = arith.cmpf oge, %select_n3A_115, %ge3A_119 : vector<128x32x128xf32>
    %jit3A_121 = arith.constant 4096 : i32
    %broadcast_in_dim3A_122 = vector.broadcast %jit3A_121 : i32 to vector<128x32x128xi32>
    %select_n3A_123 = arith.select %ge3A_120, %add3A, %broadcast_in_dim3A_122 : vector<128x32x128xi1>, vector<128x32x128xi32>
    %reduce_min3A_124 = arith.constant dense<2147483647> : vector<128x32xi32>
    %reduce_min3A_125 = vector.multi_reduction <minsi>, %select_n3A_123, %reduce_min3A_124 [2] : vector<128x32x128xi32> to vector<128x32xi32>
    %broadcast_in_dim3A_126 = vector.shape_cast %reduce_min3A_125 : vector<128x32xi32> to vector<128x32x1xi32>
    %eq3A_127 = vector.broadcast %broadcast_in_dim3A_126 : vector<128x32x1xi32> to vector<128x32x128xi32>
    %eq3A_128 = arith.cmpi eq, %add3A, %eq3A_127 : vector<128x32x128xi32>
    %jit3A_129 = arith.constant -3.000000e+38 : f32
    %broadcast_in_dim3A_130 = vector.broadcast %jit3A_129 : f32 to vector<128x32x128xf32>
    %select_n3A_131 = arith.select %eq3A_128, %broadcast_in_dim3A_130, %select_n3A_115 : vector<128x32x128xi1>, vector<128x32x128xf32>
    %reduce_max3A_132 = arith.constant dense<0xFF800000> : vector<128x32xf32>
    %reduce_max3A_133 = vector.multi_reduction <maximumf>, %select_n3A_131, %reduce_max3A_132 [2] : vector<128x32x128xf32> to vector<128x32xf32>
    %broadcast_in_dim3A_134 = vector.shape_cast %reduce_max3A_133 : vector<128x32xf32> to vector<128x32x1xf32>
    %ge3A_135 = vector.broadcast %broadcast_in_dim3A_134 : vector<128x32x1xf32> to vector<128x32x128xf32>
    %ge3A_136 = arith.cmpf oge, %select_n3A_131, %ge3A_135 : vector<128x32x128xf32>
    %jit3A_137 = arith.constant 4096 : i32
    %broadcast_in_dim3A_138 = vector.broadcast %jit3A_137 : i32 to vector<128x32x128xi32>
    %select_n3A_139 = arith.select %ge3A_136, %add3A, %broadcast_in_dim3A_138 : vector<128x32x128xi1>, vector<128x32x128xi32>
    %reduce_min3A_140 = arith.constant dense<2147483647> : vector<128x32xi32>
    %reduce_min3A_141 = vector.multi_reduction <minsi>, %select_n3A_139, %reduce_min3A_140 [2] : vector<128x32x128xi32> to vector<128x32xi32>
    %concatenate3A = tpu.concatenate %reduce_max3A_26, %reduce_max3A_37, %reduce_max3A_53, %reduce_max3A_69, %reduce_max3A_85, %reduce_max3A_101, %reduce_max3A_117, %reduce_max3A_133 in 1 : vector<128x32xf32>, vector<128x32xf32>, vector<128x32xf32>, vector<128x32xf32>, vector<128x32xf32>, vector<128x32xf32>, vector<128x32xf32>, vector<128x32xf32> -> vector<128x256xf32>
    %concatenate3A_142 = tpu.concatenate %reduce_min3A_30, %reduce_min3A_45, %reduce_min3A_61, %reduce_min3A_77, %reduce_min3A_93, %reduce_min3A_109, %reduce_min3A_125, %reduce_min3A_141 in 1 : vector<128x32xi32>, vector<128x32xi32>, vector<128x32xi32>, vector<128x32xi32>, vector<128x32xi32>, vector<128x32xi32>, vector<128x32xi32>, vector<128x32xi32> -> vector<128x256xi32>
    %iota3A_143 = tpu.iota {dimensions = array<i32: 1>} : vector<128x32xi32>
    %mul3A_144 = arith.constant 4096 : i32
    %mul3A_145 = arith.muli %arg0, %mul3A_144 : i32
    %broadcast_in_dim3A_146 = arith.constant 0 : i32
    %broadcast_in_dim3A_147 = vector.broadcast %broadcast_in_dim3A_146 : i32 to vector<128x32xi32>
    %reduce_max3A_148 = arith.constant dense<0xFF800000> : vector<128xf32>
    %reduce_max3A_149 = vector.multi_reduction <maximumf>, %concatenate3A, %reduce_max3A_148 [1] : vector<128x256xf32> to vector<128xf32>
    %broadcast_in_dim3A_150 = vector.shape_cast %reduce_max3A_149 : vector<128xf32> to vector<128x1xf32>
    %ge3A_151 = vector.broadcast %broadcast_in_dim3A_150 : vector<128x1xf32> to vector<128x256xf32>
    %ge3A_152 = arith.cmpf oge, %concatenate3A, %ge3A_151 : vector<128x256xf32>
    %jit3A_153 = arith.constant 4096 : i32
    %broadcast_in_dim3A_154 = vector.broadcast %jit3A_153 : i32 to vector<128x256xi32>
    %select_n3A_155 = arith.select %ge3A_152, %concatenate3A_142, %broadcast_in_dim3A_154 : vector<128x256xi1>, vector<128x256xi32>
    %reduce_min3A_156 = arith.constant dense<2147483647> : vector<128xi32>
    %reduce_min3A_157 = vector.multi_reduction <minsi>, %select_n3A_155, %reduce_min3A_156 [1] : vector<128x256xi32> to vector<128xi32>
    %broadcast_in_dim3A_158 = vector.shape_cast %reduce_min3A_157 : vector<128xi32> to vector<128x1xi32>
    %eq3A_159 = arith.constant 0 : i32
    %eq3A_160 = vector.broadcast %eq3A_159 : i32 to vector<128x32xi32>
    %eq3A_161 = arith.cmpi eq, %iota3A_143, %eq3A_160 : vector<128x32xi32>
    %add3A_162 = vector.broadcast %mul3A_145 : i32 to vector<128x1xi32>
    %add3A_163 = arith.addi %broadcast_in_dim3A_158, %add3A_162 : vector<128x1xi32>
    %broadcast_in_dim3A_164 = vector.shape_cast %add3A_163 : vector<128x1xi32> to vector<128x1xi32>
    %broadcast_in_dim3A_165 = vector.broadcast %broadcast_in_dim3A_164 : vector<128x1xi32> to vector<128x32xi32>
    %select_n3A_166 = arith.select %eq3A_161, %broadcast_in_dim3A_165, %broadcast_in_dim3A_147 : vector<128x32xi1>, vector<128x32xi32>
    %eq3A_167 = vector.broadcast %broadcast_in_dim3A_158 : vector<128x1xi32> to vector<128x256xi32>
    %eq3A_168 = arith.cmpi eq, %concatenate3A_142, %eq3A_167 : vector<128x256xi32>
    %jit3A_169 = arith.constant -3.000000e+38 : f32
    %broadcast_in_dim3A_170 = vector.broadcast %jit3A_169 : f32 to vector<128x256xf32>
    %select_n3A_171 = arith.select %eq3A_168, %broadcast_in_dim3A_170, %concatenate3A : vector<128x256xi1>, vector<128x256xf32>
    %reduce_max3A_172 = arith.constant dense<0xFF800000> : vector<128xf32>
    %reduce_max3A_173 = vector.multi_reduction <maximumf>, %select_n3A_171, %reduce_max3A_172 [1] : vector<128x256xf32> to vector<128xf32>
    %broadcast_in_dim3A_174 = vector.shape_cast %reduce_max3A_173 : vector<128xf32> to vector<128x1xf32>
    %ge3A_175 = vector.broadcast %broadcast_in_dim3A_174 : vector<128x1xf32> to vector<128x256xf32>
    %ge3A_176 = arith.cmpf oge, %select_n3A_171, %ge3A_175 : vector<128x256xf32>
    %jit3A_177 = arith.constant 4096 : i32
    %broadcast_in_dim3A_178 = vector.broadcast %jit3A_177 : i32 to vector<128x256xi32>
    %select_n3A_179 = arith.select %ge3A_176, %concatenate3A_142, %broadcast_in_dim3A_178 : vector<128x256xi1>, vector<128x256xi32>
    %reduce_min3A_180 = arith.constant dense<2147483647> : vector<128xi32>
    %reduce_min3A_181 = vector.multi_reduction <minsi>, %select_n3A_179, %reduce_min3A_180 [1] : vector<128x256xi32> to vector<128xi32>
    %broadcast_in_dim3A_182 = vector.shape_cast %reduce_min3A_181 : vector<128xi32> to vector<128x1xi32>
    %eq3A_183 = arith.constant 1 : i32
    %eq3A_184 = vector.broadcast %eq3A_183 : i32 to vector<128x32xi32>
    %eq3A_185 = arith.cmpi eq, %iota3A_143, %eq3A_184 : vector<128x32xi32>
    %add3A_186 = vector.broadcast %mul3A_145 : i32 to vector<128x1xi32>
    %add3A_187 = arith.addi %broadcast_in_dim3A_182, %add3A_186 : vector<128x1xi32>
    %broadcast_in_dim3A_188 = vector.shape_cast %add3A_187 : vector<128x1xi32> to vector<128x1xi32>
    %broadcast_in_dim3A_189 = vector.broadcast %broadcast_in_dim3A_188 : vector<128x1xi32> to vector<128x32xi32>
    %select_n3A_190 = arith.select %eq3A_185, %broadcast_in_dim3A_189, %select_n3A_166 : vector<128x32xi1>, vector<128x32xi32>
    %eq3A_191 = vector.broadcast %broadcast_in_dim3A_182 : vector<128x1xi32> to vector<128x256xi32>
    %eq3A_192 = arith.cmpi eq, %concatenate3A_142, %eq3A_191 : vector<128x256xi32>
    %jit3A_193 = arith.constant -3.000000e+38 : f32
    %broadcast_in_dim3A_194 = vector.broadcast %jit3A_193 : f32 to vector<128x256xf32>
    %select_n3A_195 = arith.select %eq3A_192, %broadcast_in_dim3A_194, %select_n3A_171 : vector<128x256xi1>, vector<128x256xf32>
    %reduce_max3A_196 = arith.constant dense<0xFF800000> : vector<128xf32>
    %reduce_max3A_197 = vector.multi_reduction <maximumf>, %select_n3A_195, %reduce_max3A_196 [1] : vector<128x256xf32> to vector<128xf32>
    %broadcast_in_dim3A_198 = vector.shape_cast %reduce_max3A_197 : vector<128xf32> to vector<128x1xf32>
    %ge3A_199 = vector.broadcast %broadcast_in_dim3A_198 : vector<128x1xf32> to vector<128x256xf32>
    %ge3A_200 = arith.cmpf oge, %select_n3A_195, %ge3A_199 : vector<128x256xf32>
    %jit3A_201 = arith.constant 4096 : i32
    %broadcast_in_dim3A_202 = vector.broadcast %jit3A_201 : i32 to vector<128x256xi32>
    %select_n3A_203 = arith.select %ge3A_200, %concatenate3A_142, %broadcast_in_dim3A_202 : vector<128x256xi1>, vector<128x256xi32>
    %reduce_min3A_204 = arith.constant dense<2147483647> : vector<128xi32>
    %reduce_min3A_205 = vector.multi_reduction <minsi>, %select_n3A_203, %reduce_min3A_204 [1] : vector<128x256xi32> to vector<128xi32>
    %broadcast_in_dim3A_206 = vector.shape_cast %reduce_min3A_205 : vector<128xi32> to vector<128x1xi32>
    %eq3A_207 = arith.constant 2 : i32
    %eq3A_208 = vector.broadcast %eq3A_207 : i32 to vector<128x32xi32>
    %eq3A_209 = arith.cmpi eq, %iota3A_143, %eq3A_208 : vector<128x32xi32>
    %add3A_210 = vector.broadcast %mul3A_145 : i32 to vector<128x1xi32>
    %add3A_211 = arith.addi %broadcast_in_dim3A_206, %add3A_210 : vector<128x1xi32>
    %broadcast_in_dim3A_212 = vector.shape_cast %add3A_211 : vector<128x1xi32> to vector<128x1xi32>
    %broadcast_in_dim3A_213 = vector.broadcast %broadcast_in_dim3A_212 : vector<128x1xi32> to vector<128x32xi32>
    %select_n3A_214 = arith.select %eq3A_209, %broadcast_in_dim3A_213, %select_n3A_190 : vector<128x32xi1>, vector<128x32xi32>
    %eq3A_215 = vector.broadcast %broadcast_in_dim3A_206 : vector<128x1xi32> to vector<128x256xi32>
    %eq3A_216 = arith.cmpi eq, %concatenate3A_142, %eq3A_215 : vector<128x256xi32>
    %jit3A_217 = arith.constant -3.000000e+38 : f32
    %broadcast_in_dim3A_218 = vector.broadcast %jit3A_217 : f32 to vector<128x256xf32>
    %select_n3A_219 = arith.select %eq3A_216, %broadcast_in_dim3A_218, %select_n3A_195 : vector<128x256xi1>, vector<128x256xf32>
    %reduce_max3A_220 = arith.constant dense<0xFF800000> : vector<128xf32>
    %reduce_max3A_221 = vector.multi_reduction <maximumf>, %select_n3A_219, %reduce_max3A_220 [1] : vector<128x256xf32> to vector<128xf32>
    %broadcast_in_dim3A_222 = vector.shape_cast %reduce_max3A_221 : vector<128xf32> to vector<128x1xf32>
    %ge3A_223 = vector.broadcast %broadcast_in_dim3A_222 : vector<128x1xf32> to vector<128x256xf32>
    %ge3A_224 = arith.cmpf oge, %select_n3A_219, %ge3A_223 : vector<128x256xf32>
    %jit3A_225 = arith.constant 4096 : i32
    %broadcast_in_dim3A_226 = vector.broadcast %jit3A_225 : i32 to vector<128x256xi32>
    %select_n3A_227 = arith.select %ge3A_224, %concatenate3A_142, %broadcast_in_dim3A_226 : vector<128x256xi1>, vector<128x256xi32>
    %reduce_min3A_228 = arith.constant dense<2147483647> : vector<128xi32>
    %reduce_min3A_229 = vector.multi_reduction <minsi>, %select_n3A_227, %reduce_min3A_228 [1] : vector<128x256xi32> to vector<128xi32>
    %broadcast_in_dim3A_230 = vector.shape_cast %reduce_min3A_229 : vector<128xi32> to vector<128x1xi32>
    %eq3A_231 = arith.constant 3 : i32
    %eq3A_232 = vector.broadcast %eq3A_231 : i32 to vector<128x32xi32>
    %eq3A_233 = arith.cmpi eq, %iota3A_143, %eq3A_232 : vector<128x32xi32>
    %add3A_234 = vector.broadcast %mul3A_145 : i32 to vector<128x1xi32>
    %add3A_235 = arith.addi %broadcast_in_dim3A_230, %add3A_234 : vector<128x1xi32>
    %broadcast_in_dim3A_236 = vector.shape_cast %add3A_235 : vector<128x1xi32> to vector<128x1xi32>
    %broadcast_in_dim3A_237 = vector.broadcast %broadcast_in_dim3A_236 : vector<128x1xi32> to vector<128x32xi32>
    %select_n3A_238 = arith.select %eq3A_233, %broadcast_in_dim3A_237, %select_n3A_214 : vector<128x32xi1>, vector<128x32xi32>
    %eq3A_239 = vector.broadcast %broadcast_in_dim3A_230 : vector<128x1xi32> to vector<128x256xi32>
    %eq3A_240 = arith.cmpi eq, %concatenate3A_142, %eq3A_239 : vector<128x256xi32>
    %jit3A_241 = arith.constant -3.000000e+38 : f32
    %broadcast_in_dim3A_242 = vector.broadcast %jit3A_241 : f32 to vector<128x256xf32>
    %select_n3A_243 = arith.select %eq3A_240, %broadcast_in_dim3A_242, %select_n3A_219 : vector<128x256xi1>, vector<128x256xf32>
    %reduce_max3A_244 = arith.constant dense<0xFF800000> : vector<128xf32>
    %reduce_max3A_245 = vector.multi_reduction <maximumf>, %select_n3A_243, %reduce_max3A_244 [1] : vector<128x256xf32> to vector<128xf32>
    %broadcast_in_dim3A_246 = vector.shape_cast %reduce_max3A_245 : vector<128xf32> to vector<128x1xf32>
    %ge3A_247 = vector.broadcast %broadcast_in_dim3A_246 : vector<128x1xf32> to vector<128x256xf32>
    %ge3A_248 = arith.cmpf oge, %select_n3A_243, %ge3A_247 : vector<128x256xf32>
    %jit3A_249 = arith.constant 4096 : i32
    %broadcast_in_dim3A_250 = vector.broadcast %jit3A_249 : i32 to vector<128x256xi32>
    %select_n3A_251 = arith.select %ge3A_248, %concatenate3A_142, %broadcast_in_dim3A_250 : vector<128x256xi1>, vector<128x256xi32>
    %reduce_min3A_252 = arith.constant dense<2147483647> : vector<128xi32>
    %reduce_min3A_253 = vector.multi_reduction <minsi>, %select_n3A_251, %reduce_min3A_252 [1] : vector<128x256xi32> to vector<128xi32>
    %broadcast_in_dim3A_254 = vector.shape_cast %reduce_min3A_253 : vector<128xi32> to vector<128x1xi32>
    %eq3A_255 = arith.constant 4 : i32
    %eq3A_256 = vector.broadcast %eq3A_255 : i32 to vector<128x32xi32>
    %eq3A_257 = arith.cmpi eq, %iota3A_143, %eq3A_256 : vector<128x32xi32>
    %add3A_258 = vector.broadcast %mul3A_145 : i32 to vector<128x1xi32>
    %add3A_259 = arith.addi %broadcast_in_dim3A_254, %add3A_258 : vector<128x1xi32>
    %broadcast_in_dim3A_260 = vector.shape_cast %add3A_259 : vector<128x1xi32> to vector<128x1xi32>
    %broadcast_in_dim3A_261 = vector.broadcast %broadcast_in_dim3A_260 : vector<128x1xi32> to vector<128x32xi32>
    %select_n3A_262 = arith.select %eq3A_257, %broadcast_in_dim3A_261, %select_n3A_238 : vector<128x32xi1>, vector<128x32xi32>
    %eq3A_263 = vector.broadcast %broadcast_in_dim3A_254 : vector<128x1xi32> to vector<128x256xi32>
    %eq3A_264 = arith.cmpi eq, %concatenate3A_142, %eq3A_263 : vector<128x256xi32>
    %jit3A_265 = arith.constant -3.000000e+38 : f32
    %broadcast_in_dim3A_266 = vector.broadcast %jit3A_265 : f32 to vector<128x256xf32>
    %select_n3A_267 = arith.select %eq3A_264, %broadcast_in_dim3A_266, %select_n3A_243 : vector<128x256xi1>, vector<128x256xf32>
    %reduce_max3A_268 = arith.constant dense<0xFF800000> : vector<128xf32>
    %reduce_max3A_269 = vector.multi_reduction <maximumf>, %select_n3A_267, %reduce_max3A_268 [1] : vector<128x256xf32> to vector<128xf32>
    %broadcast_in_dim3A_270 = vector.shape_cast %reduce_max3A_269 : vector<128xf32> to vector<128x1xf32>
    %ge3A_271 = vector.broadcast %broadcast_in_dim3A_270 : vector<128x1xf32> to vector<128x256xf32>
    %ge3A_272 = arith.cmpf oge, %select_n3A_267, %ge3A_271 : vector<128x256xf32>
    %jit3A_273 = arith.constant 4096 : i32
    %broadcast_in_dim3A_274 = vector.broadcast %jit3A_273 : i32 to vector<128x256xi32>
    %select_n3A_275 = arith.select %ge3A_272, %concatenate3A_142, %broadcast_in_dim3A_274 : vector<128x256xi1>, vector<128x256xi32>
    %reduce_min3A_276 = arith.constant dense<2147483647> : vector<128xi32>
    %reduce_min3A_277 = vector.multi_reduction <minsi>, %select_n3A_275, %reduce_min3A_276 [1] : vector<128x256xi32> to vector<128xi32>
    %broadcast_in_dim3A_278 = vector.shape_cast %reduce_min3A_277 : vector<128xi32> to vector<128x1xi32>
    %eq3A_279 = arith.constant 5 : i32
    %eq3A_280 = vector.broadcast %eq3A_279 : i32 to vector<128x32xi32>
    %eq3A_281 = arith.cmpi eq, %iota3A_143, %eq3A_280 : vector<128x32xi32>
    %add3A_282 = vector.broadcast %mul3A_145 : i32 to vector<128x1xi32>
    %add3A_283 = arith.addi %broadcast_in_dim3A_278, %add3A_282 : vector<128x1xi32>
    %broadcast_in_dim3A_284 = vector.shape_cast %add3A_283 : vector<128x1xi32> to vector<128x1xi32>
    %broadcast_in_dim3A_285 = vector.broadcast %broadcast_in_dim3A_284 : vector<128x1xi32> to vector<128x32xi32>
    %select_n3A_286 = arith.select %eq3A_281, %broadcast_in_dim3A_285, %select_n3A_262 : vector<128x32xi1>, vector<128x32xi32>
    %eq3A_287 = vector.broadcast %broadcast_in_dim3A_278 : vector<128x1xi32> to vector<128x256xi32>
    %eq3A_288 = arith.cmpi eq, %concatenate3A_142, %eq3A_287 : vector<128x256xi32>
    %jit3A_289 = arith.constant -3.000000e+38 : f32
    %broadcast_in_dim3A_290 = vector.broadcast %jit3A_289 : f32 to vector<128x256xf32>
    %select_n3A_291 = arith.select %eq3A_288, %broadcast_in_dim3A_290, %select_n3A_267 : vector<128x256xi1>, vector<128x256xf32>
    %reduce_max3A_292 = arith.constant dense<0xFF800000> : vector<128xf32>
    %reduce_max3A_293 = vector.multi_reduction <maximumf>, %select_n3A_291, %reduce_max3A_292 [1] : vector<128x256xf32> to vector<128xf32>
    %broadcast_in_dim3A_294 = vector.shape_cast %reduce_max3A_293 : vector<128xf32> to vector<128x1xf32>
    %ge3A_295 = vector.broadcast %broadcast_in_dim3A_294 : vector<128x1xf32> to vector<128x256xf32>
    %ge3A_296 = arith.cmpf oge, %select_n3A_291, %ge3A_295 : vector<128x256xf32>
    %jit3A_297 = arith.constant 4096 : i32
    %broadcast_in_dim3A_298 = vector.broadcast %jit3A_297 : i32 to vector<128x256xi32>
    %select_n3A_299 = arith.select %ge3A_296, %concatenate3A_142, %broadcast_in_dim3A_298 : vector<128x256xi1>, vector<128x256xi32>
    %reduce_min3A_300 = arith.constant dense<2147483647> : vector<128xi32>
    %reduce_min3A_301 = vector.multi_reduction <minsi>, %select_n3A_299, %reduce_min3A_300 [1] : vector<128x256xi32> to vector<128xi32>
    %broadcast_in_dim3A_302 = vector.shape_cast %reduce_min3A_301 : vector<128xi32> to vector<128x1xi32>
    %eq3A_303 = arith.constant 6 : i32
    %eq3A_304 = vector.broadcast %eq3A_303 : i32 to vector<128x32xi32>
    %eq3A_305 = arith.cmpi eq, %iota3A_143, %eq3A_304 : vector<128x32xi32>
    %add3A_306 = vector.broadcast %mul3A_145 : i32 to vector<128x1xi32>
    %add3A_307 = arith.addi %broadcast_in_dim3A_302, %add3A_306 : vector<128x1xi32>
    %broadcast_in_dim3A_308 = vector.shape_cast %add3A_307 : vector<128x1xi32> to vector<128x1xi32>
    %broadcast_in_dim3A_309 = vector.broadcast %broadcast_in_dim3A_308 : vector<128x1xi32> to vector<128x32xi32>
    %select_n3A_310 = arith.select %eq3A_305, %broadcast_in_dim3A_309, %select_n3A_286 : vector<128x32xi1>, vector<128x32xi32>
    %eq3A_311 = vector.broadcast %broadcast_in_dim3A_302 : vector<128x1xi32> to vector<128x256xi32>
    %eq3A_312 = arith.cmpi eq, %concatenate3A_142, %eq3A_311 : vector<128x256xi32>
    %jit3A_313 = arith.constant -3.000000e+38 : f32
    %broadcast_in_dim3A_314 = vector.broadcast %jit3A_313 : f32 to vector<128x256xf32>
    %select_n3A_315 = arith.select %eq3A_312, %broadcast_in_dim3A_314, %select_n3A_291 : vector<128x256xi1>, vector<128x256xf32>
    %reduce_max3A_316 = arith.constant dense<0xFF800000> : vector<128xf32>
    %reduce_max3A_317 = vector.multi_reduction <maximumf>, %select_n3A_315, %reduce_max3A_316 [1] : vector<128x256xf32> to vector<128xf32>
    %broadcast_in_dim3A_318 = vector.shape_cast %reduce_max3A_317 : vector<128xf32> to vector<128x1xf32>
    %ge3A_319 = vector.broadcast %broadcast_in_dim3A_318 : vector<128x1xf32> to vector<128x256xf32>
    %ge3A_320 = arith.cmpf oge, %select_n3A_315, %ge3A_319 : vector<128x256xf32>
    %jit3A_321 = arith.constant 4096 : i32
    %broadcast_in_dim3A_322 = vector.broadcast %jit3A_321 : i32 to vector<128x256xi32>
    %select_n3A_323 = arith.select %ge3A_320, %concatenate3A_142, %broadcast_in_dim3A_322 : vector<128x256xi1>, vector<128x256xi32>
    %reduce_min3A_324 = arith.constant dense<2147483647> : vector<128xi32>
    %reduce_min3A_325 = vector.multi_reduction <minsi>, %select_n3A_323, %reduce_min3A_324 [1] : vector<128x256xi32> to vector<128xi32>
    %broadcast_in_dim3A_326 = vector.shape_cast %reduce_min3A_325 : vector<128xi32> to vector<128x1xi32>
    %eq3A_327 = arith.constant 7 : i32
    %eq3A_328 = vector.broadcast %eq3A_327 : i32 to vector<128x32xi32>
    %eq3A_329 = arith.cmpi eq, %iota3A_143, %eq3A_328 : vector<128x32xi32>
    %add3A_330 = vector.broadcast %mul3A_145 : i32 to vector<128x1xi32>
    %add3A_331 = arith.addi %broadcast_in_dim3A_326, %add3A_330 : vector<128x1xi32>
    %broadcast_in_dim3A_332 = vector.shape_cast %add3A_331 : vector<128x1xi32> to vector<128x1xi32>
    %broadcast_in_dim3A_333 = vector.broadcast %broadcast_in_dim3A_332 : vector<128x1xi32> to vector<128x32xi32>
    %select_n3A_334 = arith.select %eq3A_329, %broadcast_in_dim3A_333, %select_n3A_310 : vector<128x32xi1>, vector<128x32xi32>
    %eq3A_335 = vector.broadcast %broadcast_in_dim3A_326 : vector<128x1xi32> to vector<128x256xi32>
    %eq3A_336 = arith.cmpi eq, %concatenate3A_142, %eq3A_335 : vector<128x256xi32>
    %jit3A_337 = arith.constant -3.000000e+38 : f32
    %broadcast_in_dim3A_338 = vector.broadcast %jit3A_337 : f32 to vector<128x256xf32>
    %select_n3A_339 = arith.select %eq3A_336, %broadcast_in_dim3A_338, %select_n3A_315 : vector<128x256xi1>, vector<128x256xf32>
    %reduce_max3A_340 = arith.constant dense<0xFF800000> : vector<128xf32>
    %reduce_max3A_341 = vector.multi_reduction <maximumf>, %select_n3A_339, %reduce_max3A_340 [1] : vector<128x256xf32> to vector<128xf32>
    %broadcast_in_dim3A_342 = vector.shape_cast %reduce_max3A_341 : vector<128xf32> to vector<128x1xf32>
    %ge3A_343 = vector.broadcast %broadcast_in_dim3A_342 : vector<128x1xf32> to vector<128x256xf32>
    %ge3A_344 = arith.cmpf oge, %select_n3A_339, %ge3A_343 : vector<128x256xf32>
    %jit3A_345 = arith.constant 4096 : i32
    %broadcast_in_dim3A_346 = vector.broadcast %jit3A_345 : i32 to vector<128x256xi32>
    %select_n3A_347 = arith.select %ge3A_344, %concatenate3A_142, %broadcast_in_dim3A_346 : vector<128x256xi1>, vector<128x256xi32>
    %reduce_min3A_348 = arith.constant dense<2147483647> : vector<128xi32>
    %reduce_min3A_349 = vector.multi_reduction <minsi>, %select_n3A_347, %reduce_min3A_348 [1] : vector<128x256xi32> to vector<128xi32>
    %broadcast_in_dim3A_350 = vector.shape_cast %reduce_min3A_349 : vector<128xi32> to vector<128x1xi32>
    %eq3A_351 = arith.constant 8 : i32
    %eq3A_352 = vector.broadcast %eq3A_351 : i32 to vector<128x32xi32>
    %eq3A_353 = arith.cmpi eq, %iota3A_143, %eq3A_352 : vector<128x32xi32>
    %add3A_354 = vector.broadcast %mul3A_145 : i32 to vector<128x1xi32>
    %add3A_355 = arith.addi %broadcast_in_dim3A_350, %add3A_354 : vector<128x1xi32>
    %broadcast_in_dim3A_356 = vector.shape_cast %add3A_355 : vector<128x1xi32> to vector<128x1xi32>
    %broadcast_in_dim3A_357 = vector.broadcast %broadcast_in_dim3A_356 : vector<128x1xi32> to vector<128x32xi32>
    %select_n3A_358 = arith.select %eq3A_353, %broadcast_in_dim3A_357, %select_n3A_334 : vector<128x32xi1>, vector<128x32xi32>
    %eq3A_359 = vector.broadcast %broadcast_in_dim3A_350 : vector<128x1xi32> to vector<128x256xi32>
    %eq3A_360 = arith.cmpi eq, %concatenate3A_142, %eq3A_359 : vector<128x256xi32>
    %jit3A_361 = arith.constant -3.000000e+38 : f32
    %broadcast_in_dim3A_362 = vector.broadcast %jit3A_361 : f32 to vector<128x256xf32>
    %select_n3A_363 = arith.select %eq3A_360, %broadcast_in_dim3A_362, %select_n3A_339 : vector<128x256xi1>, vector<128x256xf32>
    %reduce_max3A_364 = arith.constant dense<0xFF800000> : vector<128xf32>
    %reduce_max3A_365 = vector.multi_reduction <maximumf>, %select_n3A_363, %reduce_max3A_364 [1] : vector<128x256xf32> to vector<128xf32>
    %broadcast_in_dim3A_366 = vector.shape_cast %reduce_max3A_365 : vector<128xf32> to vector<128x1xf32>
    %ge3A_367 = vector.broadcast %broadcast_in_dim3A_366 : vector<128x1xf32> to vector<128x256xf32>
    %ge3A_368 = arith.cmpf oge, %select_n3A_363, %ge3A_367 : vector<128x256xf32>
    %jit3A_369 = arith.constant 4096 : i32
    %broadcast_in_dim3A_370 = vector.broadcast %jit3A_369 : i32 to vector<128x256xi32>
    %select_n3A_371 = arith.select %ge3A_368, %concatenate3A_142, %broadcast_in_dim3A_370 : vector<128x256xi1>, vector<128x256xi32>
    %reduce_min3A_372 = arith.constant dense<2147483647> : vector<128xi32>
    %reduce_min3A_373 = vector.multi_reduction <minsi>, %select_n3A_371, %reduce_min3A_372 [1] : vector<128x256xi32> to vector<128xi32>
    %broadcast_in_dim3A_374 = vector.shape_cast %reduce_min3A_373 : vector<128xi32> to vector<128x1xi32>
    %eq3A_375 = arith.constant 9 : i32
    %eq3A_376 = vector.broadcast %eq3A_375 : i32 to vector<128x32xi32>
    %eq3A_377 = arith.cmpi eq, %iota3A_143, %eq3A_376 : vector<128x32xi32>
    %add3A_378 = vector.broadcast %mul3A_145 : i32 to vector<128x1xi32>
    %add3A_379 = arith.addi %broadcast_in_dim3A_374, %add3A_378 : vector<128x1xi32>
    %broadcast_in_dim3A_380 = vector.shape_cast %add3A_379 : vector<128x1xi32> to vector<128x1xi32>
    %broadcast_in_dim3A_381 = vector.broadcast %broadcast_in_dim3A_380 : vector<128x1xi32> to vector<128x32xi32>
    %select_n3A_382 = arith.select %eq3A_377, %broadcast_in_dim3A_381, %select_n3A_358 : vector<128x32xi1>, vector<128x32xi32>
    %eq3A_383 = vector.broadcast %broadcast_in_dim3A_374 : vector<128x1xi32> to vector<128x256xi32>
    %eq3A_384 = arith.cmpi eq, %concatenate3A_142, %eq3A_383 : vector<128x256xi32>
    %jit3A_385 = arith.constant -3.000000e+38 : f32
    %broadcast_in_dim3A_386 = vector.broadcast %jit3A_385 : f32 to vector<128x256xf32>
    %select_n3A_387 = arith.select %eq3A_384, %broadcast_in_dim3A_386, %select_n3A_363 : vector<128x256xi1>, vector<128x256xf32>
    %reduce_max3A_388 = arith.constant dense<0xFF800000> : vector<128xf32>
    %reduce_max3A_389 = vector.multi_reduction <maximumf>, %select_n3A_387, %reduce_max3A_388 [1] : vector<128x256xf32> to vector<128xf32>
    %broadcast_in_dim3A_390 = vector.shape_cast %reduce_max3A_389 : vector<128xf32> to vector<128x1xf32>
    %ge3A_391 = vector.broadcast %broadcast_in_dim3A_390 : vector<128x1xf32> to vector<128x256xf32>
    %ge3A_392 = arith.cmpf oge, %select_n3A_387, %ge3A_391 : vector<128x256xf32>
    %jit3A_393 = arith.constant 4096 : i32
    %broadcast_in_dim3A_394 = vector.broadcast %jit3A_393 : i32 to vector<128x256xi32>
    %select_n3A_395 = arith.select %ge3A_392, %concatenate3A_142, %broadcast_in_dim3A_394 : vector<128x256xi1>, vector<128x256xi32>
    %reduce_min3A_396 = arith.constant dense<2147483647> : vector<128xi32>
    %reduce_min3A_397 = vector.multi_reduction <minsi>, %select_n3A_395, %reduce_min3A_396 [1] : vector<128x256xi32> to vector<128xi32>
    %broadcast_in_dim3A_398 = vector.shape_cast %reduce_min3A_397 : vector<128xi32> to vector<128x1xi32>
    %eq3A_399 = arith.constant 10 : i32
    %eq3A_400 = vector.broadcast %eq3A_399 : i32 to vector<128x32xi32>
    %eq3A_401 = arith.cmpi eq, %iota3A_143, %eq3A_400 : vector<128x32xi32>
    %add3A_402 = vector.broadcast %mul3A_145 : i32 to vector<128x1xi32>
    %add3A_403 = arith.addi %broadcast_in_dim3A_398, %add3A_402 : vector<128x1xi32>
    %broadcast_in_dim3A_404 = vector.shape_cast %add3A_403 : vector<128x1xi32> to vector<128x1xi32>
    %broadcast_in_dim3A_405 = vector.broadcast %broadcast_in_dim3A_404 : vector<128x1xi32> to vector<128x32xi32>
    %select_n3A_406 = arith.select %eq3A_401, %broadcast_in_dim3A_405, %select_n3A_382 : vector<128x32xi1>, vector<128x32xi32>
    %eq3A_407 = vector.broadcast %broadcast_in_dim3A_398 : vector<128x1xi32> to vector<128x256xi32>
    %eq3A_408 = arith.cmpi eq, %concatenate3A_142, %eq3A_407 : vector<128x256xi32>
    %jit3A_409 = arith.constant -3.000000e+38 : f32
    %broadcast_in_dim3A_410 = vector.broadcast %jit3A_409 : f32 to vector<128x256xf32>
    %select_n3A_411 = arith.select %eq3A_408, %broadcast_in_dim3A_410, %select_n3A_387 : vector<128x256xi1>, vector<128x256xf32>
    %reduce_max3A_412 = arith.constant dense<0xFF800000> : vector<128xf32>
    %reduce_max3A_413 = vector.multi_reduction <maximumf>, %select_n3A_411, %reduce_max3A_412 [1] : vector<128x256xf32> to vector<128xf32>
    %broadcast_in_dim3A_414 = vector.shape_cast %reduce_max3A_413 : vector<128xf32> to vector<128x1xf32>
    %ge3A_415 = vector.broadcast %broadcast_in_dim3A_414 : vector<128x1xf32> to vector<128x256xf32>
    %ge3A_416 = arith.cmpf oge, %select_n3A_411, %ge3A_415 : vector<128x256xf32>
    %jit3A_417 = arith.constant 4096 : i32
    %broadcast_in_dim3A_418 = vector.broadcast %jit3A_417 : i32 to vector<128x256xi32>
    %select_n3A_419 = arith.select %ge3A_416, %concatenate3A_142, %broadcast_in_dim3A_418 : vector<128x256xi1>, vector<128x256xi32>
    %reduce_min3A_420 = arith.constant dense<2147483647> : vector<128xi32>
    %reduce_min3A_421 = vector.multi_reduction <minsi>, %select_n3A_419, %reduce_min3A_420 [1] : vector<128x256xi32> to vector<128xi32>
    %broadcast_in_dim3A_422 = vector.shape_cast %reduce_min3A_421 : vector<128xi32> to vector<128x1xi32>
    %eq3A_423 = arith.constant 11 : i32
    %eq3A_424 = vector.broadcast %eq3A_423 : i32 to vector<128x32xi32>
    %eq3A_425 = arith.cmpi eq, %iota3A_143, %eq3A_424 : vector<128x32xi32>
    %add3A_426 = vector.broadcast %mul3A_145 : i32 to vector<128x1xi32>
    %add3A_427 = arith.addi %broadcast_in_dim3A_422, %add3A_426 : vector<128x1xi32>
    %broadcast_in_dim3A_428 = vector.shape_cast %add3A_427 : vector<128x1xi32> to vector<128x1xi32>
    %broadcast_in_dim3A_429 = vector.broadcast %broadcast_in_dim3A_428 : vector<128x1xi32> to vector<128x32xi32>
    %select_n3A_430 = arith.select %eq3A_425, %broadcast_in_dim3A_429, %select_n3A_406 : vector<128x32xi1>, vector<128x32xi32>
    %eq3A_431 = vector.broadcast %broadcast_in_dim3A_422 : vector<128x1xi32> to vector<128x256xi32>
    %eq3A_432 = arith.cmpi eq, %concatenate3A_142, %eq3A_431 : vector<128x256xi32>
    %jit3A_433 = arith.constant -3.000000e+38 : f32
    %broadcast_in_dim3A_434 = vector.broadcast %jit3A_433 : f32 to vector<128x256xf32>
    %select_n3A_435 = arith.select %eq3A_432, %broadcast_in_dim3A_434, %select_n3A_411 : vector<128x256xi1>, vector<128x256xf32>
    %reduce_max3A_436 = arith.constant dense<0xFF800000> : vector<128xf32>
    %reduce_max3A_437 = vector.multi_reduction <maximumf>, %select_n3A_435, %reduce_max3A_436 [1] : vector<128x256xf32> to vector<128xf32>
    %broadcast_in_dim3A_438 = vector.shape_cast %reduce_max3A_437 : vector<128xf32> to vector<128x1xf32>
    %ge3A_439 = vector.broadcast %broadcast_in_dim3A_438 : vector<128x1xf32> to vector<128x256xf32>
    %ge3A_440 = arith.cmpf oge, %select_n3A_435, %ge3A_439 : vector<128x256xf32>
    %jit3A_441 = arith.constant 4096 : i32
    %broadcast_in_dim3A_442 = vector.broadcast %jit3A_441 : i32 to vector<128x256xi32>
    %select_n3A_443 = arith.select %ge3A_440, %concatenate3A_142, %broadcast_in_dim3A_442 : vector<128x256xi1>, vector<128x256xi32>
    %reduce_min3A_444 = arith.constant dense<2147483647> : vector<128xi32>
    %reduce_min3A_445 = vector.multi_reduction <minsi>, %select_n3A_443, %reduce_min3A_444 [1] : vector<128x256xi32> to vector<128xi32>
    %broadcast_in_dim3A_446 = vector.shape_cast %reduce_min3A_445 : vector<128xi32> to vector<128x1xi32>
    %eq3A_447 = arith.constant 12 : i32
    %eq3A_448 = vector.broadcast %eq3A_447 : i32 to vector<128x32xi32>
    %eq3A_449 = arith.cmpi eq, %iota3A_143, %eq3A_448 : vector<128x32xi32>
    %add3A_450 = vector.broadcast %mul3A_145 : i32 to vector<128x1xi32>
    %add3A_451 = arith.addi %broadcast_in_dim3A_446, %add3A_450 : vector<128x1xi32>
    %broadcast_in_dim3A_452 = vector.shape_cast %add3A_451 : vector<128x1xi32> to vector<128x1xi32>
    %broadcast_in_dim3A_453 = vector.broadcast %broadcast_in_dim3A_452 : vector<128x1xi32> to vector<128x32xi32>
    %select_n3A_454 = arith.select %eq3A_449, %broadcast_in_dim3A_453, %select_n3A_430 : vector<128x32xi1>, vector<128x32xi32>
    %eq3A_455 = vector.broadcast %broadcast_in_dim3A_446 : vector<128x1xi32> to vector<128x256xi32>
    %eq3A_456 = arith.cmpi eq, %concatenate3A_142, %eq3A_455 : vector<128x256xi32>
    %jit3A_457 = arith.constant -3.000000e+38 : f32
    %broadcast_in_dim3A_458 = vector.broadcast %jit3A_457 : f32 to vector<128x256xf32>
    %select_n3A_459 = arith.select %eq3A_456, %broadcast_in_dim3A_458, %select_n3A_435 : vector<128x256xi1>, vector<128x256xf32>
    %reduce_max3A_460 = arith.constant dense<0xFF800000> : vector<128xf32>
    %reduce_max3A_461 = vector.multi_reduction <maximumf>, %select_n3A_459, %reduce_max3A_460 [1] : vector<128x256xf32> to vector<128xf32>
    %broadcast_in_dim3A_462 = vector.shape_cast %reduce_max3A_461 : vector<128xf32> to vector<128x1xf32>
    %ge3A_463 = vector.broadcast %broadcast_in_dim3A_462 : vector<128x1xf32> to vector<128x256xf32>
    %ge3A_464 = arith.cmpf oge, %select_n3A_459, %ge3A_463 : vector<128x256xf32>
    %jit3A_465 = arith.constant 4096 : i32
    %broadcast_in_dim3A_466 = vector.broadcast %jit3A_465 : i32 to vector<128x256xi32>
    %select_n3A_467 = arith.select %ge3A_464, %concatenate3A_142, %broadcast_in_dim3A_466 : vector<128x256xi1>, vector<128x256xi32>
    %reduce_min3A_468 = arith.constant dense<2147483647> : vector<128xi32>
    %reduce_min3A_469 = vector.multi_reduction <minsi>, %select_n3A_467, %reduce_min3A_468 [1] : vector<128x256xi32> to vector<128xi32>
    %broadcast_in_dim3A_470 = vector.shape_cast %reduce_min3A_469 : vector<128xi32> to vector<128x1xi32>
    %eq3A_471 = arith.constant 13 : i32
    %eq3A_472 = vector.broadcast %eq3A_471 : i32 to vector<128x32xi32>
    %eq3A_473 = arith.cmpi eq, %iota3A_143, %eq3A_472 : vector<128x32xi32>
    %add3A_474 = vector.broadcast %mul3A_145 : i32 to vector<128x1xi32>
    %add3A_475 = arith.addi %broadcast_in_dim3A_470, %add3A_474 : vector<128x1xi32>
    %broadcast_in_dim3A_476 = vector.shape_cast %add3A_475 : vector<128x1xi32> to vector<128x1xi32>
    %broadcast_in_dim3A_477 = vector.broadcast %broadcast_in_dim3A_476 : vector<128x1xi32> to vector<128x32xi32>
    %select_n3A_478 = arith.select %eq3A_473, %broadcast_in_dim3A_477, %select_n3A_454 : vector<128x32xi1>, vector<128x32xi32>
    %eq3A_479 = vector.broadcast %broadcast_in_dim3A_470 : vector<128x1xi32> to vector<128x256xi32>
    %eq3A_480 = arith.cmpi eq, %concatenate3A_142, %eq3A_479 : vector<128x256xi32>
    %jit3A_481 = arith.constant -3.000000e+38 : f32
    %broadcast_in_dim3A_482 = vector.broadcast %jit3A_481 : f32 to vector<128x256xf32>
    %select_n3A_483 = arith.select %eq3A_480, %broadcast_in_dim3A_482, %select_n3A_459 : vector<128x256xi1>, vector<128x256xf32>
    %reduce_max3A_484 = arith.constant dense<0xFF800000> : vector<128xf32>
    %reduce_max3A_485 = vector.multi_reduction <maximumf>, %select_n3A_483, %reduce_max3A_484 [1] : vector<128x256xf32> to vector<128xf32>
    %broadcast_in_dim3A_486 = vector.shape_cast %reduce_max3A_485 : vector<128xf32> to vector<128x1xf32>
    %ge3A_487 = vector.broadcast %broadcast_in_dim3A_486 : vector<128x1xf32> to vector<128x256xf32>
    %ge3A_488 = arith.cmpf oge, %select_n3A_483, %ge3A_487 : vector<128x256xf32>
    %jit3A_489 = arith.constant 4096 : i32
    %broadcast_in_dim3A_490 = vector.broadcast %jit3A_489 : i32 to vector<128x256xi32>
    %select_n3A_491 = arith.select %ge3A_488, %concatenate3A_142, %broadcast_in_dim3A_490 : vector<128x256xi1>, vector<128x256xi32>
    %reduce_min3A_492 = arith.constant dense<2147483647> : vector<128xi32>
    %reduce_min3A_493 = vector.multi_reduction <minsi>, %select_n3A_491, %reduce_min3A_492 [1] : vector<128x256xi32> to vector<128xi32>
    %broadcast_in_dim3A_494 = vector.shape_cast %reduce_min3A_493 : vector<128xi32> to vector<128x1xi32>
    %eq3A_495 = arith.constant 14 : i32
    %eq3A_496 = vector.broadcast %eq3A_495 : i32 to vector<128x32xi32>
    %eq3A_497 = arith.cmpi eq, %iota3A_143, %eq3A_496 : vector<128x32xi32>
    %add3A_498 = vector.broadcast %mul3A_145 : i32 to vector<128x1xi32>
    %add3A_499 = arith.addi %broadcast_in_dim3A_494, %add3A_498 : vector<128x1xi32>
    %broadcast_in_dim3A_500 = vector.shape_cast %add3A_499 : vector<128x1xi32> to vector<128x1xi32>
    %broadcast_in_dim3A_501 = vector.broadcast %broadcast_in_dim3A_500 : vector<128x1xi32> to vector<128x32xi32>
    %select_n3A_502 = arith.select %eq3A_497, %broadcast_in_dim3A_501, %select_n3A_478 : vector<128x32xi1>, vector<128x32xi32>
    %eq3A_503 = vector.broadcast %broadcast_in_dim3A_494 : vector<128x1xi32> to vector<128x256xi32>
    %eq3A_504 = arith.cmpi eq, %concatenate3A_142, %eq3A_503 : vector<128x256xi32>
    %jit3A_505 = arith.constant -3.000000e+38 : f32
    %broadcast_in_dim3A_506 = vector.broadcast %jit3A_505 : f32 to vector<128x256xf32>
    %select_n3A_507 = arith.select %eq3A_504, %broadcast_in_dim3A_506, %select_n3A_483 : vector<128x256xi1>, vector<128x256xf32>
    %reduce_max3A_508 = arith.constant dense<0xFF800000> : vector<128xf32>
    %reduce_max3A_509 = vector.multi_reduction <maximumf>, %select_n3A_507, %reduce_max3A_508 [1] : vector<128x256xf32> to vector<128xf32>
    %broadcast_in_dim3A_510 = vector.shape_cast %reduce_max3A_509 : vector<128xf32> to vector<128x1xf32>
    %ge3A_511 = vector.broadcast %broadcast_in_dim3A_510 : vector<128x1xf32> to vector<128x256xf32>
    %ge3A_512 = arith.cmpf oge, %select_n3A_507, %ge3A_511 : vector<128x256xf32>
    %jit3A_513 = arith.constant 4096 : i32
    %broadcast_in_dim3A_514 = vector.broadcast %jit3A_513 : i32 to vector<128x256xi32>
    %select_n3A_515 = arith.select %ge3A_512, %concatenate3A_142, %broadcast_in_dim3A_514 : vector<128x256xi1>, vector<128x256xi32>
    %reduce_min3A_516 = arith.constant dense<2147483647> : vector<128xi32>
    %reduce_min3A_517 = vector.multi_reduction <minsi>, %select_n3A_515, %reduce_min3A_516 [1] : vector<128x256xi32> to vector<128xi32>
    %broadcast_in_dim3A_518 = vector.shape_cast %reduce_min3A_517 : vector<128xi32> to vector<128x1xi32>
    %eq3A_519 = arith.constant 15 : i32
    %eq3A_520 = vector.broadcast %eq3A_519 : i32 to vector<128x32xi32>
    %eq3A_521 = arith.cmpi eq, %iota3A_143, %eq3A_520 : vector<128x32xi32>
    %add3A_522 = vector.broadcast %mul3A_145 : i32 to vector<128x1xi32>
    %add3A_523 = arith.addi %broadcast_in_dim3A_518, %add3A_522 : vector<128x1xi32>
    %broadcast_in_dim3A_524 = vector.shape_cast %add3A_523 : vector<128x1xi32> to vector<128x1xi32>
    %broadcast_in_dim3A_525 = vector.broadcast %broadcast_in_dim3A_524 : vector<128x1xi32> to vector<128x32xi32>
    %select_n3A_526 = arith.select %eq3A_521, %broadcast_in_dim3A_525, %select_n3A_502 : vector<128x32xi1>, vector<128x32xi32>
    %eq3A_527 = vector.broadcast %broadcast_in_dim3A_518 : vector<128x1xi32> to vector<128x256xi32>
    %eq3A_528 = arith.cmpi eq, %concatenate3A_142, %eq3A_527 : vector<128x256xi32>
    %jit3A_529 = arith.constant -3.000000e+38 : f32
    %broadcast_in_dim3A_530 = vector.broadcast %jit3A_529 : f32 to vector<128x256xf32>
    %select_n3A_531 = arith.select %eq3A_528, %broadcast_in_dim3A_530, %select_n3A_507 : vector<128x256xi1>, vector<128x256xf32>
    %reduce_max3A_532 = arith.constant dense<0xFF800000> : vector<128xf32>
    %reduce_max3A_533 = vector.multi_reduction <maximumf>, %select_n3A_531, %reduce_max3A_532 [1] : vector<128x256xf32> to vector<128xf32>
    %broadcast_in_dim3A_534 = vector.shape_cast %reduce_max3A_533 : vector<128xf32> to vector<128x1xf32>
    %ge3A_535 = vector.broadcast %broadcast_in_dim3A_534 : vector<128x1xf32> to vector<128x256xf32>
    %ge3A_536 = arith.cmpf oge, %select_n3A_531, %ge3A_535 : vector<128x256xf32>
    %jit3A_537 = arith.constant 4096 : i32
    %broadcast_in_dim3A_538 = vector.broadcast %jit3A_537 : i32 to vector<128x256xi32>
    %select_n3A_539 = arith.select %ge3A_536, %concatenate3A_142, %broadcast_in_dim3A_538 : vector<128x256xi1>, vector<128x256xi32>
    %reduce_min3A_540 = arith.constant dense<2147483647> : vector<128xi32>
    %reduce_min3A_541 = vector.multi_reduction <minsi>, %select_n3A_539, %reduce_min3A_540 [1] : vector<128x256xi32> to vector<128xi32>
    %broadcast_in_dim3A_542 = vector.shape_cast %reduce_min3A_541 : vector<128xi32> to vector<128x1xi32>
    %eq3A_543 = arith.constant 16 : i32
    %eq3A_544 = vector.broadcast %eq3A_543 : i32 to vector<128x32xi32>
    %eq3A_545 = arith.cmpi eq, %iota3A_143, %eq3A_544 : vector<128x32xi32>
    %add3A_546 = vector.broadcast %mul3A_145 : i32 to vector<128x1xi32>
    %add3A_547 = arith.addi %broadcast_in_dim3A_542, %add3A_546 : vector<128x1xi32>
    %broadcast_in_dim3A_548 = vector.shape_cast %add3A_547 : vector<128x1xi32> to vector<128x1xi32>
    %broadcast_in_dim3A_549 = vector.broadcast %broadcast_in_dim3A_548 : vector<128x1xi32> to vector<128x32xi32>
    %select_n3A_550 = arith.select %eq3A_545, %broadcast_in_dim3A_549, %select_n3A_526 : vector<128x32xi1>, vector<128x32xi32>
    %eq3A_551 = vector.broadcast %broadcast_in_dim3A_542 : vector<128x1xi32> to vector<128x256xi32>
    %eq3A_552 = arith.cmpi eq, %concatenate3A_142, %eq3A_551 : vector<128x256xi32>
    %jit3A_553 = arith.constant -3.000000e+38 : f32
    %broadcast_in_dim3A_554 = vector.broadcast %jit3A_553 : f32 to vector<128x256xf32>
    %select_n3A_555 = arith.select %eq3A_552, %broadcast_in_dim3A_554, %select_n3A_531 : vector<128x256xi1>, vector<128x256xf32>
    %reduce_max3A_556 = arith.constant dense<0xFF800000> : vector<128xf32>
    %reduce_max3A_557 = vector.multi_reduction <maximumf>, %select_n3A_555, %reduce_max3A_556 [1] : vector<128x256xf32> to vector<128xf32>
    %broadcast_in_dim3A_558 = vector.shape_cast %reduce_max3A_557 : vector<128xf32> to vector<128x1xf32>
    %ge3A_559 = vector.broadcast %broadcast_in_dim3A_558 : vector<128x1xf32> to vector<128x256xf32>
    %ge3A_560 = arith.cmpf oge, %select_n3A_555, %ge3A_559 : vector<128x256xf32>
    %jit3A_561 = arith.constant 4096 : i32
    %broadcast_in_dim3A_562 = vector.broadcast %jit3A_561 : i32 to vector<128x256xi32>
    %select_n3A_563 = arith.select %ge3A_560, %concatenate3A_142, %broadcast_in_dim3A_562 : vector<128x256xi1>, vector<128x256xi32>
    %reduce_min3A_564 = arith.constant dense<2147483647> : vector<128xi32>
    %reduce_min3A_565 = vector.multi_reduction <minsi>, %select_n3A_563, %reduce_min3A_564 [1] : vector<128x256xi32> to vector<128xi32>
    %broadcast_in_dim3A_566 = vector.shape_cast %reduce_min3A_565 : vector<128xi32> to vector<128x1xi32>
    %eq3A_567 = arith.constant 17 : i32
    %eq3A_568 = vector.broadcast %eq3A_567 : i32 to vector<128x32xi32>
    %eq3A_569 = arith.cmpi eq, %iota3A_143, %eq3A_568 : vector<128x32xi32>
    %add3A_570 = vector.broadcast %mul3A_145 : i32 to vector<128x1xi32>
    %add3A_571 = arith.addi %broadcast_in_dim3A_566, %add3A_570 : vector<128x1xi32>
    %broadcast_in_dim3A_572 = vector.shape_cast %add3A_571 : vector<128x1xi32> to vector<128x1xi32>
    %broadcast_in_dim3A_573 = vector.broadcast %broadcast_in_dim3A_572 : vector<128x1xi32> to vector<128x32xi32>
    %select_n3A_574 = arith.select %eq3A_569, %broadcast_in_dim3A_573, %select_n3A_550 : vector<128x32xi1>, vector<128x32xi32>
    %eq3A_575 = vector.broadcast %broadcast_in_dim3A_566 : vector<128x1xi32> to vector<128x256xi32>
    %eq3A_576 = arith.cmpi eq, %concatenate3A_142, %eq3A_575 : vector<128x256xi32>
    %jit3A_577 = arith.constant -3.000000e+38 : f32
    %broadcast_in_dim3A_578 = vector.broadcast %jit3A_577 : f32 to vector<128x256xf32>
    %select_n3A_579 = arith.select %eq3A_576, %broadcast_in_dim3A_578, %select_n3A_555 : vector<128x256xi1>, vector<128x256xf32>
    %reduce_max3A_580 = arith.constant dense<0xFF800000> : vector<128xf32>
    %reduce_max3A_581 = vector.multi_reduction <maximumf>, %select_n3A_579, %reduce_max3A_580 [1] : vector<128x256xf32> to vector<128xf32>
    %broadcast_in_dim3A_582 = vector.shape_cast %reduce_max3A_581 : vector<128xf32> to vector<128x1xf32>
    %ge3A_583 = vector.broadcast %broadcast_in_dim3A_582 : vector<128x1xf32> to vector<128x256xf32>
    %ge3A_584 = arith.cmpf oge, %select_n3A_579, %ge3A_583 : vector<128x256xf32>
    %jit3A_585 = arith.constant 4096 : i32
    %broadcast_in_dim3A_586 = vector.broadcast %jit3A_585 : i32 to vector<128x256xi32>
    %select_n3A_587 = arith.select %ge3A_584, %concatenate3A_142, %broadcast_in_dim3A_586 : vector<128x256xi1>, vector<128x256xi32>
    %reduce_min3A_588 = arith.constant dense<2147483647> : vector<128xi32>
    %reduce_min3A_589 = vector.multi_reduction <minsi>, %select_n3A_587, %reduce_min3A_588 [1] : vector<128x256xi32> to vector<128xi32>
    %broadcast_in_dim3A_590 = vector.shape_cast %reduce_min3A_589 : vector<128xi32> to vector<128x1xi32>
    %eq3A_591 = arith.constant 18 : i32
    %eq3A_592 = vector.broadcast %eq3A_591 : i32 to vector<128x32xi32>
    %eq3A_593 = arith.cmpi eq, %iota3A_143, %eq3A_592 : vector<128x32xi32>
    %add3A_594 = vector.broadcast %mul3A_145 : i32 to vector<128x1xi32>
    %add3A_595 = arith.addi %broadcast_in_dim3A_590, %add3A_594 : vector<128x1xi32>
    %broadcast_in_dim3A_596 = vector.shape_cast %add3A_595 : vector<128x1xi32> to vector<128x1xi32>
    %broadcast_in_dim3A_597 = vector.broadcast %broadcast_in_dim3A_596 : vector<128x1xi32> to vector<128x32xi32>
    %select_n3A_598 = arith.select %eq3A_593, %broadcast_in_dim3A_597, %select_n3A_574 : vector<128x32xi1>, vector<128x32xi32>
    %eq3A_599 = vector.broadcast %broadcast_in_dim3A_590 : vector<128x1xi32> to vector<128x256xi32>
    %eq3A_600 = arith.cmpi eq, %concatenate3A_142, %eq3A_599 : vector<128x256xi32>
    %jit3A_601 = arith.constant -3.000000e+38 : f32
    %broadcast_in_dim3A_602 = vector.broadcast %jit3A_601 : f32 to vector<128x256xf32>
    %select_n3A_603 = arith.select %eq3A_600, %broadcast_in_dim3A_602, %select_n3A_579 : vector<128x256xi1>, vector<128x256xf32>
    %reduce_max3A_604 = arith.constant dense<0xFF800000> : vector<128xf32>
    %reduce_max3A_605 = vector.multi_reduction <maximumf>, %select_n3A_603, %reduce_max3A_604 [1] : vector<128x256xf32> to vector<128xf32>
    %broadcast_in_dim3A_606 = vector.shape_cast %reduce_max3A_605 : vector<128xf32> to vector<128x1xf32>
    %ge3A_607 = vector.broadcast %broadcast_in_dim3A_606 : vector<128x1xf32> to vector<128x256xf32>
    %ge3A_608 = arith.cmpf oge, %select_n3A_603, %ge3A_607 : vector<128x256xf32>
    %jit3A_609 = arith.constant 4096 : i32
    %broadcast_in_dim3A_610 = vector.broadcast %jit3A_609 : i32 to vector<128x256xi32>
    %select_n3A_611 = arith.select %ge3A_608, %concatenate3A_142, %broadcast_in_dim3A_610 : vector<128x256xi1>, vector<128x256xi32>
    %reduce_min3A_612 = arith.constant dense<2147483647> : vector<128xi32>
    %reduce_min3A_613 = vector.multi_reduction <minsi>, %select_n3A_611, %reduce_min3A_612 [1] : vector<128x256xi32> to vector<128xi32>
    %broadcast_in_dim3A_614 = vector.shape_cast %reduce_min3A_613 : vector<128xi32> to vector<128x1xi32>
    %eq3A_615 = arith.constant 19 : i32
    %eq3A_616 = vector.broadcast %eq3A_615 : i32 to vector<128x32xi32>
    %eq3A_617 = arith.cmpi eq, %iota3A_143, %eq3A_616 : vector<128x32xi32>
    %add3A_618 = vector.broadcast %mul3A_145 : i32 to vector<128x1xi32>
    %add3A_619 = arith.addi %broadcast_in_dim3A_614, %add3A_618 : vector<128x1xi32>
    %broadcast_in_dim3A_620 = vector.shape_cast %add3A_619 : vector<128x1xi32> to vector<128x1xi32>
    %broadcast_in_dim3A_621 = vector.broadcast %broadcast_in_dim3A_620 : vector<128x1xi32> to vector<128x32xi32>
    %select_n3A_622 = arith.select %eq3A_617, %broadcast_in_dim3A_621, %select_n3A_598 : vector<128x32xi1>, vector<128x32xi32>
    %swap3A = arith.constant 0 : index
    %swap3A_623 = arith.constant 0 : index
    %swap3A_624 = arith.constant 0 : index
    %swap3A_625 = vector.load %arg4[%swap3A, %swap3A_623, %swap3A_624] : memref<1x128x32xi32, #tpu.memory_space<vmem>>, vector<1x128x32xi32>
    %swap3A_626 = vector.shape_cast %swap3A_625 : vector<1x128x32xi32> to vector<128x32xi32>
    %swap3A_627 = vector.shape_cast %select_n3A_622 : vector<128x32xi32> to vector<1x128x32xi32>
    tpu.vector_store %arg4[%swap3A, %swap3A_623, %swap3A_624], %swap3A_627 {strides = array<i32>} : memref<1x128x32xi32, #tpu.memory_space<vmem>>, vector<1x128x32xi32>,
    return
  }
  func.func @transform_0(%arg0: i32, %arg1: i32) -> (i32, i32, i32) {
    %c0_i32 = arith.constant 0 : i32
    %c0_i32_0 = arith.constant 0 : i32
    return %arg0, %arg1, %c0_i32 : i32, i32, i32
  }
  func.func @transform_1(%arg0: i32, %arg1: i32) -> (i32, i32, i32) {
    %c0_i32 = arith.constant 0 : i32
    %c0_i32_0 = arith.constant 0 : i32
    %c0_i32_1 = arith.constant 0 : i32
    return %arg0, %c0_i32, %c0_i32_0 : i32, i32, i32
  }
  func.func @transform_2(%arg0: i32, %arg1: i32) -> (i32, i32, i32) {
    %c0_i32 = arith.constant 0 : i32
    %c0_i32_0 = arith.constant 0 : i32
    return %arg0, %arg1, %c0_i32 : i32, i32, i32
  }
}

module attributes {stable_mosaic.version = 14 : i64} {
  func.func @_pair_stats_body(%arg0: i32, %arg1: i32, %arg2: memref<1024x128xf32, #tpu.memory_space<vmem>>, %arg3: memref<1024x128xf32, #tpu.memory_space<vmem>>, %arg4: memref<128x64xf32, #tpu.memory_space<vmem>>, %arg5: memref<8x64xf32, #tpu.memory_space<vmem>>) attributes {dimension_semantics = [#tpu.dimension_semantics<arbitrary>, #tpu.dimension_semantics<arbitrary>], iteration_bounds = array<i64: 20, 16>, scalar_prefetch = 0 : i64, scratch_operands = 0 : i64, tpu.core_type = #tpu.core_type<tc>, window_params = [{transform_indices = @transform_0, window_bounds = array<i64: 1024, 128>}, {transform_indices = @transform_1, window_bounds = array<i64: 1024, 128>}, {pipeline_mode = #tpu.pipeline_mode<synchronous>, transform_indices = @transform_2, window_bounds = array<i64: 128, 64>}, {pipeline_mode = #tpu.pipeline_mode<synchronous>, transform_indices = @transform_3, window_bounds = array<i64: 8, 64>}]} {
    %mul3A = arith.constant 16 : i32
    %mul3A_0 = arith.muli %arg0, %mul3A : i32
    %add3A = arith.addi %mul3A_0, %arg1 : i32
    %eq3A = arith.constant 0 : i32
    %eq3A_1 = arith.cmpi eq, %add3A, %eq3A : i32
    %convert_element_type3A = arith.extui %eq3A_1 : i1 to i32
    %cond3A = arith.constant 0 : i32
    %cond3A_2 = arith.cmpi ne, %convert_element_type3A, %cond3A : i32
    scf.if %cond3A_2 {
      %broadcast_in_dim3A = arith.constant 0.000000e+00 : f32
      %broadcast_in_dim3A_69 = vector.broadcast %broadcast_in_dim3A : f32 to vector<8x64xf32>
      %swap3A_70 = arith.constant 0 : index
      %swap3A_71 = arith.constant 0 : index
      %swap3A_72 = vector.load %arg5[%swap3A_70, %swap3A_71] : memref<8x64xf32, #tpu.memory_space<vmem>>, vector<8x64xf32>
      tpu.vector_store %arg5[%swap3A_70, %swap3A_71], %broadcast_in_dim3A_69 {strides = array<i32>} : memref<8x64xf32, #tpu.memory_space<vmem>>, vector<8x64xf32>,
    } else {
    }
    %get3A = arith.constant 0 : index
    %get3A_3 = arith.constant 0 : index
    %get3A_4 = vector.load %arg2[%get3A, %get3A_3] : memref<1024x128xf32, #tpu.memory_space<vmem>>, vector<1024x128xf32>
    %get3A_5 = arith.constant 0 : index
    %get3A_6 = arith.constant 0 : index
    %get3A_7 = vector.load %arg3[%get3A_5, %get3A_6] : memref<1024x128xf32, #tpu.memory_space<vmem>>, vector<1024x128xf32>
    %iota3A = tpu.iota {dimensions = array<i32: 1>} : vector<1024x128xi32>
    %lt3A = arith.constant 64 : i32
    %lt3A_8 = vector.broadcast %lt3A : i32 to vector<1024x128xi32>
    %lt3A_9 = arith.cmpi slt, %iota3A, %lt3A_8 : vector<1024x128xi32>
    %sub3A = arith.subf %get3A_4, %get3A_7 : vector<1024x128xf32>
    %select_n3A = arith.select %lt3A_9, %sub3A, %get3A_7 : vector<1024x128xi1>, vector<1024x128xf32>
    %get3A_10 = arith.constant 0 : index
    %get3A_11 = arith.constant 0 : index
    %get3A_12 = vector.load %arg4[%get3A_10, %get3A_11] : memref<128x64xf32, #tpu.memory_space<vmem>>, vector<128x64xf32>
    %dot_general3A = arith.constant dense<0.000000e+00> : vector<1024x64xf32>
    %dot_general3A_13 = tpu.matmul %select_n3A, %get3A_12, %dot_general3A {dimension_numbers = #tpu.dot_dimension_numbers<[1], [0], [0], [1], [0, 0, 1, 1], [], []>, transpose_lhs_hint = false} : vector<1024x128xf32>, vector<128x64xf32>, vector<1024x64xf32> -> vector<1024x64xf32>
    %reduce_sum3A = arith.constant dense<0.000000e+00> : vector<64xf32>
    %reduce_sum3A_14 = vector.multi_reduction <add>, %dot_general3A_13, %reduce_sum3A [0] : vector<1024x64xf32> to vector<64xf32>
    %mul3A_15 = arith.mulf %dot_general3A_13, %dot_general3A_13 : vector<1024x64xf32>
    %reduce_sum3A_16 = arith.constant dense<0.000000e+00> : vector<64xf32>
    %reduce_sum3A_17 = vector.multi_reduction <add>, %mul3A_15, %reduce_sum3A_16 [0] : vector<1024x64xf32> to vector<64xf32>
    %get3A_18 = arith.constant 2 : index
    %get3A_19 = arith.constant 0 : index
    %get3A_20 = vector.load %arg5[%get3A_18, %get3A_19] : memref<8x64xf32, #tpu.memory_space<vmem>>, vector<1x64xf32>
    %get3A_21 = vector.shape_cast %get3A_20 : vector<1x64xf32> to vector<64xf32>
    %sub3A_22 = arith.subf %reduce_sum3A_14, %get3A_21 : vector<64xf32>
    %get3A_23 = arith.constant 0 : index
    %get3A_24 = arith.constant 0 : index
    %get3A_25 = vector.load %arg5[%get3A_23, %get3A_24] : memref<8x64xf32, #tpu.memory_space<vmem>>, vector<1x64xf32>
    %get3A_26 = vector.shape_cast %get3A_25 : vector<1x64xf32> to vector<64xf32>
    %add3A_27 = arith.addf %get3A_26, %sub3A_22 : vector<64xf32>
    %get3A_28 = arith.constant 0 : index
    %get3A_29 = arith.constant 0 : index
    %get3A_30 = vector.load %arg5[%get3A_28, %get3A_29] : memref<8x64xf32, #tpu.memory_space<vmem>>, vector<1x64xf32>
    %get3A_31 = vector.shape_cast %get3A_30 : vector<1x64xf32> to vector<64xf32>
    %sub3A_32 = arith.subf %add3A_27, %get3A_31 : vector<64xf32>
    %sub3A_33 = arith.subf %sub3A_32, %sub3A_22 : vector<64xf32>
    %swap3A = arith.constant 2 : index
    %swap3A_34 = arith.constant 0 : index
    %swap3A_35 = vector.load %arg5[%swap3A, %swap3A_34] : memref<8x64xf32, #tpu.memory_space<vmem>>, vector<1x64xf32>
    %swap3A_36 = vector.shape_cast %swap3A_35 : vector<1x64xf32> to vector<64xf32>
    %swap3A_37 = vector.shape_cast %sub3A_33 : vector<64xf32> to vector<1x64xf32>
    tpu.vector_store %arg5[%swap3A, %swap3A_34], %swap3A_37 {strides = array<i32>} : memref<8x64xf32, #tpu.memory_space<vmem>>, vector<1x64xf32>,
    %swap3A_38 = arith.constant 0 : index
    %swap3A_39 = arith.constant 0 : index
    %swap3A_40 = vector.load %arg5[%swap3A_38, %swap3A_39] : memref<8x64xf32, #tpu.memory_space<vmem>>, vector<1x64xf32>
    %swap3A_41 = vector.shape_cast %swap3A_40 : vector<1x64xf32> to vector<64xf32>
    %swap3A_42 = vector.shape_cast %add3A_27 : vector<64xf32> to vector<1x64xf32>
    tpu.vector_store %arg5[%swap3A_38, %swap3A_39], %swap3A_42 {strides = array<i32>} : memref<8x64xf32, #tpu.memory_space<vmem>>, vector<1x64xf32>,
    %get3A_43 = arith.constant 3 : index
    %get3A_44 = arith.constant 0 : index
    %get3A_45 = vector.load %arg5[%get3A_43, %get3A_44] : memref<8x64xf32, #tpu.memory_space<vmem>>, vector<1x64xf32>
    %get3A_46 = vector.shape_cast %get3A_45 : vector<1x64xf32> to vector<64xf32>
    %sub3A_47 = arith.subf %reduce_sum3A_17, %get3A_46 : vector<64xf32>
    %get3A_48 = arith.constant 1 : index
    %get3A_49 = arith.constant 0 : index
    %get3A_50 = vector.load %arg5[%get3A_48, %get3A_49] : memref<8x64xf32, #tpu.memory_space<vmem>>, vector<1x64xf32>
    %get3A_51 = vector.shape_cast %get3A_50 : vector<1x64xf32> to vector<64xf32>
    %add3A_52 = arith.addf %get3A_51, %sub3A_47 : vector<64xf32>
    %get3A_53 = arith.constant 1 : index
    %get3A_54 = arith.constant 0 : index
    %get3A_55 = vector.load %arg5[%get3A_53, %get3A_54] : memref<8x64xf32, #tpu.memory_space<vmem>>, vector<1x64xf32>
    %get3A_56 = vector.shape_cast %get3A_55 : vector<1x64xf32> to vector<64xf32>
    %sub3A_57 = arith.subf %add3A_52, %get3A_56 : vector<64xf32>
    %sub3A_58 = arith.subf %sub3A_57, %sub3A_47 : vector<64xf32>
    %swap3A_59 = arith.constant 3 : index
    %swap3A_60 = arith.constant 0 : index
    %swap3A_61 = vector.load %arg5[%swap3A_59, %swap3A_60] : memref<8x64xf32, #tpu.memory_space<vmem>>, vector<1x64xf32>
    %swap3A_62 = vector.shape_cast %swap3A_61 : vector<1x64xf32> to vector<64xf32>
    %swap3A_63 = vector.shape_cast %sub3A_58 : vector<64xf32> to vector<1x64xf32>
    tpu.vector_store %arg5[%swap3A_59, %swap3A_60], %swap3A_63 {strides = array<i32>} : memref<8x64xf32, #tpu.memory_space<vmem>>, vector<1x64xf32>,
    %swap3A_64 = arith.constant 1 : index
    %swap3A_65 = arith.constant 0 : index
    %swap3A_66 = vector.load %arg5[%swap3A_64, %swap3A_65] : memref<8x64xf32, #tpu.memory_space<vmem>>, vector<1x64xf32>
    %swap3A_67 = vector.shape_cast %swap3A_66 : vector<1x64xf32> to vector<64xf32>
    %swap3A_68 = vector.shape_cast %add3A_52 : vector<64xf32> to vector<1x64xf32>
    tpu.vector_store %arg5[%swap3A_64, %swap3A_65], %swap3A_68 {strides = array<i32>} : memref<8x64xf32, #tpu.memory_space<vmem>>, vector<1x64xf32>,
    return
  }
  func.func @transform_0(%arg0: i32, %arg1: i32) -> (i32, i32) {
    %mul3A = arith.constant 16 : i32
    %mul3A_0 = arith.muli %arg0, %mul3A : i32
    %add3A = arith.addi %mul3A_0, %arg1 : i32
    %c0_i32 = arith.constant 0 : i32
    %c0_i32_1 = arith.constant 0 : i32
    return %add3A, %c0_i32 : i32, i32
  }
  func.func @transform_1(%arg0: i32, %arg1: i32) -> (i32, i32) {
    %c0_i32 = arith.constant 0 : i32
    %c0_i32_0 = arith.constant 0 : i32
    return %arg1, %c0_i32 : i32, i32
  }
  func.func @transform_2(%arg0: i32, %arg1: i32) -> (i32, i32) {
    %c0_i32 = arith.constant 0 : i32
    %c0_i32_0 = arith.constant 0 : i32
    %c0_i32_1 = arith.constant 0 : i32
    return %c0_i32, %c0_i32_0 : i32, i32
  }
  func.func @transform_3(%arg0: i32, %arg1: i32) -> (i32, i32) {
    %c0_i32 = arith.constant 0 : i32
    %c0_i32_0 = arith.constant 0 : i32
    %c0_i32_1 = arith.constant 0 : i32
    return %c0_i32, %c0_i32_0 : i32, i32
  }
}

module attributes {stable_mosaic.version = 14 : i64} {
  func.func @_layer2_body(%arg0: i32, %arg1: i32, %arg2: memref<1024x128xf32, #tpu.memory_space<vmem>>, %arg3: memref<1024x128xf32, #tpu.memory_space<vmem>>, %arg4: memref<128x64xf32, #tpu.memory_space<vmem>>, %arg5: memref<8x64xf32, #tpu.memory_space<vmem>>, %arg6: memref<64x64xf32, #tpu.memory_space<vmem>>, %arg7: memref<1024x64xf32, #tpu.memory_space<vmem>>, %arg8: memref<8x64xf32, #tpu.memory_space<vmem>>) attributes {dimension_semantics = [#tpu.dimension_semantics<arbitrary>, #tpu.dimension_semantics<arbitrary>], iteration_bounds = array<i64: 16, 20>, scalar_prefetch = 0 : i64, scratch_operands = 0 : i64, tpu.core_type = #tpu.core_type<tc>, window_params = [{transform_indices = @transform_0, window_bounds = array<i64: 1024, 128>}, {transform_indices = @transform_1, window_bounds = array<i64: 1024, 128>}, {pipeline_mode = #tpu.pipeline_mode<synchronous>, transform_indices = @transform_2, window_bounds = array<i64: 128, 64>}, {pipeline_mode = #tpu.pipeline_mode<synchronous>, transform_indices = @transform_3, window_bounds = array<i64: 8, 64>}, {pipeline_mode = #tpu.pipeline_mode<synchronous>, transform_indices = @transform_4, window_bounds = array<i64: 64, 64>}, {transform_indices = @transform_5, window_bounds = array<i64: 1024, 64>}, {pipeline_mode = #tpu.pipeline_mode<synchronous>, transform_indices = @transform_6, window_bounds = array<i64: 8, 64>}]} {
    %get3A = arith.constant 0 : index
    %get3A_0 = arith.constant 0 : index
    %get3A_1 = vector.load %arg5[%get3A, %get3A_0] : memref<8x64xf32, #tpu.memory_space<vmem>>, vector<1x64xf32>
    %get3A_2 = vector.shape_cast %get3A_1 : vector<1x64xf32> to vector<64xf32>
    %div3A = arith.constant 3.276800e+05 : f32
    %div3A_3 = vector.broadcast %div3A : f32 to vector<64xf32>
    %div3A_4 = arith.divf %get3A_2, %div3A_3 : vector<64xf32>
    %get3A_5 = arith.constant 1 : index
    %get3A_6 = arith.constant 0 : index
    %get3A_7 = vector.load %arg5[%get3A_5, %get3A_6] : memref<8x64xf32, #tpu.memory_space<vmem>>, vector<1x64xf32>
    %get3A_8 = vector.shape_cast %get3A_7 : vector<1x64xf32> to vector<64xf32>
    %div3A_9 = arith.constant 3.276800e+05 : f32
    %div3A_10 = vector.broadcast %div3A_9 : f32 to vector<64xf32>
    %div3A_11 = arith.divf %get3A_8, %div3A_10 : vector<64xf32>
    %mul3A = arith.mulf %div3A_4, %div3A_4 : vector<64xf32>
    %sub3A = arith.subf %div3A_11, %mul3A : vector<64xf32>
    %add3A = arith.constant 9.99999974E-6 : f32
    %add3A_12 = vector.broadcast %add3A : f32 to vector<64xf32>
    %add3A_13 = arith.addf %sub3A, %add3A_12 : vector<64xf32>
    %sqrt3A = math.sqrt %add3A_13 : vector<64xf32>
    %get3A_14 = arith.constant 0 : index
    %get3A_15 = arith.constant 0 : index
    %get3A_16 = vector.load %arg2[%get3A_14, %get3A_15] : memref<1024x128xf32, #tpu.memory_space<vmem>>, vector<1024x128xf32>
    %get3A_17 = arith.constant 0 : index
    %get3A_18 = arith.constant 0 : index
    %get3A_19 = vector.load %arg3[%get3A_17, %get3A_18] : memref<1024x128xf32, #tpu.memory_space<vmem>>, vector<1024x128xf32>
    %iota3A = tpu.iota {dimensions = array<i32: 1>} : vector<1024x128xi32>
    %lt3A = arith.constant 64 : i32
    %lt3A_20 = vector.broadcast %lt3A : i32 to vector<1024x128xi32>
    %lt3A_21 = arith.cmpi slt, %iota3A, %lt3A_20 : vector<1024x128xi32>
    %sub3A_22 = arith.subf %get3A_16, %get3A_19 : vector<1024x128xf32>
    %select_n3A = arith.select %lt3A_21, %sub3A_22, %get3A_19 : vector<1024x128xi1>, vector<1024x128xf32>
    %get3A_23 = arith.constant 0 : index
    %get3A_24 = arith.constant 0 : index
    %get3A_25 = vector.load %arg4[%get3A_23, %get3A_24] : memref<128x64xf32, #tpu.memory_space<vmem>>, vector<128x64xf32>
    %dot_general3A = arith.constant dense<0.000000e+00> : vector<1024x64xf32>
    %dot_general3A_26 = tpu.matmul %select_n3A, %get3A_25, %dot_general3A {dimension_numbers = #tpu.dot_dimension_numbers<[1], [0], [0], [1], [0, 0, 1, 1], [], []>, transpose_lhs_hint = false} : vector<1024x128xf32>, vector<128x64xf32>, vector<1024x64xf32> -> vector<1024x64xf32>
    %broadcast_in_dim3A = vector.shape_cast %div3A_4 : vector<64xf32> to vector<1x64xf32>
    %sub3A_27 = vector.broadcast %broadcast_in_dim3A : vector<1x64xf32> to vector<1024x64xf32>
    %sub3A_28 = arith.subf %dot_general3A_26, %sub3A_27 : vector<1024x64xf32>
    %broadcast_in_dim3A_29 = vector.shape_cast %sqrt3A : vector<64xf32> to vector<1x64xf32>
    %div3A_30 = vector.broadcast %broadcast_in_dim3A_29 : vector<1x64xf32> to vector<1024x64xf32>
    %div3A_31 = arith.divf %sub3A_28, %div3A_30 : vector<1024x64xf32>
    %gt3A = arith.constant 0.000000e+00 : f32
    %gt3A_32 = vector.broadcast %gt3A : f32 to vector<1024x64xf32>
    %gt3A_33 = arith.cmpf ogt, %div3A_31, %gt3A_32 : vector<1024x64xf32>
    %mul3A_34 = arith.constant 2.000000e-01 : f32
    %mul3A_35 = vector.broadcast %mul3A_34 : f32 to vector<1024x64xf32>
    %mul3A_36 = arith.mulf %mul3A_35, %div3A_31 : vector<1024x64xf32>
    %select_n3A_37 = arith.select %gt3A_33, %div3A_31, %mul3A_36 : vector<1024x64xi1>, vector<1024x64xf32>
    %get3A_38 = arith.constant 0 : index
    %get3A_39 = arith.constant 0 : index
    %get3A_40 = vector.load %arg6[%get3A_38, %get3A_39] : memref<64x64xf32, #tpu.memory_space<vmem>>, vector<64x64xf32>
    %dot_general3A_41 = arith.constant dense<0.000000e+00> : vector<1024x64xf32>
    %dot_general3A_42 = tpu.matmul %select_n3A_37, %get3A_40, %dot_general3A_41 {dimension_numbers = #tpu.dot_dimension_numbers<[1], [0], [0], [1], [0, 0, 1, 1], [], []>, transpose_lhs_hint = false} : vector<1024x64xf32>, vector<64x64xf32>, vector<1024x64xf32> -> vector<1024x64xf32>
    %eq3A = arith.constant 0 : i32
    %eq3A_43 = arith.cmpi eq, %arg0, %eq3A : i32
    %eq3A_44 = arith.constant 0 : i32
    %eq3A_45 = arith.cmpi eq, %arg1, %eq3A_44 : i32
    %and3A = arith.andi %eq3A_43, %eq3A_45 : i1
    %convert_element_type3A = arith.extui %and3A : i1 to i32
    %cond3A = arith.constant 0 : i32
    %cond3A_46 = arith.cmpi ne, %convert_element_type3A, %cond3A : i32
    scf.if %cond3A_46 {
      %broadcast_in_dim3A_112 = arith.constant 0.000000e+00 : f32
      %broadcast_in_dim3A_113 = vector.broadcast %broadcast_in_dim3A_112 : f32 to vector<8x64xf32>
      %swap3A_114 = arith.constant 0 : index
      %swap3A_115 = arith.constant 0 : index
      %swap3A_116 = vector.load %arg8[%swap3A_114, %swap3A_115] : memref<8x64xf32, #tpu.memory_space<vmem>>, vector<8x64xf32>
      tpu.vector_store %arg8[%swap3A_114, %swap3A_115], %broadcast_in_dim3A_113 {strides = array<i32>} : memref<8x64xf32, #tpu.memory_space<vmem>>, vector<8x64xf32>,
    } else {
    }
    %reduce_sum3A = arith.constant dense<0.000000e+00> : vector<64xf32>
    %reduce_sum3A_47 = vector.multi_reduction <add>, %dot_general3A_42, %reduce_sum3A [0] : vector<1024x64xf32> to vector<64xf32>
    %mul3A_48 = arith.mulf %dot_general3A_42, %dot_general3A_42 : vector<1024x64xf32>
    %reduce_sum3A_49 = arith.constant dense<0.000000e+00> : vector<64xf32>
    %reduce_sum3A_50 = vector.multi_reduction <add>, %mul3A_48, %reduce_sum3A_49 [0] : vector<1024x64xf32> to vector<64xf32>
    %get3A_51 = arith.constant 2 : index
    %get3A_52 = arith.constant 0 : index
    %get3A_53 = vector.load %arg8[%get3A_51, %get3A_52] : memref<8x64xf32, #tpu.memory_space<vmem>>, vector<1x64xf32>
    %get3A_54 = vector.shape_cast %get3A_53 : vector<1x64xf32> to vector<64xf32>
    %sub3A_55 = arith.subf %reduce_sum3A_47, %get3A_54 : vector<64xf32>
    %get3A_56 = arith.constant 0 : index
    %get3A_57 = arith.constant 0 : index
    %get3A_58 = vector.load %arg8[%get3A_56, %get3A_57] : memref<8x64xf32, #tpu.memory_space<vmem>>, vector<1x64xf32>
    %get3A_59 = vector.shape_cast %get3A_58 : vector<1x64xf32> to vector<64xf32>
    %add3A_60 = arith.addf %get3A_59, %sub3A_55 : vector<64xf32>
    %get3A_61 = arith.constant 0 : index
    %get3A_62 = arith.constant 0 : index
    %get3A_63 = vector.load %arg8[%get3A_61, %get3A_62] : memref<8x64xf32, #tpu.memory_space<vmem>>, vector<1x64xf32>
    %get3A_64 = vector.shape_cast %get3A_63 : vector<1x64xf32> to vector<64xf32>
    %sub3A_65 = arith.subf %add3A_60, %get3A_64 : vector<64xf32>
    %sub3A_66 = arith.subf %sub3A_65, %sub3A_55 : vector<64xf32>
    %swap3A = arith.constant 2 : index
    %swap3A_67 = arith.constant 0 : index
    %swap3A_68 = vector.load %arg8[%swap3A, %swap3A_67] : memref<8x64xf32, #tpu.memory_space<vmem>>, vector<1x64xf32>
    %swap3A_69 = vector.shape_cast %swap3A_68 : vector<1x64xf32> to vector<64xf32>
    %swap3A_70 = vector.shape_cast %sub3A_66 : vector<64xf32> to vector<1x64xf32>
    tpu.vector_store %arg8[%swap3A, %swap3A_67], %swap3A_70 {strides = array<i32>} : memref<8x64xf32, #tpu.memory_space<vmem>>, vector<1x64xf32>,
    %swap3A_71 = arith.constant 0 : index
    %swap3A_72 = arith.constant 0 : index
    %swap3A_73 = vector.load %arg8[%swap3A_71, %swap3A_72] : memref<8x64xf32, #tpu.memory_space<vmem>>, vector<1x64xf32>
    %swap3A_74 = vector.shape_cast %swap3A_73 : vector<1x64xf32> to vector<64xf32>
    %swap3A_75 = vector.shape_cast %add3A_60 : vector<64xf32> to vector<1x64xf32>
    tpu.vector_store %arg8[%swap3A_71, %swap3A_72], %swap3A_75 {strides = array<i32>} : memref<8x64xf32, #tpu.memory_space<vmem>>, vector<1x64xf32>,
    %get3A_76 = arith.constant 3 : index
    %get3A_77 = arith.constant 0 : index
    %get3A_78 = vector.load %arg8[%get3A_76, %get3A_77] : memref<8x64xf32, #tpu.memory_space<vmem>>, vector<1x64xf32>
    %get3A_79 = vector.shape_cast %get3A_78 : vector<1x64xf32> to vector<64xf32>
    %sub3A_80 = arith.subf %reduce_sum3A_50, %get3A_79 : vector<64xf32>
    %get3A_81 = arith.constant 1 : index
    %get3A_82 = arith.constant 0 : index
    %get3A_83 = vector.load %arg8[%get3A_81, %get3A_82] : memref<8x64xf32, #tpu.memory_space<vmem>>, vector<1x64xf32>
    %get3A_84 = vector.shape_cast %get3A_83 : vector<1x64xf32> to vector<64xf32>
    %add3A_85 = arith.addf %get3A_84, %sub3A_80 : vector<64xf32>
    %get3A_86 = arith.constant 1 : index
    %get3A_87 = arith.constant 0 : index
    %get3A_88 = vector.load %arg8[%get3A_86, %get3A_87] : memref<8x64xf32, #tpu.memory_space<vmem>>, vector<1x64xf32>
    %get3A_89 = vector.shape_cast %get3A_88 : vector<1x64xf32> to vector<64xf32>
    %sub3A_90 = arith.subf %add3A_85, %get3A_89 : vector<64xf32>
    %sub3A_91 = arith.subf %sub3A_90, %sub3A_80 : vector<64xf32>
    %swap3A_92 = arith.constant 3 : index
    %swap3A_93 = arith.constant 0 : index
    %swap3A_94 = vector.load %arg8[%swap3A_92, %swap3A_93] : memref<8x64xf32, #tpu.memory_space<vmem>>, vector<1x64xf32>
    %swap3A_95 = vector.shape_cast %swap3A_94 : vector<1x64xf32> to vector<64xf32>
    %swap3A_96 = vector.shape_cast %sub3A_91 : vector<64xf32> to vector<1x64xf32>
    tpu.vector_store %arg8[%swap3A_92, %swap3A_93], %swap3A_96 {strides = array<i32>} : memref<8x64xf32, #tpu.memory_space<vmem>>, vector<1x64xf32>,
    %swap3A_97 = arith.constant 1 : index
    %swap3A_98 = arith.constant 0 : index
    %swap3A_99 = vector.load %arg8[%swap3A_97, %swap3A_98] : memref<8x64xf32, #tpu.memory_space<vmem>>, vector<1x64xf32>
    %swap3A_100 = vector.shape_cast %swap3A_99 : vector<1x64xf32> to vector<64xf32>
    %swap3A_101 = vector.shape_cast %add3A_85 : vector<64xf32> to vector<1x64xf32>
    tpu.vector_store %arg8[%swap3A_97, %swap3A_98], %swap3A_101 {strides = array<i32>} : memref<8x64xf32, #tpu.memory_space<vmem>>, vector<1x64xf32>,
    %eq3A_102 = arith.constant 0 : i32
    %eq3A_103 = arith.cmpi eq, %arg1, %eq3A_102 : i32
    %convert_element_type3A_104 = arith.extui %eq3A_103 : i1 to i32
    %cond3A_105 = arith.constant 0 : i32
    %cond3A_106 = arith.cmpi ne, %convert_element_type3A_104, %cond3A_105 : i32
    scf.if %cond3A_106 {
      %swap3A_112 = arith.constant 0 : index
      %swap3A_113 = arith.constant 0 : index
      %swap3A_114 = vector.load %arg7[%swap3A_112, %swap3A_113] : memref<1024x64xf32, #tpu.memory_space<vmem>>, vector<1024x64xf32>
      tpu.vector_store %arg7[%swap3A_112, %swap3A_113], %dot_general3A_42 {strides = array<i32>} : memref<1024x64xf32, #tpu.memory_space<vmem>>, vector<1024x64xf32>,
    } else {
    }
    %gt3A_107 = arith.constant 0 : i32
    %gt3A_108 = arith.cmpi sgt, %arg1, %gt3A_107 : i32
    %convert_element_type3A_109 = arith.extui %gt3A_108 : i1 to i32
    %cond3A_110 = arith.constant 0 : i32
    %cond3A_111 = arith.cmpi ne, %convert_element_type3A_109, %cond3A_110 : i32
    scf.if %cond3A_111 {
      %get3A_112 = arith.constant 0 : index
      %get3A_113 = arith.constant 0 : index
      %get3A_114 = vector.load %arg7[%get3A_112, %get3A_113] : memref<1024x64xf32, #tpu.memory_space<vmem>>, vector<1024x64xf32>
      %max3A = arith.maximumf %get3A_114, %dot_general3A_42 : vector<1024x64xf32>
      %swap3A_115 = arith.constant 0 : index
      %swap3A_116 = arith.constant 0 : index
      %swap3A_117 = vector.load %arg7[%swap3A_115, %swap3A_116] : memref<1024x64xf32, #tpu.memory_space<vmem>>, vector<1024x64xf32>
      tpu.vector_store %arg7[%swap3A_115, %swap3A_116], %max3A {strides = array<i32>} : memref<1024x64xf32, #tpu.memory_space<vmem>>, vector<1024x64xf32>,
    } else {
    }
    return
  }
  func.func @transform_0(%arg0: i32, %arg1: i32) -> (i32, i32) {
    %mul3A = arith.constant 16 : i32
    %mul3A_0 = arith.muli %arg1, %mul3A : i32
    %add3A = arith.addi %mul3A_0, %arg0 : i32
    %c0_i32 = arith.constant 0 : i32
    %c0_i32_1 = arith.constant 0 : i32
    return %add3A, %c0_i32 : i32, i32
  }
  func.func @transform_1(%arg0: i32, %arg1: i32) -> (i32, i32) {
    %c0_i32 = arith.constant 0 : i32
    %c0_i32_0 = arith.constant 0 : i32
    return %arg0, %c0_i32 : i32, i32
  }
  func.func @transform_2(%arg0: i32, %arg1: i32) -> (i32, i32) {
    %c0_i32 = arith.constant 0 : i32
    %c0_i32_0 = arith.constant 0 : i32
    %c0_i32_1 = arith.constant 0 : i32
    return %c0_i32, %c0_i32_0 : i32, i32
  }
  func.func @transform_3(%arg0: i32, %arg1: i32) -> (i32, i32) {
    %c0_i32 = arith.constant 0 : i32
    %c0_i32_0 = arith.constant 0 : i32
    %c0_i32_1 = arith.constant 0 : i32
    return %c0_i32, %c0_i32_0 : i32, i32
  }
  func.func @transform_4(%arg0: i32, %arg1: i32) -> (i32, i32) {
    %c0_i32 = arith.constant 0 : i32
    %c0_i32_0 = arith.constant 0 : i32
    %c0_i32_1 = arith.constant 0 : i32
    return %c0_i32, %c0_i32_0 : i32, i32
  }
  func.func @transform_5(%arg0: i32, %arg1: i32) -> (i32, i32) {
    %c0_i32 = arith.constant 0 : i32
    %c0_i32_0 = arith.constant 0 : i32
    return %arg0, %c0_i32 : i32, i32
  }
  func.func @transform_6(%arg0: i32, %arg1: i32) -> (i32, i32) {
    %c0_i32 = arith.constant 0 : i32
    %c0_i32_0 = arith.constant 0 : i32
    %c0_i32_1 = arith.constant 0 : i32
    return %c0_i32, %c0_i32_0 : i32, i32
  }
}

module attributes {stable_mosaic.version = 14 : i64} {
  func.func @_finalize_t_body(%arg0: i32, %arg1: memref<512x64xf32, #tpu.memory_space<vmem>>, %arg2: memref<8x64xf32, #tpu.memory_space<vmem>>, %arg3: memref<512x64xf32, #tpu.memory_space<vmem>>, %arg4: memref<512x128xf32, #tpu.memory_space<vmem>>, %arg5: memref<1x64x512xf32, #tpu.memory_space<vmem>>) attributes {dimension_semantics = [#tpu.dimension_semantics<arbitrary>], iteration_bounds = array<i64: 32>, scalar_prefetch = 0 : i64, scratch_operands = 0 : i64, tpu.core_type = #tpu.core_type<tc>, window_params = [{transform_indices = @transform_0, window_bounds = array<i64: 512, 64>}, {pipeline_mode = #tpu.pipeline_mode<synchronous>, transform_indices = @transform_1, window_bounds = array<i64: 8, 64>}, {transform_indices = @transform_2, window_bounds = array<i64: 512, 64>}, {transform_indices = @transform_3, window_bounds = array<i64: 512, 128>}, {transform_indices = @transform_4, window_bounds = array<i64: 1, 64, 512>}]} {
    %get3A = arith.constant 0 : index
    %get3A_0 = arith.constant 0 : index
    %get3A_1 = vector.load %arg1[%get3A, %get3A_0] : memref<512x64xf32, #tpu.memory_space<vmem>>, vector<512x64xf32>
    %get3A_2 = arith.constant 0 : index
    %get3A_3 = arith.constant 0 : index
    %get3A_4 = vector.load %arg2[%get3A_2, %get3A_3] : memref<8x64xf32, #tpu.memory_space<vmem>>, vector<1x64xf32>
    %get3A_5 = vector.shape_cast %get3A_4 : vector<1x64xf32> to vector<64xf32>
    %div3A = arith.constant 3.276800e+05 : f32
    %div3A_6 = vector.broadcast %div3A : f32 to vector<64xf32>
    %div3A_7 = arith.divf %get3A_5, %div3A_6 : vector<64xf32>
    %get3A_8 = arith.constant 1 : index
    %get3A_9 = arith.constant 0 : index
    %get3A_10 = vector.load %arg2[%get3A_8, %get3A_9] : memref<8x64xf32, #tpu.memory_space<vmem>>, vector<1x64xf32>
    %get3A_11 = vector.shape_cast %get3A_10 : vector<1x64xf32> to vector<64xf32>
    %div3A_12 = arith.constant 3.276800e+05 : f32
    %div3A_13 = vector.broadcast %div3A_12 : f32 to vector<64xf32>
    %div3A_14 = arith.divf %get3A_11, %div3A_13 : vector<64xf32>
    %mul3A = arith.mulf %div3A_7, %div3A_7 : vector<64xf32>
    %sub3A = arith.subf %div3A_14, %mul3A : vector<64xf32>
    %add3A = arith.constant 9.99999974E-6 : f32
    %add3A_15 = vector.broadcast %add3A : f32 to vector<64xf32>
    %add3A_16 = arith.addf %sub3A, %add3A_15 : vector<64xf32>
    %sqrt3A = math.sqrt %add3A_16 : vector<64xf32>
    %broadcast_in_dim3A = vector.shape_cast %div3A_7 : vector<64xf32> to vector<1x64xf32>
    %sub3A_17 = vector.broadcast %broadcast_in_dim3A : vector<1x64xf32> to vector<512x64xf32>
    %sub3A_18 = arith.subf %get3A_1, %sub3A_17 : vector<512x64xf32>
    %broadcast_in_dim3A_19 = vector.shape_cast %sqrt3A : vector<64xf32> to vector<1x64xf32>
    %div3A_20 = vector.broadcast %broadcast_in_dim3A_19 : vector<1x64xf32> to vector<512x64xf32>
    %div3A_21 = arith.divf %sub3A_18, %div3A_20 : vector<512x64xf32>
    %gt3A = arith.constant 0.000000e+00 : f32
    %gt3A_22 = vector.broadcast %gt3A : f32 to vector<512x64xf32>
    %gt3A_23 = arith.cmpf ogt, %div3A_21, %gt3A_22 : vector<512x64xf32>
    %mul3A_24 = arith.constant 2.000000e-01 : f32
    %mul3A_25 = vector.broadcast %mul3A_24 : f32 to vector<512x64xf32>
    %mul3A_26 = arith.mulf %mul3A_25, %div3A_21 : vector<512x64xf32>
    %select_n3A = arith.select %gt3A_23, %div3A_21, %mul3A_26 : vector<512x64xi1>, vector<512x64xf32>
    %swap3A = arith.constant 0 : index
    %swap3A_27 = arith.constant 0 : index
    %swap3A_28 = vector.load %arg3[%swap3A, %swap3A_27] : memref<512x64xf32, #tpu.memory_space<vmem>>, vector<512x64xf32>
    tpu.vector_store %arg3[%swap3A, %swap3A_27], %select_n3A {strides = array<i32>} : memref<512x64xf32, #tpu.memory_space<vmem>>, vector<512x64xf32>,
    %concatenate3A = tpu.concatenate %select_n3A, %select_n3A in 1 : vector<512x64xf32>, vector<512x64xf32> -> vector<512x128xf32>
    %swap3A_29 = arith.constant 0 : index
    %swap3A_30 = arith.constant 0 : index
    %swap3A_31 = vector.load %arg4[%swap3A_29, %swap3A_30] : memref<512x128xf32, #tpu.memory_space<vmem>>, vector<512x128xf32>
    tpu.vector_store %arg4[%swap3A_29, %swap3A_30], %concatenate3A {strides = array<i32>} : memref<512x128xf32, #tpu.memory_space<vmem>>, vector<512x128xf32>,
    %transpose3A = tpu.transpose %select_n3A, [1, 0] : vector<512x64xf32> -> vector<64x512xf32>
    %swap3A_32 = arith.constant 0 : index
    %swap3A_33 = arith.constant 0 : index
    %swap3A_34 = arith.constant 0 : index
    %swap3A_35 = vector.load %arg5[%swap3A_32, %swap3A_33, %swap3A_34] : memref<1x64x512xf32, #tpu.memory_space<vmem>>, vector<1x64x512xf32>
    %swap3A_36 = vector.shape_cast %swap3A_35 : vector<1x64x512xf32> to vector<64x512xf32>
    %swap3A_37 = vector.shape_cast %transpose3A : vector<64x512xf32> to vector<1x64x512xf32>
    tpu.vector_store %arg5[%swap3A_32, %swap3A_33, %swap3A_34], %swap3A_37 {strides = array<i32>} : memref<1x64x512xf32, #tpu.memory_space<vmem>>, vector<1x64x512xf32>,
    return
  }
  func.func @transform_0(%arg0: i32) -> (i32, i32) {
    %c0_i32 = arith.constant 0 : i32
    %c0_i32_0 = arith.constant 0 : i32
    return %arg0, %c0_i32 : i32, i32
  }
  func.func @transform_1(%arg0: i32) -> (i32, i32) {
    %c0_i32 = arith.constant 0 : i32
    %c0_i32_0 = arith.constant 0 : i32
    %c0_i32_1 = arith.constant 0 : i32
    return %c0_i32, %c0_i32_0 : i32, i32
  }
  func.func @transform_2(%arg0: i32) -> (i32, i32) {
    %c0_i32 = arith.constant 0 : i32
    %c0_i32_0 = arith.constant 0 : i32
    return %arg0, %c0_i32 : i32, i32
  }
  func.func @transform_3(%arg0: i32) -> (i32, i32) {
    %c0_i32 = arith.constant 0 : i32
    %c0_i32_0 = arith.constant 0 : i32
    return %arg0, %c0_i32 : i32, i32
  }
  func.func @transform_4(%arg0: i32) -> (i32, i32, i32) {
    %jit3A = arith.constant 8 : i32
    %div3A = arith.divsi %arg0, %jit3A : i32
    %sign3A = arith.constant 0 : i32
    %sign3A_0 = arith.cmpi sgt, %arg0, %sign3A : i32
    %sign3A_1 = arith.extui %sign3A_0 : i1 to i32
    %sign3A_2 = arith.constant 0 : i32
    %sign3A_3 = arith.cmpi slt, %arg0, %sign3A_2 : i32
    %sign3A_4 = arith.extui %sign3A_3 : i1 to i32
    %sign3A_5 = arith.subi %sign3A_1, %sign3A_4 : i32
    %sign3A_6 = arith.constant 0 : i32
    %sign3A_7 = arith.cmpi sgt, %jit3A, %sign3A_6 : i32
    %sign3A_8 = arith.extui %sign3A_7 : i1 to i32
    %sign3A_9 = arith.constant 0 : i32
    %sign3A_10 = arith.cmpi slt, %jit3A, %sign3A_9 : i32
    %sign3A_11 = arith.extui %sign3A_10 : i1 to i32
    %sign3A_12 = arith.subi %sign3A_8, %sign3A_11 : i32
    %ne3A = arith.cmpi ne, %sign3A_5, %sign3A_12 : i32
    %rem3A = arith.remsi %arg0, %jit3A : i32
    %ne3A_13 = arith.constant 0 : i32
    %ne3A_14 = arith.cmpi ne, %rem3A, %ne3A_13 : i32
    %and3A = arith.andi %ne3A, %ne3A_14 : i1
    %sub3A = arith.constant 1 : i32
    %sub3A_15 = arith.subi %div3A, %sub3A : i32
    %select_n3A = arith.select %and3A, %sub3A_15, %div3A : i32
    %jit3A_16 = arith.constant 8 : i32
    %eq3A = arith.constant 0 : i32
    %eq3A_17 = arith.cmpi eq, %jit3A_16, %eq3A : i32
    %jit3A_18 = arith.constant 1 : i32
    %select_n3A_19 = arith.select %eq3A_17, %jit3A_18, %jit3A_16 : i32
    %rem3A_20 = arith.remsi %arg0, %select_n3A_19 : i32
    %ne3A_21 = arith.constant 0 : i32
    %ne3A_22 = arith.cmpi ne, %rem3A_20, %ne3A_21 : i32
    %lt3A = arith.constant 0 : i32
    %lt3A_23 = arith.cmpi slt, %rem3A_20, %lt3A : i32
    %lt3A_24 = arith.constant 0 : i32
    %lt3A_25 = arith.cmpi slt, %select_n3A_19, %lt3A_24 : i32
    %ne3A_26 = arith.xori %lt3A_23, %lt3A_25 : i1
    %and3A_27 = arith.andi %ne3A_26, %ne3A_22 : i1
    %add3A = arith.addi %rem3A_20, %select_n3A_19 : i32
    %select_n3A_28 = arith.select %and3A_27, %add3A, %rem3A_20 : i32
    %c0_i32 = arith.constant 0 : i32
    %c0_i32_29 = arith.constant 0 : i32
    return %select_n3A, %c0_i32, %select_n3A_28 : i32, i32, i32
  }
}

module attributes {stable_mosaic.version = 14 : i64} {
  func.func @_finalize_body(%arg0: i32, %arg1: memref<512x64xf32, #tpu.memory_space<vmem>>, %arg2: memref<8x64xf32, #tpu.memory_space<vmem>>, %arg3: memref<512x64xf32, #tpu.memory_space<vmem>>, %arg4: memref<512x128xf32, #tpu.memory_space<vmem>>) attributes {dimension_semantics = [#tpu.dimension_semantics<arbitrary>], iteration_bounds = array<i64: 32>, scalar_prefetch = 0 : i64, scratch_operands = 0 : i64, tpu.core_type = #tpu.core_type<tc>, window_params = [{transform_indices = @transform_0, window_bounds = array<i64: 512, 64>}, {pipeline_mode = #tpu.pipeline_mode<synchronous>, transform_indices = @transform_1, window_bounds = array<i64: 8, 64>}, {transform_indices = @transform_2, window_bounds = array<i64: 512, 64>}, {transform_indices = @transform_3, window_bounds = array<i64: 512, 128>}]} {
    %get3A = arith.constant 0 : index
    %get3A_0 = arith.constant 0 : index
    %get3A_1 = vector.load %arg1[%get3A, %get3A_0] : memref<512x64xf32, #tpu.memory_space<vmem>>, vector<512x64xf32>
    %get3A_2 = arith.constant 0 : index
    %get3A_3 = arith.constant 0 : index
    %get3A_4 = vector.load %arg2[%get3A_2, %get3A_3] : memref<8x64xf32, #tpu.memory_space<vmem>>, vector<1x64xf32>
    %get3A_5 = vector.shape_cast %get3A_4 : vector<1x64xf32> to vector<64xf32>
    %div3A = arith.constant 3.276800e+05 : f32
    %div3A_6 = vector.broadcast %div3A : f32 to vector<64xf32>
    %div3A_7 = arith.divf %get3A_5, %div3A_6 : vector<64xf32>
    %get3A_8 = arith.constant 1 : index
    %get3A_9 = arith.constant 0 : index
    %get3A_10 = vector.load %arg2[%get3A_8, %get3A_9] : memref<8x64xf32, #tpu.memory_space<vmem>>, vector<1x64xf32>
    %get3A_11 = vector.shape_cast %get3A_10 : vector<1x64xf32> to vector<64xf32>
    %div3A_12 = arith.constant 3.276800e+05 : f32
    %div3A_13 = vector.broadcast %div3A_12 : f32 to vector<64xf32>
    %div3A_14 = arith.divf %get3A_11, %div3A_13 : vector<64xf32>
    %mul3A = arith.mulf %div3A_7, %div3A_7 : vector<64xf32>
    %sub3A = arith.subf %div3A_14, %mul3A : vector<64xf32>
    %add3A = arith.constant 9.99999974E-6 : f32
    %add3A_15 = vector.broadcast %add3A : f32 to vector<64xf32>
    %add3A_16 = arith.addf %sub3A, %add3A_15 : vector<64xf32>
    %sqrt3A = math.sqrt %add3A_16 : vector<64xf32>
    %broadcast_in_dim3A = vector.shape_cast %div3A_7 : vector<64xf32> to vector<1x64xf32>
    %sub3A_17 = vector.broadcast %broadcast_in_dim3A : vector<1x64xf32> to vector<512x64xf32>
    %sub3A_18 = arith.subf %get3A_1, %sub3A_17 : vector<512x64xf32>
    %broadcast_in_dim3A_19 = vector.shape_cast %sqrt3A : vector<64xf32> to vector<1x64xf32>
    %div3A_20 = vector.broadcast %broadcast_in_dim3A_19 : vector<1x64xf32> to vector<512x64xf32>
    %div3A_21 = arith.divf %sub3A_18, %div3A_20 : vector<512x64xf32>
    %gt3A = arith.constant 0.000000e+00 : f32
    %gt3A_22 = vector.broadcast %gt3A : f32 to vector<512x64xf32>
    %gt3A_23 = arith.cmpf ogt, %div3A_21, %gt3A_22 : vector<512x64xf32>
    %mul3A_24 = arith.constant 2.000000e-01 : f32
    %mul3A_25 = vector.broadcast %mul3A_24 : f32 to vector<512x64xf32>
    %mul3A_26 = arith.mulf %mul3A_25, %div3A_21 : vector<512x64xf32>
    %select_n3A = arith.select %gt3A_23, %div3A_21, %mul3A_26 : vector<512x64xi1>, vector<512x64xf32>
    %swap3A = arith.constant 0 : index
    %swap3A_27 = arith.constant 0 : index
    %swap3A_28 = vector.load %arg3[%swap3A, %swap3A_27] : memref<512x64xf32, #tpu.memory_space<vmem>>, vector<512x64xf32>
    tpu.vector_store %arg3[%swap3A, %swap3A_27], %select_n3A {strides = array<i32>} : memref<512x64xf32, #tpu.memory_space<vmem>>, vector<512x64xf32>,
    %concatenate3A = tpu.concatenate %select_n3A, %select_n3A in 1 : vector<512x64xf32>, vector<512x64xf32> -> vector<512x128xf32>
    %swap3A_29 = arith.constant 0 : index
    %swap3A_30 = arith.constant 0 : index
    %swap3A_31 = vector.load %arg4[%swap3A_29, %swap3A_30] : memref<512x128xf32, #tpu.memory_space<vmem>>, vector<512x128xf32>
    tpu.vector_store %arg4[%swap3A_29, %swap3A_30], %concatenate3A {strides = array<i32>} : memref<512x128xf32, #tpu.memory_space<vmem>>, vector<512x128xf32>,
    return
  }
  func.func @transform_0(%arg0: i32) -> (i32, i32) {
    %c0_i32 = arith.constant 0 : i32
    %c0_i32_0 = arith.constant 0 : i32
    return %arg0, %c0_i32 : i32, i32
  }
  func.func @transform_1(%arg0: i32) -> (i32, i32) {
    %c0_i32 = arith.constant 0 : i32
    %c0_i32_0 = arith.constant 0 : i32
    %c0_i32_1 = arith.constant 0 : i32
    return %c0_i32, %c0_i32_0 : i32, i32
  }
  func.func @transform_2(%arg0: i32) -> (i32, i32) {
    %c0_i32 = arith.constant 0 : i32
    %c0_i32_0 = arith.constant 0 : i32
    return %arg0, %c0_i32 : i32, i32
  }
  func.func @transform_3(%arg0: i32) -> (i32, i32) {
    %c0_i32 = arith.constant 0 : i32
    %c0_i32_0 = arith.constant 0 : i32
    return %arg0, %c0_i32 : i32, i32
  }
}

module attributes {stable_mosaic.version = 14 : i64} {
  func.func @_finalize_body(%arg0: i32, %arg1: memref<512x64xf32, #tpu.memory_space<vmem>>, %arg2: memref<8x64xf32, #tpu.memory_space<vmem>>, %arg3: memref<512x64xf32, #tpu.memory_space<vmem>>, %arg4: memref<512x128xf32, #tpu.memory_space<vmem>>) attributes {dimension_semantics = [#tpu.dimension_semantics<arbitrary>], iteration_bounds = array<i64: 32>, scalar_prefetch = 0 : i64, scratch_operands = 0 : i64, tpu.core_type = #tpu.core_type<tc>, window_params = [{transform_indices = @transform_0, window_bounds = array<i64: 512, 64>}, {pipeline_mode = #tpu.pipeline_mode<synchronous>, transform_indices = @transform_1, window_bounds = array<i64: 8, 64>}, {transform_indices = @transform_2, window_bounds = array<i64: 512, 64>}, {transform_indices = @transform_3, window_bounds = array<i64: 512, 128>}]} {
    %get3A = arith.constant 0 : index
    %get3A_0 = arith.constant 0 : index
    %get3A_1 = vector.load %arg1[%get3A, %get3A_0] : memref<512x64xf32, #tpu.memory_space<vmem>>, vector<512x64xf32>
    %get3A_2 = arith.constant 0 : index
    %get3A_3 = arith.constant 0 : index
    %get3A_4 = vector.load %arg2[%get3A_2, %get3A_3] : memref<8x64xf32, #tpu.memory_space<vmem>>, vector<1x64xf32>
    %get3A_5 = vector.shape_cast %get3A_4 : vector<1x64xf32> to vector<64xf32>
    %div3A = arith.constant 3.276800e+05 : f32
    %div3A_6 = vector.broadcast %div3A : f32 to vector<64xf32>
    %div3A_7 = arith.divf %get3A_5, %div3A_6 : vector<64xf32>
    %get3A_8 = arith.constant 1 : index
    %get3A_9 = arith.constant 0 : index
    %get3A_10 = vector.load %arg2[%get3A_8, %get3A_9] : memref<8x64xf32, #tpu.memory_space<vmem>>, vector<1x64xf32>
    %get3A_11 = vector.shape_cast %get3A_10 : vector<1x64xf32> to vector<64xf32>
    %div3A_12 = arith.constant 3.276800e+05 : f32
    %div3A_13 = vector.broadcast %div3A_12 : f32 to vector<64xf32>
    %div3A_14 = arith.divf %get3A_11, %div3A_13 : vector<64xf32>
    %mul3A = arith.mulf %div3A_7, %div3A_7 : vector<64xf32>
    %sub3A = arith.subf %div3A_14, %mul3A : vector<64xf32>
    %add3A = arith.constant 9.99999974E-6 : f32
    %add3A_15 = vector.broadcast %add3A : f32 to vector<64xf32>
    %add3A_16 = arith.addf %sub3A, %add3A_15 : vector<64xf32>
    %sqrt3A = math.sqrt %add3A_16 : vector<64xf32>
    %broadcast_in_dim3A = vector.shape_cast %div3A_7 : vector<64xf32> to vector<1x64xf32>
    %sub3A_17 = vector.broadcast %broadcast_in_dim3A : vector<1x64xf32> to vector<512x64xf32>
    %sub3A_18 = arith.subf %get3A_1, %sub3A_17 : vector<512x64xf32>
    %broadcast_in_dim3A_19 = vector.shape_cast %sqrt3A : vector<64xf32> to vector<1x64xf32>
    %div3A_20 = vector.broadcast %broadcast_in_dim3A_19 : vector<1x64xf32> to vector<512x64xf32>
    %div3A_21 = arith.divf %sub3A_18, %div3A_20 : vector<512x64xf32>
    %gt3A = arith.constant 0.000000e+00 : f32
    %gt3A_22 = vector.broadcast %gt3A : f32 to vector<512x64xf32>
    %gt3A_23 = arith.cmpf ogt, %div3A_21, %gt3A_22 : vector<512x64xf32>
    %mul3A_24 = arith.constant 2.000000e-01 : f32
    %mul3A_25 = vector.broadcast %mul3A_24 : f32 to vector<512x64xf32>
    %mul3A_26 = arith.mulf %mul3A_25, %div3A_21 : vector<512x64xf32>
    %select_n3A = arith.select %gt3A_23, %div3A_21, %mul3A_26 : vector<512x64xi1>, vector<512x64xf32>
    %swap3A = arith.constant 0 : index
    %swap3A_27 = arith.constant 0 : index
    %swap3A_28 = vector.load %arg3[%swap3A, %swap3A_27] : memref<512x64xf32, #tpu.memory_space<vmem>>, vector<512x64xf32>
    tpu.vector_store %arg3[%swap3A, %swap3A_27], %select_n3A {strides = array<i32>} : memref<512x64xf32, #tpu.memory_space<vmem>>, vector<512x64xf32>,
    %concatenate3A = tpu.concatenate %select_n3A, %select_n3A in 1 : vector<512x64xf32>, vector<512x64xf32> -> vector<512x128xf32>
    %swap3A_29 = arith.constant 0 : index
    %swap3A_30 = arith.constant 0 : index
    %swap3A_31 = vector.load %arg4[%swap3A_29, %swap3A_30] : memref<512x128xf32, #tpu.memory_space<vmem>>, vector<512x128xf32>
    tpu.vector_store %arg4[%swap3A_29, %swap3A_30], %concatenate3A {strides = array<i32>} : memref<512x128xf32, #tpu.memory_space<vmem>>, vector<512x128xf32>,
    return
  }
  func.func @transform_0(%arg0: i32) -> (i32, i32) {
    %c0_i32 = arith.constant 0 : i32
    %c0_i32_0 = arith.constant 0 : i32
    return %arg0, %c0_i32 : i32, i32
  }
  func.func @transform_1(%arg0: i32) -> (i32, i32) {
    %c0_i32 = arith.constant 0 : i32
    %c0_i32_0 = arith.constant 0 : i32
    %c0_i32_1 = arith.constant 0 : i32
    return %c0_i32, %c0_i32_0 : i32, i32
  }
  func.func @transform_2(%arg0: i32) -> (i32, i32) {
    %c0_i32 = arith.constant 0 : i32
    %c0_i32_0 = arith.constant 0 : i32
    return %arg0, %c0_i32 : i32, i32
  }
  func.func @transform_3(%arg0: i32) -> (i32, i32) {
    %c0_i32 = arith.constant 0 : i32
    %c0_i32_0 = arith.constant 0 : i32
    return %arg0, %c0_i32 : i32, i32
  }
}

module attributes {stable_mosaic.version = 14 : i64} {
  func.func @_stats_max_body(%arg0: i32, %arg1: i32, %arg2: memref<1024x128xf32, #tpu.memory_space<vmem>>, %arg3: memref<1024x128xf32, #tpu.memory_space<vmem>>, %arg4: memref<128x64xf32, #tpu.memory_space<vmem>>, %arg5: memref<8x64xf32, #tpu.memory_space<vmem>>, %arg6: memref<1024x64xf32, #tpu.memory_space<vmem>>) attributes {dimension_semantics = [#tpu.dimension_semantics<arbitrary>, #tpu.dimension_semantics<arbitrary>], iteration_bounds = array<i64: 16, 20>, scalar_prefetch = 0 : i64, scratch_operands = 0 : i64, tpu.core_type = #tpu.core_type<tc>, window_params = [{transform_indices = @transform_0, window_bounds = array<i64: 1024, 128>}, {transform_indices = @transform_1, window_bounds = array<i64: 1024, 128>}, {pipeline_mode = #tpu.pipeline_mode<synchronous>, transform_indices = @transform_2, window_bounds = array<i64: 128, 64>}, {pipeline_mode = #tpu.pipeline_mode<synchronous>, transform_indices = @transform_3, window_bounds = array<i64: 8, 64>}, {transform_indices = @transform_4, window_bounds = array<i64: 1024, 64>}]} {
    %get3A = arith.constant 0 : index
    %get3A_0 = arith.constant 0 : index
    %get3A_1 = vector.load %arg2[%get3A, %get3A_0] : memref<1024x128xf32, #tpu.memory_space<vmem>>, vector<1024x128xf32>
    %get3A_2 = arith.constant 0 : index
    %get3A_3 = arith.constant 0 : index
    %get3A_4 = vector.load %arg3[%get3A_2, %get3A_3] : memref<1024x128xf32, #tpu.memory_space<vmem>>, vector<1024x128xf32>
    %iota3A = tpu.iota {dimensions = array<i32: 1>} : vector<1024x128xi32>
    %lt3A = arith.constant 64 : i32
    %lt3A_5 = vector.broadcast %lt3A : i32 to vector<1024x128xi32>
    %lt3A_6 = arith.cmpi slt, %iota3A, %lt3A_5 : vector<1024x128xi32>
    %sub3A = arith.subf %get3A_1, %get3A_4 : vector<1024x128xf32>
    %select_n3A = arith.select %lt3A_6, %sub3A, %get3A_4 : vector<1024x128xi1>, vector<1024x128xf32>
    %get3A_7 = arith.constant 0 : index
    %get3A_8 = arith.constant 0 : index
    %get3A_9 = vector.load %arg4[%get3A_7, %get3A_8] : memref<128x64xf32, #tpu.memory_space<vmem>>, vector<128x64xf32>
    %dot_general3A = arith.constant dense<0.000000e+00> : vector<1024x64xf32>
    %dot_general3A_10 = tpu.matmul %select_n3A, %get3A_9, %dot_general3A {dimension_numbers = #tpu.dot_dimension_numbers<[1], [0], [0], [1], [0, 0, 1, 1], [], []>, transpose_lhs_hint = false} : vector<1024x128xf32>, vector<128x64xf32>, vector<1024x64xf32> -> vector<1024x64xf32>
    %eq3A = arith.constant 0 : i32
    %eq3A_11 = arith.cmpi eq, %arg0, %eq3A : i32
    %eq3A_12 = arith.constant 0 : i32
    %eq3A_13 = arith.cmpi eq, %arg1, %eq3A_12 : i32
    %and3A = arith.andi %eq3A_11, %eq3A_13 : i1
    %convert_element_type3A = arith.extui %and3A : i1 to i32
    %cond3A = arith.constant 0 : i32
    %cond3A_14 = arith.cmpi ne, %convert_element_type3A, %cond3A : i32
    scf.if %cond3A_14 {
      %broadcast_in_dim3A = arith.constant 0.000000e+00 : f32
      %broadcast_in_dim3A_77 = vector.broadcast %broadcast_in_dim3A : f32 to vector<8x64xf32>
      %swap3A_78 = arith.constant 0 : index
      %swap3A_79 = arith.constant 0 : index
      %swap3A_80 = vector.load %arg5[%swap3A_78, %swap3A_79] : memref<8x64xf32, #tpu.memory_space<vmem>>, vector<8x64xf32>
      tpu.vector_store %arg5[%swap3A_78, %swap3A_79], %broadcast_in_dim3A_77 {strides = array<i32>} : memref<8x64xf32, #tpu.memory_space<vmem>>, vector<8x64xf32>,
    } else {
    }
    %reduce_sum3A = arith.constant dense<0.000000e+00> : vector<64xf32>
    %reduce_sum3A_15 = vector.multi_reduction <add>, %dot_general3A_10, %reduce_sum3A [0] : vector<1024x64xf32> to vector<64xf32>
    %mul3A = arith.mulf %dot_general3A_10, %dot_general3A_10 : vector<1024x64xf32>
    %reduce_sum3A_16 = arith.constant dense<0.000000e+00> : vector<64xf32>
    %reduce_sum3A_17 = vector.multi_reduction <add>, %mul3A, %reduce_sum3A_16 [0] : vector<1024x64xf32> to vector<64xf32>
    %get3A_18 = arith.constant 2 : index
    %get3A_19 = arith.constant 0 : index
    %get3A_20 = vector.load %arg5[%get3A_18, %get3A_19] : memref<8x64xf32, #tpu.memory_space<vmem>>, vector<1x64xf32>
    %get3A_21 = vector.shape_cast %get3A_20 : vector<1x64xf32> to vector<64xf32>
    %sub3A_22 = arith.subf %reduce_sum3A_15, %get3A_21 : vector<64xf32>
    %get3A_23 = arith.constant 0 : index
    %get3A_24 = arith.constant 0 : index
    %get3A_25 = vector.load %arg5[%get3A_23, %get3A_24] : memref<8x64xf32, #tpu.memory_space<vmem>>, vector<1x64xf32>
    %get3A_26 = vector.shape_cast %get3A_25 : vector<1x64xf32> to vector<64xf32>
    %add3A = arith.addf %get3A_26, %sub3A_22 : vector<64xf32>
    %get3A_27 = arith.constant 0 : index
    %get3A_28 = arith.constant 0 : index
    %get3A_29 = vector.load %arg5[%get3A_27, %get3A_28] : memref<8x64xf32, #tpu.memory_space<vmem>>, vector<1x64xf32>
    %get3A_30 = vector.shape_cast %get3A_29 : vector<1x64xf32> to vector<64xf32>
    %sub3A_31 = arith.subf %add3A, %get3A_30 : vector<64xf32>
    %sub3A_32 = arith.subf %sub3A_31, %sub3A_22 : vector<64xf32>
    %swap3A = arith.constant 2 : index
    %swap3A_33 = arith.constant 0 : index
    %swap3A_34 = vector.load %arg5[%swap3A, %swap3A_33] : memref<8x64xf32, #tpu.memory_space<vmem>>, vector<1x64xf32>
    %swap3A_35 = vector.shape_cast %swap3A_34 : vector<1x64xf32> to vector<64xf32>
    %swap3A_36 = vector.shape_cast %sub3A_32 : vector<64xf32> to vector<1x64xf32>
    tpu.vector_store %arg5[%swap3A, %swap3A_33], %swap3A_36 {strides = array<i32>} : memref<8x64xf32, #tpu.memory_space<vmem>>, vector<1x64xf32>,
    %swap3A_37 = arith.constant 0 : index
    %swap3A_38 = arith.constant 0 : index
    %swap3A_39 = vector.load %arg5[%swap3A_37, %swap3A_38] : memref<8x64xf32, #tpu.memory_space<vmem>>, vector<1x64xf32>
    %swap3A_40 = vector.shape_cast %swap3A_39 : vector<1x64xf32> to vector<64xf32>
    %swap3A_41 = vector.shape_cast %add3A : vector<64xf32> to vector<1x64xf32>
    tpu.vector_store %arg5[%swap3A_37, %swap3A_38], %swap3A_41 {strides = array<i32>} : memref<8x64xf32, #tpu.memory_space<vmem>>, vector<1x64xf32>,
    %get3A_42 = arith.constant 3 : index
    %get3A_43 = arith.constant 0 : index
    %get3A_44 = vector.load %arg5[%get3A_42, %get3A_43] : memref<8x64xf32, #tpu.memory_space<vmem>>, vector<1x64xf32>
    %get3A_45 = vector.shape_cast %get3A_44 : vector<1x64xf32> to vector<64xf32>
    %sub3A_46 = arith.subf %reduce_sum3A_17, %get3A_45 : vector<64xf32>
    %get3A_47 = arith.constant 1 : index
    %get3A_48 = arith.constant 0 : index
    %get3A_49 = vector.load %arg5[%get3A_47, %get3A_48] : memref<8x64xf32, #tpu.memory_space<vmem>>, vector<1x64xf32>
    %get3A_50 = vector.shape_cast %get3A_49 : vector<1x64xf32> to vector<64xf32>
    %add3A_51 = arith.addf %get3A_50, %sub3A_46 : vector<64xf32>
    %get3A_52 = arith.constant 1 : index
    %get3A_53 = arith.constant 0 : index
    %get3A_54 = vector.load %arg5[%get3A_52, %get3A_53] : memref<8x64xf32, #tpu.memory_space<vmem>>, vector<1x64xf32>
    %get3A_55 = vector.shape_cast %get3A_54 : vector<1x64xf32> to vector<64xf32>
    %sub3A_56 = arith.subf %add3A_51, %get3A_55 : vector<64xf32>
    %sub3A_57 = arith.subf %sub3A_56, %sub3A_46 : vector<64xf32>
    %swap3A_58 = arith.constant 3 : index
    %swap3A_59 = arith.constant 0 : index
    %swap3A_60 = vector.load %arg5[%swap3A_58, %swap3A_59] : memref<8x64xf32, #tpu.memory_space<vmem>>, vector<1x64xf32>
    %swap3A_61 = vector.shape_cast %swap3A_60 : vector<1x64xf32> to vector<64xf32>
    %swap3A_62 = vector.shape_cast %sub3A_57 : vector<64xf32> to vector<1x64xf32>
    tpu.vector_store %arg5[%swap3A_58, %swap3A_59], %swap3A_62 {strides = array<i32>} : memref<8x64xf32, #tpu.memory_space<vmem>>, vector<1x64xf32>,
    %swap3A_63 = arith.constant 1 : index
    %swap3A_64 = arith.constant 0 : index
    %swap3A_65 = vector.load %arg5[%swap3A_63, %swap3A_64] : memref<8x64xf32, #tpu.memory_space<vmem>>, vector<1x64xf32>
    %swap3A_66 = vector.shape_cast %swap3A_65 : vector<1x64xf32> to vector<64xf32>
    %swap3A_67 = vector.shape_cast %add3A_51 : vector<64xf32> to vector<1x64xf32>
    tpu.vector_store %arg5[%swap3A_63, %swap3A_64], %swap3A_67 {strides = array<i32>} : memref<8x64xf32, #tpu.memory_space<vmem>>, vector<1x64xf32>,
    %eq3A_68 = arith.constant 0 : i32
    %eq3A_69 = arith.cmpi eq, %arg1, %eq3A_68 : i32
    %convert_element_type3A_70 = arith.extui %eq3A_69 : i1 to i32
    %cond3A_71 = arith.constant 0 : i32
    %cond3A_72 = arith.cmpi ne, %convert_element_type3A_70, %cond3A_71 : i32
    scf.if %cond3A_72 {
      %swap3A_77 = arith.constant 0 : index
      %swap3A_78 = arith.constant 0 : index
      %swap3A_79 = vector.load %arg6[%swap3A_77, %swap3A_78] : memref<1024x64xf32, #tpu.memory_space<vmem>>, vector<1024x64xf32>
      tpu.vector_store %arg6[%swap3A_77, %swap3A_78], %dot_general3A_10 {strides = array<i32>} : memref<1024x64xf32, #tpu.memory_space<vmem>>, vector<1024x64xf32>,
    } else {
    }
    %gt3A = arith.constant 0 : i32
    %gt3A_73 = arith.cmpi sgt, %arg1, %gt3A : i32
    %convert_element_type3A_74 = arith.extui %gt3A_73 : i1 to i32
    %cond3A_75 = arith.constant 0 : i32
    %cond3A_76 = arith.cmpi ne, %convert_element_type3A_74, %cond3A_75 : i32
    scf.if %cond3A_76 {
      %get3A_77 = arith.constant 0 : index
      %get3A_78 = arith.constant 0 : index
      %get3A_79 = vector.load %arg6[%get3A_77, %get3A_78] : memref<1024x64xf32, #tpu.memory_space<vmem>>, vector<1024x64xf32>
      %max3A = arith.maximumf %get3A_79, %dot_general3A_10 : vector<1024x64xf32>
      %swap3A_80 = arith.constant 0 : index
      %swap3A_81 = arith.constant 0 : index
      %swap3A_82 = vector.load %arg6[%swap3A_80, %swap3A_81] : memref<1024x64xf32, #tpu.memory_space<vmem>>, vector<1024x64xf32>
      tpu.vector_store %arg6[%swap3A_80, %swap3A_81], %max3A {strides = array<i32>} : memref<1024x64xf32, #tpu.memory_space<vmem>>, vector<1024x64xf32>,
    } else {
    }
    return
  }
  func.func @transform_0(%arg0: i32, %arg1: i32) -> (i32, i32) {
    %mul3A = arith.constant 16 : i32
    %mul3A_0 = arith.muli %arg1, %mul3A : i32
    %add3A = arith.addi %mul3A_0, %arg0 : i32
    %c0_i32 = arith.constant 0 : i32
    %c0_i32_1 = arith.constant 0 : i32
    return %add3A, %c0_i32 : i32, i32
  }
  func.func @transform_1(%arg0: i32, %arg1: i32) -> (i32, i32) {
    %c0_i32 = arith.constant 0 : i32
    %c0_i32_0 = arith.constant 0 : i32
    return %arg0, %c0_i32 : i32, i32
  }
  func.func @transform_2(%arg0: i32, %arg1: i32) -> (i32, i32) {
    %c0_i32 = arith.constant 0 : i32
    %c0_i32_0 = arith.constant 0 : i32
    %c0_i32_1 = arith.constant 0 : i32
    return %c0_i32, %c0_i32_0 : i32, i32
  }
  func.func @transform_3(%arg0: i32, %arg1: i32) -> (i32, i32) {
    %c0_i32 = arith.constant 0 : i32
    %c0_i32_0 = arith.constant 0 : i32
    %c0_i32_1 = arith.constant 0 : i32
    return %c0_i32, %c0_i32_0 : i32, i32
  }
  func.func @transform_4(%arg0: i32, %arg1: i32) -> (i32, i32) {
    %c0_i32 = arith.constant 0 : i32
    %c0_i32_0 = arith.constant 0 : i32
    return %arg0, %c0_i32 : i32, i32
  }
}

module attributes {stable_mosaic.version = 14 : i64} {
  func.func @_mlp1_body(%arg0: i32, %arg1: memref<512x192xf32, #tpu.memory_space<vmem>>, %arg2: memref<192x512xf32, #tpu.memory_space<vmem>>, %arg3: memref<512x512xf32, #tpu.memory_space<vmem>>, %arg4: memref<8x512xf32, #tpu.memory_space<vmem>>) attributes {dimension_semantics = [#tpu.dimension_semantics<arbitrary>], iteration_bounds = array<i64: 32>, scalar_prefetch = 0 : i64, scratch_operands = 0 : i64, tpu.core_type = #tpu.core_type<tc>, window_params = [{transform_indices = @transform_0, window_bounds = array<i64: 512, 192>}, {pipeline_mode = #tpu.pipeline_mode<synchronous>, transform_indices = @transform_1, window_bounds = array<i64: 192, 512>}, {transform_indices = @transform_2, window_bounds = array<i64: 512, 512>}, {pipeline_mode = #tpu.pipeline_mode<synchronous>, transform_indices = @transform_3, window_bounds = array<i64: 8, 512>}]} {
    %get3A = arith.constant 0 : index
    %get3A_0 = arith.constant 0 : index
    %get3A_1 = vector.load %arg1[%get3A, %get3A_0] : memref<512x192xf32, #tpu.memory_space<vmem>>, vector<512x192xf32>
    %get3A_2 = arith.constant 0 : index
    %get3A_3 = arith.constant 0 : index
    %get3A_4 = vector.load %arg2[%get3A_2, %get3A_3] : memref<192x512xf32, #tpu.memory_space<vmem>>, vector<192x512xf32>
    %dot_general3A = arith.constant dense<0.000000e+00> : vector<512x512xf32>
    %dot_general3A_5 = tpu.matmul %get3A_1, %get3A_4, %dot_general3A {dimension_numbers = #tpu.dot_dimension_numbers<[1], [0], [0], [1], [0, 0, 1, 1], [], []>, transpose_lhs_hint = false} : vector<512x192xf32>, vector<192x512xf32>, vector<512x512xf32> -> vector<512x512xf32>
    %eq3A = arith.constant 0 : i32
    %eq3A_6 = arith.cmpi eq, %arg0, %eq3A : i32
    %convert_element_type3A = arith.extui %eq3A_6 : i1 to i32
    %cond3A = arith.constant 0 : i32
    %cond3A_7 = arith.cmpi ne, %convert_element_type3A, %cond3A : i32
    scf.if %cond3A_7 {
      %broadcast_in_dim3A = arith.constant 0.000000e+00 : f32
      %broadcast_in_dim3A_63 = vector.broadcast %broadcast_in_dim3A : f32 to vector<8x512xf32>
      %swap3A_64 = arith.constant 0 : index
      %swap3A_65 = arith.constant 0 : index
      %swap3A_66 = vector.load %arg4[%swap3A_64, %swap3A_65] : memref<8x512xf32, #tpu.memory_space<vmem>>, vector<8x512xf32>
      tpu.vector_store %arg4[%swap3A_64, %swap3A_65], %broadcast_in_dim3A_63 {strides = array<i32>} : memref<8x512xf32, #tpu.memory_space<vmem>>, vector<8x512xf32>,
    } else {
    }
    %reduce_sum3A = arith.constant dense<0.000000e+00> : vector<512xf32>
    %reduce_sum3A_8 = vector.multi_reduction <add>, %dot_general3A_5, %reduce_sum3A [0] : vector<512x512xf32> to vector<512xf32>
    %mul3A = arith.mulf %dot_general3A_5, %dot_general3A_5 : vector<512x512xf32>
    %reduce_sum3A_9 = arith.constant dense<0.000000e+00> : vector<512xf32>
    %reduce_sum3A_10 = vector.multi_reduction <add>, %mul3A, %reduce_sum3A_9 [0] : vector<512x512xf32> to vector<512xf32>
    %get3A_11 = arith.constant 2 : index
    %get3A_12 = arith.constant 0 : index
    %get3A_13 = vector.load %arg4[%get3A_11, %get3A_12] : memref<8x512xf32, #tpu.memory_space<vmem>>, vector<1x512xf32>
    %get3A_14 = vector.shape_cast %get3A_13 : vector<1x512xf32> to vector<512xf32>
    %sub3A = arith.subf %reduce_sum3A_8, %get3A_14 : vector<512xf32>
    %get3A_15 = arith.constant 0 : index
    %get3A_16 = arith.constant 0 : index
    %get3A_17 = vector.load %arg4[%get3A_15, %get3A_16] : memref<8x512xf32, #tpu.memory_space<vmem>>, vector<1x512xf32>
    %get3A_18 = vector.shape_cast %get3A_17 : vector<1x512xf32> to vector<512xf32>
    %add3A = arith.addf %get3A_18, %sub3A : vector<512xf32>
    %get3A_19 = arith.constant 0 : index
    %get3A_20 = arith.constant 0 : index
    %get3A_21 = vector.load %arg4[%get3A_19, %get3A_20] : memref<8x512xf32, #tpu.memory_space<vmem>>, vector<1x512xf32>
    %get3A_22 = vector.shape_cast %get3A_21 : vector<1x512xf32> to vector<512xf32>
    %sub3A_23 = arith.subf %add3A, %get3A_22 : vector<512xf32>
    %sub3A_24 = arith.subf %sub3A_23, %sub3A : vector<512xf32>
    %swap3A = arith.constant 2 : index
    %swap3A_25 = arith.constant 0 : index
    %swap3A_26 = vector.load %arg4[%swap3A, %swap3A_25] : memref<8x512xf32, #tpu.memory_space<vmem>>, vector<1x512xf32>
    %swap3A_27 = vector.shape_cast %swap3A_26 : vector<1x512xf32> to vector<512xf32>
    %swap3A_28 = vector.shape_cast %sub3A_24 : vector<512xf32> to vector<1x512xf32>
    tpu.vector_store %arg4[%swap3A, %swap3A_25], %swap3A_28 {strides = array<i32>} : memref<8x512xf32, #tpu.memory_space<vmem>>, vector<1x512xf32>,
    %swap3A_29 = arith.constant 0 : index
    %swap3A_30 = arith.constant 0 : index
    %swap3A_31 = vector.load %arg4[%swap3A_29, %swap3A_30] : memref<8x512xf32, #tpu.memory_space<vmem>>, vector<1x512xf32>
    %swap3A_32 = vector.shape_cast %swap3A_31 : vector<1x512xf32> to vector<512xf32>
    %swap3A_33 = vector.shape_cast %add3A : vector<512xf32> to vector<1x512xf32>
    tpu.vector_store %arg4[%swap3A_29, %swap3A_30], %swap3A_33 {strides = array<i32>} : memref<8x512xf32, #tpu.memory_space<vmem>>, vector<1x512xf32>,
    %get3A_34 = arith.constant 3 : index
    %get3A_35 = arith.constant 0 : index
    %get3A_36 = vector.load %arg4[%get3A_34, %get3A_35] : memref<8x512xf32, #tpu.memory_space<vmem>>, vector<1x512xf32>
    %get3A_37 = vector.shape_cast %get3A_36 : vector<1x512xf32> to vector<512xf32>
    %sub3A_38 = arith.subf %reduce_sum3A_10, %get3A_37 : vector<512xf32>
    %get3A_39 = arith.constant 1 : index
    %get3A_40 = arith.constant 0 : index
    %get3A_41 = vector.load %arg4[%get3A_39, %get3A_40] : memref<8x512xf32, #tpu.memory_space<vmem>>, vector<1x512xf32>
    %get3A_42 = vector.shape_cast %get3A_41 : vector<1x512xf32> to vector<512xf32>
    %add3A_43 = arith.addf %get3A_42, %sub3A_38 : vector<512xf32>
    %get3A_44 = arith.constant 1 : index
    %get3A_45 = arith.constant 0 : index
    %get3A_46 = vector.load %arg4[%get3A_44, %get3A_45] : memref<8x512xf32, #tpu.memory_space<vmem>>, vector<1x512xf32>
    %get3A_47 = vector.shape_cast %get3A_46 : vector<1x512xf32> to vector<512xf32>
    %sub3A_48 = arith.subf %add3A_43, %get3A_47 : vector<512xf32>
    %sub3A_49 = arith.subf %sub3A_48, %sub3A_38 : vector<512xf32>
    %swap3A_50 = arith.constant 3 : index
    %swap3A_51 = arith.constant 0 : index
    %swap3A_52 = vector.load %arg4[%swap3A_50, %swap3A_51] : memref<8x512xf32, #tpu.memory_space<vmem>>, vector<1x512xf32>
    %swap3A_53 = vector.shape_cast %swap3A_52 : vector<1x512xf32> to vector<512xf32>
    %swap3A_54 = vector.shape_cast %sub3A_49 : vector<512xf32> to vector<1x512xf32>
    tpu.vector_store %arg4[%swap3A_50, %swap3A_51], %swap3A_54 {strides = array<i32>} : memref<8x512xf32, #tpu.memory_space<vmem>>, vector<1x512xf32>,
    %swap3A_55 = arith.constant 1 : index
    %swap3A_56 = arith.constant 0 : index
    %swap3A_57 = vector.load %arg4[%swap3A_55, %swap3A_56] : memref<8x512xf32, #tpu.memory_space<vmem>>, vector<1x512xf32>
    %swap3A_58 = vector.shape_cast %swap3A_57 : vector<1x512xf32> to vector<512xf32>
    %swap3A_59 = vector.shape_cast %add3A_43 : vector<512xf32> to vector<1x512xf32>
    tpu.vector_store %arg4[%swap3A_55, %swap3A_56], %swap3A_59 {strides = array<i32>} : memref<8x512xf32, #tpu.memory_space<vmem>>, vector<1x512xf32>,
    %swap3A_60 = arith.constant 0 : index
    %swap3A_61 = arith.constant 0 : index
    %swap3A_62 = vector.load %arg3[%swap3A_60, %swap3A_61] : memref<512x512xf32, #tpu.memory_space<vmem>>, vector<512x512xf32>
    tpu.vector_store %arg3[%swap3A_60, %swap3A_61], %dot_general3A_5 {strides = array<i32>} : memref<512x512xf32, #tpu.memory_space<vmem>>, vector<512x512xf32>,
    return
  }
  func.func @transform_0(%arg0: i32) -> (i32, i32) {
    %c0_i32 = arith.constant 0 : i32
    %c0_i32_0 = arith.constant 0 : i32
    return %arg0, %c0_i32 : i32, i32
  }
  func.func @transform_1(%arg0: i32) -> (i32, i32) {
    %c0_i32 = arith.constant 0 : i32
    %c0_i32_0 = arith.constant 0 : i32
    %c0_i32_1 = arith.constant 0 : i32
    return %c0_i32, %c0_i32_0 : i32, i32
  }
  func.func @transform_2(%arg0: i32) -> (i32, i32) {
    %c0_i32 = arith.constant 0 : i32
    %c0_i32_0 = arith.constant 0 : i32
    return %arg0, %c0_i32 : i32, i32
  }
  func.func @transform_3(%arg0: i32) -> (i32, i32) {
    %c0_i32 = arith.constant 0 : i32
    %c0_i32_0 = arith.constant 0 : i32
    %c0_i32_1 = arith.constant 0 : i32
    return %c0_i32, %c0_i32_0 : i32, i32
  }
}

module attributes {stable_mosaic.version = 14 : i64} {
  func.func @_mlp2_body(%arg0: i32, %arg1: memref<512x512xf32, #tpu.memory_space<vmem>>, %arg2: memref<8x512xf32, #tpu.memory_space<vmem>>, %arg3: memref<512x256xf32, #tpu.memory_space<vmem>>, %arg4: memref<512x256xf32, #tpu.memory_space<vmem>>, %arg5: memref<8x256xf32, #tpu.memory_space<vmem>>) attributes {dimension_semantics = [#tpu.dimension_semantics<arbitrary>], iteration_bounds = array<i64: 32>, scalar_prefetch = 0 : i64, scratch_operands = 0 : i64, tpu.core_type = #tpu.core_type<tc>, window_params = [{transform_indices = @transform_0, window_bounds = array<i64: 512, 512>}, {pipeline_mode = #tpu.pipeline_mode<synchronous>, transform_indices = @transform_1, window_bounds = array<i64: 8, 512>}, {pipeline_mode = #tpu.pipeline_mode<synchronous>, transform_indices = @transform_2, window_bounds = array<i64: 512, 256>}, {transform_indices = @transform_3, window_bounds = array<i64: 512, 256>}, {pipeline_mode = #tpu.pipeline_mode<synchronous>, transform_indices = @transform_4, window_bounds = array<i64: 8, 256>}]} {
    %get3A = arith.constant 0 : index
    %get3A_0 = arith.constant 0 : index
    %get3A_1 = vector.load %arg1[%get3A, %get3A_0] : memref<512x512xf32, #tpu.memory_space<vmem>>, vector<512x512xf32>
    %get3A_2 = arith.constant 0 : index
    %get3A_3 = arith.constant 0 : index
    %get3A_4 = vector.load %arg2[%get3A_2, %get3A_3] : memref<8x512xf32, #tpu.memory_space<vmem>>, vector<1x512xf32>
    %get3A_5 = vector.shape_cast %get3A_4 : vector<1x512xf32> to vector<512xf32>
    %div3A = arith.constant 1.638400e+04 : f32
    %div3A_6 = vector.broadcast %div3A : f32 to vector<512xf32>
    %div3A_7 = arith.divf %get3A_5, %div3A_6 : vector<512xf32>
    %get3A_8 = arith.constant 1 : index
    %get3A_9 = arith.constant 0 : index
    %get3A_10 = vector.load %arg2[%get3A_8, %get3A_9] : memref<8x512xf32, #tpu.memory_space<vmem>>, vector<1x512xf32>
    %get3A_11 = vector.shape_cast %get3A_10 : vector<1x512xf32> to vector<512xf32>
    %div3A_12 = arith.constant 1.638400e+04 : f32
    %div3A_13 = vector.broadcast %div3A_12 : f32 to vector<512xf32>
    %div3A_14 = arith.divf %get3A_11, %div3A_13 : vector<512xf32>
    %mul3A = arith.mulf %div3A_7, %div3A_7 : vector<512xf32>
    %sub3A = arith.subf %div3A_14, %mul3A : vector<512xf32>
    %add3A = arith.constant 9.99999974E-6 : f32
    %add3A_15 = vector.broadcast %add3A : f32 to vector<512xf32>
    %add3A_16 = arith.addf %sub3A, %add3A_15 : vector<512xf32>
    %sqrt3A = math.sqrt %add3A_16 : vector<512xf32>
    %broadcast_in_dim3A = vector.shape_cast %div3A_7 : vector<512xf32> to vector<1x512xf32>
    %sub3A_17 = vector.broadcast %broadcast_in_dim3A : vector<1x512xf32> to vector<512x512xf32>
    %sub3A_18 = arith.subf %get3A_1, %sub3A_17 : vector<512x512xf32>
    %broadcast_in_dim3A_19 = vector.shape_cast %sqrt3A : vector<512xf32> to vector<1x512xf32>
    %div3A_20 = vector.broadcast %broadcast_in_dim3A_19 : vector<1x512xf32> to vector<512x512xf32>
    %div3A_21 = arith.divf %sub3A_18, %div3A_20 : vector<512x512xf32>
    %gt3A = arith.constant 0.000000e+00 : f32
    %gt3A_22 = vector.broadcast %gt3A : f32 to vector<512x512xf32>
    %gt3A_23 = arith.cmpf ogt, %div3A_21, %gt3A_22 : vector<512x512xf32>
    %mul3A_24 = arith.constant 2.000000e-01 : f32
    %mul3A_25 = vector.broadcast %mul3A_24 : f32 to vector<512x512xf32>
    %mul3A_26 = arith.mulf %mul3A_25, %div3A_21 : vector<512x512xf32>
    %select_n3A = arith.select %gt3A_23, %div3A_21, %mul3A_26 : vector<512x512xi1>, vector<512x512xf32>
    %get3A_27 = arith.constant 0 : index
    %get3A_28 = arith.constant 0 : index
    %get3A_29 = vector.load %arg3[%get3A_27, %get3A_28] : memref<512x256xf32, #tpu.memory_space<vmem>>, vector<512x256xf32>
    %dot_general3A = arith.constant dense<0.000000e+00> : vector<512x256xf32>
    %dot_general3A_30 = tpu.matmul %select_n3A, %get3A_29, %dot_general3A {dimension_numbers = #tpu.dot_dimension_numbers<[1], [0], [0], [1], [0, 0, 1, 1], [], []>, transpose_lhs_hint = false} : vector<512x512xf32>, vector<512x256xf32>, vector<512x256xf32> -> vector<512x256xf32>
    %eq3A = arith.constant 0 : i32
    %eq3A_31 = arith.cmpi eq, %arg0, %eq3A : i32
    %convert_element_type3A = arith.extui %eq3A_31 : i1 to i32
    %cond3A = arith.constant 0 : i32
    %cond3A_32 = arith.cmpi ne, %convert_element_type3A, %cond3A : i32
    scf.if %cond3A_32 {
      %broadcast_in_dim3A_91 = arith.constant 0.000000e+00 : f32
      %broadcast_in_dim3A_92 = vector.broadcast %broadcast_in_dim3A_91 : f32 to vector<8x256xf32>
      %swap3A_93 = arith.constant 0 : index
      %swap3A_94 = arith.constant 0 : index
      %swap3A_95 = vector.load %arg5[%swap3A_93, %swap3A_94] : memref<8x256xf32, #tpu.memory_space<vmem>>, vector<8x256xf32>
      tpu.vector_store %arg5[%swap3A_93, %swap3A_94], %broadcast_in_dim3A_92 {strides = array<i32>} : memref<8x256xf32, #tpu.memory_space<vmem>>, vector<8x256xf32>,
    } else {
    }
    %reduce_sum3A = arith.constant dense<0.000000e+00> : vector<256xf32>
    %reduce_sum3A_33 = vector.multi_reduction <add>, %dot_general3A_30, %reduce_sum3A [0] : vector<512x256xf32> to vector<256xf32>
    %mul3A_34 = arith.mulf %dot_general3A_30, %dot_general3A_30 : vector<512x256xf32>
    %reduce_sum3A_35 = arith.constant dense<0.000000e+00> : vector<256xf32>
    %reduce_sum3A_36 = vector.multi_reduction <add>, %mul3A_34, %reduce_sum3A_35 [0] : vector<512x256xf32> to vector<256xf32>
    %get3A_37 = arith.constant 2 : index
    %get3A_38 = arith.constant 0 : index
    %get3A_39 = vector.load %arg5[%get3A_37, %get3A_38] : memref<8x256xf32, #tpu.memory_space<vmem>>, vector<1x256xf32>
    %get3A_40 = vector.shape_cast %get3A_39 : vector<1x256xf32> to vector<256xf32>
    %sub3A_41 = arith.subf %reduce_sum3A_33, %get3A_40 : vector<256xf32>
    %get3A_42 = arith.constant 0 : index
    %get3A_43 = arith.constant 0 : index
    %get3A_44 = vector.load %arg5[%get3A_42, %get3A_43] : memref<8x256xf32, #tpu.memory_space<vmem>>, vector<1x256xf32>
    %get3A_45 = vector.shape_cast %get3A_44 : vector<1x256xf32> to vector<256xf32>
    %add3A_46 = arith.addf %get3A_45, %sub3A_41 : vector<256xf32>
    %get3A_47 = arith.constant 0 : index
    %get3A_48 = arith.constant 0 : index
    %get3A_49 = vector.load %arg5[%get3A_47, %get3A_48] : memref<8x256xf32, #tpu.memory_space<vmem>>, vector<1x256xf32>
    %get3A_50 = vector.shape_cast %get3A_49 : vector<1x256xf32> to vector<256xf32>
    %sub3A_51 = arith.subf %add3A_46, %get3A_50 : vector<256xf32>
    %sub3A_52 = arith.subf %sub3A_51, %sub3A_41 : vector<256xf32>
    %swap3A = arith.constant 2 : index
    %swap3A_53 = arith.constant 0 : index
    %swap3A_54 = vector.load %arg5[%swap3A, %swap3A_53] : memref<8x256xf32, #tpu.memory_space<vmem>>, vector<1x256xf32>
    %swap3A_55 = vector.shape_cast %swap3A_54 : vector<1x256xf32> to vector<256xf32>
    %swap3A_56 = vector.shape_cast %sub3A_52 : vector<256xf32> to vector<1x256xf32>
    tpu.vector_store %arg5[%swap3A, %swap3A_53], %swap3A_56 {strides = array<i32>} : memref<8x256xf32, #tpu.memory_space<vmem>>, vector<1x256xf32>,
    %swap3A_57 = arith.constant 0 : index
    %swap3A_58 = arith.constant 0 : index
    %swap3A_59 = vector.load %arg5[%swap3A_57, %swap3A_58] : memref<8x256xf32, #tpu.memory_space<vmem>>, vector<1x256xf32>
    %swap3A_60 = vector.shape_cast %swap3A_59 : vector<1x256xf32> to vector<256xf32>
    %swap3A_61 = vector.shape_cast %add3A_46 : vector<256xf32> to vector<1x256xf32>
    tpu.vector_store %arg5[%swap3A_57, %swap3A_58], %swap3A_61 {strides = array<i32>} : memref<8x256xf32, #tpu.memory_space<vmem>>, vector<1x256xf32>,
    %get3A_62 = arith.constant 3 : index
    %get3A_63 = arith.constant 0 : index
    %get3A_64 = vector.load %arg5[%get3A_62, %get3A_63] : memref<8x256xf32, #tpu.memory_space<vmem>>, vector<1x256xf32>
    %get3A_65 = vector.shape_cast %get3A_64 : vector<1x256xf32> to vector<256xf32>
    %sub3A_66 = arith.subf %reduce_sum3A_36, %get3A_65 : vector<256xf32>
    %get3A_67 = arith.constant 1 : index
    %get3A_68 = arith.constant 0 : index
    %get3A_69 = vector.load %arg5[%get3A_67, %get3A_68] : memref<8x256xf32, #tpu.memory_space<vmem>>, vector<1x256xf32>
    %get3A_70 = vector.shape_cast %get3A_69 : vector<1x256xf32> to vector<256xf32>
    %add3A_71 = arith.addf %get3A_70, %sub3A_66 : vector<256xf32>
    %get3A_72 = arith.constant 1 : index
    %get3A_73 = arith.constant 0 : index
    %get3A_74 = vector.load %arg5[%get3A_72, %get3A_73] : memref<8x256xf32, #tpu.memory_space<vmem>>, vector<1x256xf32>
    %get3A_75 = vector.shape_cast %get3A_74 : vector<1x256xf32> to vector<256xf32>
    %sub3A_76 = arith.subf %add3A_71, %get3A_75 : vector<256xf32>
    %sub3A_77 = arith.subf %sub3A_76, %sub3A_66 : vector<256xf32>
    %swap3A_78 = arith.constant 3 : index
    %swap3A_79 = arith.constant 0 : index
    %swap3A_80 = vector.load %arg5[%swap3A_78, %swap3A_79] : memref<8x256xf32, #tpu.memory_space<vmem>>, vector<1x256xf32>
    %swap3A_81 = vector.shape_cast %swap3A_80 : vector<1x256xf32> to vector<256xf32>
    %swap3A_82 = vector.shape_cast %sub3A_77 : vector<256xf32> to vector<1x256xf32>
    tpu.vector_store %arg5[%swap3A_78, %swap3A_79], %swap3A_82 {strides = array<i32>} : memref<8x256xf32, #tpu.memory_space<vmem>>, vector<1x256xf32>,
    %swap3A_83 = arith.constant 1 : index
    %swap3A_84 = arith.constant 0 : index
    %swap3A_85 = vector.load %arg5[%swap3A_83, %swap3A_84] : memref<8x256xf32, #tpu.memory_space<vmem>>, vector<1x256xf32>
    %swap3A_86 = vector.shape_cast %swap3A_85 : vector<1x256xf32> to vector<256xf32>
    %swap3A_87 = vector.shape_cast %add3A_71 : vector<256xf32> to vector<1x256xf32>
    tpu.vector_store %arg5[%swap3A_83, %swap3A_84], %swap3A_87 {strides = array<i32>} : memref<8x256xf32, #tpu.memory_space<vmem>>, vector<1x256xf32>,
    %swap3A_88 = arith.constant 0 : index
    %swap3A_89 = arith.constant 0 : index
    %swap3A_90 = vector.load %arg4[%swap3A_88, %swap3A_89] : memref<512x256xf32, #tpu.memory_space<vmem>>, vector<512x256xf32>
    tpu.vector_store %arg4[%swap3A_88, %swap3A_89], %dot_general3A_30 {strides = array<i32>} : memref<512x256xf32, #tpu.memory_space<vmem>>, vector<512x256xf32>,
    return
  }
  func.func @transform_0(%arg0: i32) -> (i32, i32) {
    %c0_i32 = arith.constant 0 : i32
    %c0_i32_0 = arith.constant 0 : i32
    return %arg0, %c0_i32 : i32, i32
  }
  func.func @transform_1(%arg0: i32) -> (i32, i32) {
    %c0_i32 = arith.constant 0 : i32
    %c0_i32_0 = arith.constant 0 : i32
    %c0_i32_1 = arith.constant 0 : i32
    return %c0_i32, %c0_i32_0 : i32, i32
  }
  func.func @transform_2(%arg0: i32) -> (i32, i32) {
    %c0_i32 = arith.constant 0 : i32
    %c0_i32_0 = arith.constant 0 : i32
    %c0_i32_1 = arith.constant 0 : i32
    return %c0_i32, %c0_i32_0 : i32, i32
  }
  func.func @transform_3(%arg0: i32) -> (i32, i32) {
    %c0_i32 = arith.constant 0 : i32
    %c0_i32_0 = arith.constant 0 : i32
    return %arg0, %c0_i32 : i32, i32
  }
  func.func @transform_4(%arg0: i32) -> (i32, i32) {
    %c0_i32 = arith.constant 0 : i32
    %c0_i32_0 = arith.constant 0 : i32
    %c0_i32_1 = arith.constant 0 : i32
    return %c0_i32, %c0_i32_0 : i32, i32
  }
}

module attributes {stable_mosaic.version = 14 : i64} {
  func.func @_mlp_fin_body(%arg0: i32, %arg1: memref<512x256xf32, #tpu.memory_space<vmem>>, %arg2: memref<8x256xf32, #tpu.memory_space<vmem>>, %arg3: memref<1x256x512xf32, #tpu.memory_space<vmem>>) attributes {dimension_semantics = [#tpu.dimension_semantics<arbitrary>], iteration_bounds = array<i64: 32>, scalar_prefetch = 0 : i64, scratch_operands = 0 : i64, tpu.core_type = #tpu.core_type<tc>, window_params = [{transform_indices = @transform_0, window_bounds = array<i64: 512, 256>}, {pipeline_mode = #tpu.pipeline_mode<synchronous>, transform_indices = @transform_1, window_bounds = array<i64: 8, 256>}, {transform_indices = @transform_2, window_bounds = array<i64: 1, 256, 512>}]} {
    %get3A = arith.constant 0 : index
    %get3A_0 = arith.constant 0 : index
    %get3A_1 = vector.load %arg1[%get3A, %get3A_0] : memref<512x256xf32, #tpu.memory_space<vmem>>, vector<512x256xf32>
    %get3A_2 = arith.constant 0 : index
    %get3A_3 = arith.constant 0 : index
    %get3A_4 = vector.load %arg2[%get3A_2, %get3A_3] : memref<8x256xf32, #tpu.memory_space<vmem>>, vector<1x256xf32>
    %get3A_5 = vector.shape_cast %get3A_4 : vector<1x256xf32> to vector<256xf32>
    %div3A = arith.constant 1.638400e+04 : f32
    %div3A_6 = vector.broadcast %div3A : f32 to vector<256xf32>
    %div3A_7 = arith.divf %get3A_5, %div3A_6 : vector<256xf32>
    %get3A_8 = arith.constant 1 : index
    %get3A_9 = arith.constant 0 : index
    %get3A_10 = vector.load %arg2[%get3A_8, %get3A_9] : memref<8x256xf32, #tpu.memory_space<vmem>>, vector<1x256xf32>
    %get3A_11 = vector.shape_cast %get3A_10 : vector<1x256xf32> to vector<256xf32>
    %div3A_12 = arith.constant 1.638400e+04 : f32
    %div3A_13 = vector.broadcast %div3A_12 : f32 to vector<256xf32>
    %div3A_14 = arith.divf %get3A_11, %div3A_13 : vector<256xf32>
    %mul3A = arith.mulf %div3A_7, %div3A_7 : vector<256xf32>
    %sub3A = arith.subf %div3A_14, %mul3A : vector<256xf32>
    %add3A = arith.constant 9.99999974E-6 : f32
    %add3A_15 = vector.broadcast %add3A : f32 to vector<256xf32>
    %add3A_16 = arith.addf %sub3A, %add3A_15 : vector<256xf32>
    %sqrt3A = math.sqrt %add3A_16 : vector<256xf32>
    %broadcast_in_dim3A = vector.shape_cast %div3A_7 : vector<256xf32> to vector<1x256xf32>
    %sub3A_17 = vector.broadcast %broadcast_in_dim3A : vector<1x256xf32> to vector<512x256xf32>
    %sub3A_18 = arith.subf %get3A_1, %sub3A_17 : vector<512x256xf32>
    %broadcast_in_dim3A_19 = vector.shape_cast %sqrt3A : vector<256xf32> to vector<1x256xf32>
    %div3A_20 = vector.broadcast %broadcast_in_dim3A_19 : vector<1x256xf32> to vector<512x256xf32>
    %div3A_21 = arith.divf %sub3A_18, %div3A_20 : vector<512x256xf32>
    %gt3A = arith.constant 0.000000e+00 : f32
    %gt3A_22 = vector.broadcast %gt3A : f32 to vector<512x256xf32>
    %gt3A_23 = arith.cmpf ogt, %div3A_21, %gt3A_22 : vector<512x256xf32>
    %mul3A_24 = arith.constant 2.000000e-01 : f32
    %mul3A_25 = vector.broadcast %mul3A_24 : f32 to vector<512x256xf32>
    %mul3A_26 = arith.mulf %mul3A_25, %div3A_21 : vector<512x256xf32>
    %select_n3A = arith.select %gt3A_23, %div3A_21, %mul3A_26 : vector<512x256xi1>, vector<512x256xf32>
    %transpose3A = tpu.transpose %select_n3A, [1, 0] : vector<512x256xf32> -> vector<256x512xf32>
    %swap3A = arith.constant 0 : index
    %swap3A_27 = arith.constant 0 : index
    %swap3A_28 = arith.constant 0 : index
    %swap3A_29 = vector.load %arg3[%swap3A, %swap3A_27, %swap3A_28] : memref<1x256x512xf32, #tpu.memory_space<vmem>>, vector<1x256x512xf32>
    %swap3A_30 = vector.shape_cast %swap3A_29 : vector<1x256x512xf32> to vector<256x512xf32>
    %swap3A_31 = vector.shape_cast %transpose3A : vector<256x512xf32> to vector<1x256x512xf32>
    tpu.vector_store %arg3[%swap3A, %swap3A_27, %swap3A_28], %swap3A_31 {strides = array<i32>} : memref<1x256x512xf32, #tpu.memory_space<vmem>>, vector<1x256x512xf32>,
    return
  }
  func.func @transform_0(%arg0: i32) -> (i32, i32) {
    %c0_i32 = arith.constant 0 : i32
    %c0_i32_0 = arith.constant 0 : i32
    return %arg0, %c0_i32 : i32, i32
  }
  func.func @transform_1(%arg0: i32) -> (i32, i32) {
    %c0_i32 = arith.constant 0 : i32
    %c0_i32_0 = arith.constant 0 : i32
    %c0_i32_1 = arith.constant 0 : i32
    return %c0_i32, %c0_i32_0 : i32, i32
  }
  func.func @transform_2(%arg0: i32) -> (i32, i32, i32) {
    %jit3A = arith.constant 8 : i32
    %div3A = arith.divsi %arg0, %jit3A : i32
    %sign3A = arith.constant 0 : i32
    %sign3A_0 = arith.cmpi sgt, %arg0, %sign3A : i32
    %sign3A_1 = arith.extui %sign3A_0 : i1 to i32
    %sign3A_2 = arith.constant 0 : i32
    %sign3A_3 = arith.cmpi slt, %arg0, %sign3A_2 : i32
    %sign3A_4 = arith.extui %sign3A_3 : i1 to i32
    %sign3A_5 = arith.subi %sign3A_1, %sign3A_4 : i32
    %sign3A_6 = arith.constant 0 : i32
    %sign3A_7 = arith.cmpi sgt, %jit3A, %sign3A_6 : i32
    %sign3A_8 = arith.extui %sign3A_7 : i1 to i32
    %sign3A_9 = arith.constant 0 : i32
    %sign3A_10 = arith.cmpi slt, %jit3A, %sign3A_9 : i32
    %sign3A_11 = arith.extui %sign3A_10 : i1 to i32
    %sign3A_12 = arith.subi %sign3A_8, %sign3A_11 : i32
    %ne3A = arith.cmpi ne, %sign3A_5, %sign3A_12 : i32
    %rem3A = arith.remsi %arg0, %jit3A : i32
    %ne3A_13 = arith.constant 0 : i32
    %ne3A_14 = arith.cmpi ne, %rem3A, %ne3A_13 : i32
    %and3A = arith.andi %ne3A, %ne3A_14 : i1
    %sub3A = arith.constant 1 : i32
    %sub3A_15 = arith.subi %div3A, %sub3A : i32
    %select_n3A = arith.select %and3A, %sub3A_15, %div3A : i32
    %jit3A_16 = arith.constant 8 : i32
    %eq3A = arith.constant 0 : i32
    %eq3A_17 = arith.cmpi eq, %jit3A_16, %eq3A : i32
    %jit3A_18 = arith.constant 1 : i32
    %select_n3A_19 = arith.select %eq3A_17, %jit3A_18, %jit3A_16 : i32
    %rem3A_20 = arith.remsi %arg0, %select_n3A_19 : i32
    %ne3A_21 = arith.constant 0 : i32
    %ne3A_22 = arith.cmpi ne, %rem3A_20, %ne3A_21 : i32
    %lt3A = arith.constant 0 : i32
    %lt3A_23 = arith.cmpi slt, %rem3A_20, %lt3A : i32
    %lt3A_24 = arith.constant 0 : i32
    %lt3A_25 = arith.cmpi slt, %select_n3A_19, %lt3A_24 : i32
    %ne3A_26 = arith.xori %lt3A_23, %lt3A_25 : i1
    %and3A_27 = arith.andi %ne3A_26, %ne3A_22 : i1
    %add3A = arith.addi %rem3A_20, %select_n3A_19 : i32
    %select_n3A_28 = arith.select %and3A_27, %add3A, %rem3A_20 : i32
    %c0_i32 = arith.constant 0 : i32
    %c0_i32_29 = arith.constant 0 : i32
    return %select_n3A, %c0_i32, %select_n3A_28 : i32, i32, i32
  }
}

</mosaic_0001>

<sc_bundles>
// kernel: kernel.19.cloned.1.call-start
scs
__scs_entry_jumppad:
0x0: {  	(pc) =	sbr.rel $0x88, $3  }
0x1: {  	(tag) =	ssettag $0x0;
	lr =	simm.s32 $0x1  }
0x2: {  	[smem:$0x3F99] =	sst lr;
	_ =	strace $0xD0000000  }
0x3: {  	_ = 	snop  }
0x4: {  	_ = 	snop  }
0x5: {  	_ = 	snop  }
0x6: {  	_ = 	snop  }
0x7: {  	_ = 	snop  }
__scs_overlays_trampoline_lowered:
0x8: {  	[smem:$0x3FA8] =	sst s0  }
0x9: {  	[smem:$0x3FA9] =	sst s1  }
0xa: {  	[smem:$0x3FAA] =	sst s2  }
0xb: {  	[smem:$0x3FAB] =	sst s3  }
0xc: {  	[smem:$0x3FAC] =	sst s4  }
0xd: {  	[smem:$0x3FAD] =	sst s5  }
0xe: {  	[smem:$0x3FAE] =	sst s6  }
0xf: {  	[smem:$0x3FAF] =	sst s7  }
0x10: {  	[smem:$0x3FB0] =	sst s8  }
0x11: {  	[smem:$0x3FB1] =	sst s9;
	s0 =	simm.s32 @!p0 $0x0  }
0x12: {  	s1 =	sld [smem:$0x3F97];
	s0 =	simm.s32 @p0 $0x1  }
0x13: {  	[smem:$0x3FB2] =	sst s0;
	s0 =	simm.s32 @!p1 $0x0  }
0x14: {  	s2 =	sld [smem:$0x3F96];
	s0 =	simm.s32 @p1 $0x1  }
0x15: {  	[smem:$0x3FB3] =	sst s0;
	s0 =	simm.s32 @!p2 $0x0  }
0x16: {  	s3 =	sld [smem:$0x3FDB];
	s0 =	simm.s32 @p2 $0x1  }
0x17: {  	s4 =	simm.s32 $0x1BF5;
	[smem:$0x3FB5] =	sst s0  }
0x18: {  	s0 =	sld [smem:$0x3F98];
	_ =	swait.ge [sflag:s4], $0x0  }
0x19: {  	s7 =	sld [smem:$0x3F99]  }
0x1a: {  	s8 =	sadd.s32 $0xFFFFE003, lr  }
0x1b: {  	s9 =	sadd.s32 $0xFFFFFEF7, lr;
	s5 =	simm.s32 $0xFFFFFFFF;
	p2 =	slt.u32 s8, $0xFFFFF086  }
0x1c: {  	p1 =	slt.u32 s9, $0xF7A;
	s5 =	simm.s32 @!p2 $0x0  }
0x1d: {  	s5 =	simm.s32 @p1 $0x1;
	p0 =	seq.s32 s7, s2  }
0x1e: {  	s7 =	smul.u32 @!p0 $0xF7A, s2;
	p2 =	seq.s32 @!p0 s5, $0x0  }
0x1f: {  	s9 =	smul.u32 $0xF7A, s1;
	s8 =	simm.s32 @!p0 $0x1BF5;
	p2 =	por !p2, p0  }
0x20: {  	[sflag:s8] =	ssyncset.s32 @!p0 $0xFFFFF086;
	s6 =	sadd.s32 @!p0 s3, s7;
	s7 =	simm.s32 @!p0 $0x108  }
0x21: {  	s3 =	sadd.s32 s3, s9;
	s6 =	sadd.s32 @!p0 $0x88, s6;
	s7 =	simm.s32 @p2 $0x1082  }
0x22: {  	[simem:s7], [sflag:s8] =	dma.local @!p0 [hbm:s6], $0xF7A  }
0x23: {  	s9 =	sor.u32 $0xD0000000, s2;
	s6 =	simm.s32 $0x108;
	_ =	swait.ge @!p0 [sflag:s8], $0x0  }
0x24: {  	s3 =	sadd.s32 $0x88, s3;
	s6 =	simm.s32 @!p1 $0x1082;
	[sflag:s4] =	ssyncset.s32 $0xFFFFF086  }
0x25: {  	[simem:s6], [sflag:s4] =	dma.local [hbm:s3], $0xF7A  }
0x26: {  	[smem:$0x3F99] =	sst s1;
	(tag) =	ssettag s2;
	_ =	strace s9  }
0x27: {  	s1 =	sld [smem:$0x3FA9]  }
0x28: {  	s2 =	sld [smem:$0x3FAA]  }
0x29: {  	s4 =	sld [smem:$0x3FAC]  }
0x2a: {  	p0 =	seq.s32 s5, $0x0;
	s5 =	sld [smem:$0x3FAD]  }
0x2b: {  	s6 =	sld [smem:$0x3FAE]  }
0x2c: {  	s7 =	sld [smem:$0x3FAF]  }
0x2d: {  	s3 =	simm.s32 $0x108;
	s8 =	sld [smem:$0x3FB0]  }
0x2e: {  	s3 =	simm.s32 @!p0 $0x1082;
	s9 =	sld [smem:$0x3FB1]  }
0x2f: {  	lr =	sadd.s32 s0, s3;
	s0 =	sld [smem:$0x3FA8]  }
0x30: {  	s3 =	sld [smem:$0x3FAB]  }
0x31: {  	[smem:$0x3FB4] =	sst s10  }
0x32: {  	s10 =	sld [smem:$0x3FB2];
	_ =	sdelay $0x3  }
0x33: {  	p0 =	seq.s32 s10, $0x1;
	s10 =	sld [smem:$0x3FB4];
	_ =	sdelay $0x3  }
0x34: {  	[smem:$0x3FB4] =	sst s10  }
0x35: {  	s10 =	sld [smem:$0x3FB3];
	_ =	sdelay $0x3  }
0x36: {  	p1 =	seq.s32 s10, $0x1;
	s10 =	sld [smem:$0x3FB4];
	_ =	sdelay $0x3  }
0x37: {  	[smem:$0x3FB4] =	sst s10  }
0x38: {  	s10 =	sld [smem:$0x3FB5]  }
0x39: {  	_ = 	snop;
	(pc) =	sbr.ind lr, $3  }
0x3a: {  	_ = 	snop  }
0x3b: {  	_ = 	snop  }
0x3c: {  	p2 =	seq.s32 s10, $0x1;
	s10 =	sld [smem:$0x3FB4]  }
0x3d: {  	_ =	shalt  }
0x3e: {  	_ =	shalt  }
0x3f: {  	_ =	shalt  }
0x40: {  	_ =	shalt  }
0x41: {  	_ =	shalt  }
0x42: {  	_ =	shalt  }
0x43: {  	_ =	shalt  }
0x44: {  	_ =	shalt  }
0x45: {  	_ =	shalt  }
0x46: {  	_ =	shalt  }
0x47: {  	_ =	shalt  }
0x48: {  	_ =	shalt  }
0x49: {  	_ =	shalt  }
0x4a: {  	_ =	shalt  }
0x4b: {  	_ =	shalt  }
0x4c: {  	_ =	shalt  }
0x4d: {  	_ =	shalt  }
0x4e: {  	_ =	shalt  }
0x4f: {  	_ =	shalt  }
0x50: {  	_ =	shalt  }
0x51: {  	_ =	shalt  }
0x52: {  	_ =	shalt  }
0x53: {  	_ =	shalt  }
0x54: {  	_ =	shalt  }
0x55: {  	_ =	shalt  }
0x56: {  	_ =	shalt  }
0x57: {  	_ =	shalt  }
0x58: {  	_ =	shalt  }
0x59: {  	_ =	shalt  }
0x5a: {  	_ =	shalt  }
0x5b: {  	_ =	shalt  }
0x5c: {  	_ =	shalt  }
0x5d: {  	_ =	shalt  }
0x5e: {  	_ =	shalt  }
0x5f: {  	_ =	shalt  }
0x60: {  	_ =	shalt  }
0x61: {  	_ =	shalt  }
0x62: {  	_ =	shalt  }
0x63: {  	_ =	shalt  }
0x64: {  	_ =	shalt  }
0x65: {  	_ =	shalt  }
0x66: {  	_ =	shalt  }
0x67: {  	_ =	shalt  }
0x68: {  	_ =	shalt  }
0x69: {  	_ =	shalt  }
0x6a: {  	_ =	shalt  }
0x6b: {  	_ =	shalt  }
0x6c: {  	_ =	shalt  }
0x6d: {  	_ =	shalt  }
0x6e: {  	_ =	shalt  }
0x6f: {  	_ =	shalt  }
0x70: {  	_ =	shalt  }
0x71: {  	_ =	shalt  }
0x72: {  	_ =	shalt  }
0x73: {  	_ =	shalt  }
0x74: {  	_ =	shalt  }
0x75: {  	_ =	shalt  }
0x76: {  	_ =	shalt  }
0x77: {  	_ =	shalt  }
0x78: {  	_ =	shalt  }
0x79: {  	_ =	shalt  }
0x7a: {  	_ =	shalt  }
0x7b: {  	_ =	shalt  }
0x7c: {  	_ =	shalt  }
0x7d: {  	_ =	shalt  }
0x7e: {  	_ =	shalt  }
0x7f: {  	_ =	shalt  }
0x80: {  	_ =	shalt  }
0x81: {  	_ =	shalt  }
0x82: {  	_ =	shalt  }
0x83: {  	_ =	shalt  }
0x84: {  	_ =	shalt  }
0x85: {  	_ =	shalt  }
0x86: {  	_ =	shalt  }
0x87: {  	_ =	shalt  }
.Lfunc_end0:
.L_simem_size_0:
called_computation_lowered:
.L_overlay_start_0:
0x88: {  	s2 =	sld [smem:$0x3FD9]  }
0x89: {  	s3 =	sld [smem:$0x3FFE];
	_ =	sdelay $0x1  }
0x8a: {  	s1 =	srdreg.scid  }
0x8b: {  	s0 =	sand.u32 $0x1, s1  }
0x8c: {  	s14 =	sshll.u32 s0, $0xA;
	s2 =	sadd.s32 s3, s2  }
0x8d: {  	s2 =	sadd.s32 s2, s14  }
0x8e: {  	[smem:$0x3FC0] =	sst s2  }
0x8f: {  	_ = 	snop  }
0x90: {  	s2 =	sld [smem:$0x3FD0];
	_ =	sdelay $0x2  }
0x91: {  	s15 =	simm.s32 $0xA;
	s4 =	simm.s32 $0x10  }
0x92: {  	[smem:s4], [sflag:s15] =	dma.local [hbm:s2], $0x1  }
0x93: {  	_ =	swait.eq [sflag:s15], $0x1  }
0x94: {  	[sflag:s15] =	ssyncset.done $0x0  }
0x95: {  	s16 =	sld [smem:$0x10];
	[sflag:s15] =	ssyncadd.s32 $0xFFFFFFFF  }
0x96: {  	s17 =	sld [smem:$0x11];
	(tm) =	ssettm $0x1  }
0x97: {  	s18 =	sld [smem:$0x3FFB];
	_ =	sdelay $0x3  }
0x98: {  	_ =	strace s18  }
0x99: {  	s4 =	sld [smem:$0x3FFC];
	_ =	sdelay $0x3  }
0x9a: {  	_ =	strace s4  }
0x9b: {  	s4 =	sld [smem:$0x3FFD];
	_ =	sdelay $0x3  }
0x9c: {  	_ =	strace s4  }
0x9d: {  	_ =	strace $0x8FFFFFFF  }
0x9e: {  	s19 =	sld [smem:$0x3FDB];
	_ =	sdelay $0x1  }
0x9f: {  	s5 =	simm.s32 $_scs_section_size  }
0xa0: {  	s6 =	simm.s32 $_size__tile_overlayer_lowered;
	s7 =	simm.s32 $_tile_overlayer_lowered  }
0xa1: {  	s22 =	simm.s32 $0x1BFF;
	s21 =	sshll.u32 s7, $0x1;
	s4 =	sadd.s32 s5, s19  }
0xa2: {  	s8 =	simm.s32 $0x0;
	s20 =	sshll.u32 s6, $0x1;
	s6 =	sadd.s32 s21, s4  }
0xa3: {  	[timem:s8], [sflag:s22] =	dma.local [hbm:s6], s20  }
0xa4: {  	_ =	swait.ge [sflag:s22], s20  }
0xa5: {  	s5 =	ssub.s32 $0x0, s20;
	[sflag:s22] =	ssyncset.done $0x0  }
0xa6: {  	[sflag:s22] =	ssyncadd.s32 s5;
	_ =	sdelay $0x1  }
0xa7: {  	s23 =	simm.s32 $0x1B8B  }
0xa8: {  	_ =	swait.ge [sflag:s23], $0x1  }
0xa9: {  	[sflag:s23] =	ssyncset.done $0x0  }
0xaa: {  	s25 =	simm.s32 $0x1B8E;
	s24 =	sld [smem:$0x3FFE];
	[sflag:s23] =	ssyncadd.s32 $0xFFFFFFFF  }
0xab: {  	s26 =	simm.s32 $execute0_lowered;
	[smem:$0x3FD2] =	sst s25  }
0xac: {  	s6 =	sshll.u32 s26, $0x1;
	_ =	strace $0x80000046;
	[dreg:$0x1] =	wrdreg $0xFFFFFFFF  }
0xad: {  	s28 =	simm.s32 $_size_execute0_lowered;
	s4 =	sadd.s32 s4, s6;
	[dreg:$0x0] =	wrdreg $0x0  }
0xae: {  	s6 =	sshll.u32 s28, $0x1;
	[dreg:$0x2] =	wrdreg s4  }
0xaf: {  	[dreg:$0x3] =	wrdreg s6  }
0xb0: {  	[dreg:$0x4] =	wrdreg $0xC0  }
0xb1: {  	_ =	task [dreg:s8], $0x5FFFF  }
0xb2: {  	[dreg:$0x1] =	wrdreg $0xFFFFFFFF  }
0xb3: {  	[dreg:$0x0] =	wrdreg $0x60  }
0xb4: {  	[dreg:$0x2] =	wrdreg s17  }
0xb5: {  	[dreg:$0x3] =	wrdreg s16  }
0xb6: {  	[dreg:$0x4] =	wrdreg s24  }
0xb7: {  	[dreg:$0x5] =	wrdreg $0x9  }
0xb8: {  	_ =	task.clear_ibuf [dreg:s8], $0x6FFFF;
	_ =	strace $0x90000046  }
0xb9: {  	s29 =	simm.s32 $0x9;
	_ =	strace $0x80000048  }
0xba: {  	_ =	swait.ge [sflag:s29], $0x1  }
0xbb: {  	[sflag:s29] =	ssyncadd.s32 $0xFFFFFFFF  }
0xbc: {  	_ =	strace $0x90000048  }
0xbd: {  	_ =	sfence  }
0xbe: {  	s30 =	sld [smem:$0x0];
	_ =	sdelay $0x2  }
0xbf: {  	s31 =	sshll.u32 s1, $0xD;
	s1 =	sshrl.u32 s1, $0x2  }
0xc0: {  	s3 =	sand.u32 $0x4000, s31;
	s1 =	sadd.s32 s1, s30  }
0xc1: {  	s0 =	sor.u32 s3, s0;
	s1 =	sshll.u32 s1, $0x11  }
0xc2: {  	s0 =	sor.u32 s1, s0  }
0xc3: {  	s0 =	sadd.s32 $0x8F2B, s0  }
0xc4: {  	[sflag:s0] =	ssyncadd.remote.s32 $0x1  }
0xc5: {  	_ =	sfence.sel $0xFFFF  }
0xc6: {  	[dreg:$0x0] =	wrdreg $0xFFFFFFFF;
	(pc) =	sbr.abs _section_cstart, $3  }
0xc7: {  	[dreg:$0x1] =	wrdreg $0xFFFFFFFF  }
0xc8: {  	_ =	task.clear_ibuf [dreg:s8], $0x2FFFF;
	_ =	strace $0x9FFFFFFF  }
0xc9: {  	(tm) =	ssettm $0x7FFFFFFF  }
tec
execute0_lowered:
.L_overlay_start_1:
0x0: {  	(tag) =	ssettag $0x1  }
0x1: {  	s2 =	rddreg [dreg:$0x0]  }
0x2: {  	s6 =	rddreg [dreg:$0x1]  }
0x3: {  	s4 =	rddreg [dreg:$0x2]  }
0x4: {  	s0 =	rddreg [dreg:$0x3];
	s1 =	stileid.u32  }
0x5: {  	s7 =	srdreg.scid;
	s5 =	smul.u32 $0x50000, s1  }
0x6: {  	s3 =	simm.s32 $0x0;
	s7 =	sand.u32 $0x1, s7;
	s8 =	smul.u32 $0x5000, s1  }
0x7: {  	[smem:$0x7FF] =	sst s3;
	s9 =	ssub.s32 $0x2, s7;
	s10 =	smul.u32 $0x2800, s7  }
0x8: {  	s7 =	smul.u32 $0x28000, s7;
	_ =	strace $0x80000047;
	s30 =	sshrl.u32 s9, $0x1  }
0x9: {  	s5 =	sadd.s32 s5, s4;
	s4 =	ssub.s32 s9, s30;
	s8 =	sadd.s32 s10, s8  }
0xa: {  	s5 =	sadd.s32 s7, s5;
	s7 =	simm.s32 $0x2;
	s9 =	simm.s32 $0x1  }
0xb: {  	s10 =	simm.s32 $0x0;
	s4 =	smax.u32 s4, $0x1;
	s31 =	sshrl.u32 s8, $0x3  }
0xc: {  	s5 =	sadd.s32 $0x4E00, s5;
	s8 =	simm.s32 $0x200;
	s6 =	sadd.s32 s31, s6  }
.LBB2_1:
0xd: {  	s11 =	sadd.s32 $0x0, s6  }
0xe: {  	[tilespmem:s3], [sflag:$0x2] =	stream.linear.gather [hbm4b:s11+s3], $0x200, $0x38;
	[tilespmem:$0x10200] =	vst v63  }
0xf: {  	_ =	swait.ge [sflag:s7], $0x200  }
0x10: {  	[sflag:s7] =	ssyncset.done $0x0  }
0x11: {  	[sflag:s7] =	ssyncadd.s32 $0xFFFFFE00  }
0x12: {  	[tilespmem:s8], [sflag:$0x1] =	stream.indirect.gather [hbm4b:s2+s8], $0x80, s3, s8, $0xb8;
	[tilespmem:$0x10200] =	vst v63  }
0x13: {  	_ =	swait.ge [sflag:s9], $0x10000  }
0x14: {  	[sflag:s9] =	ssyncset.done $0x0  }
0x15: {  	[sflag:s9] =	ssyncadd.s32 $0xFFFF0000  }
0x16: {  	[hbm4b:s5+s3] =	stream.linear.scatter [tilespmem:s8], [sflag:$0x2], $0x10000, $0x38;
	[tilespmem:$0x10200] =	vst v63  }
0x17: {  	s12 =	simm.s32 $0x40;
	_ =	swait.ge [sflag:s7], $0x10000  }
0x18: {  	s13 =	simm.s32 $0x80;
	s11 =	sadd.s32 $0x2000, s5;
	[sflag:s7] =	ssyncset.done $0x0  }
.LBB2_2:
0x19: {  	s14 =	sadd.s32 s12, s6  }
0x1a: {  	[sflag:s7] =	ssyncadd.s32 $0xFFFF0000;
	s12 =	smov.u32 s13;
	s15 =	sadd.s32 $0x40, s13  }
0x1b: {  	[tilespmem:s3], [sflag:$0x2] =	stream.linear.gather [hbm4b:s14+s3], $0x200, $0x38;
	[tilespmem:$0x10200] =	vst v63  }
0x1c: {  	p0 =	sne.s32 s13, $0x4C0;
	_ =	swait.ge [sflag:s7], $0x200  }
0x1d: {  	[sflag:s7] =	ssyncset.done $0x0  }
0x1e: {  	[sflag:s7] =	ssyncadd.s32 $0xFFFFFE00  }
0x1f: {  	[tilespmem:s8], [sflag:$0x1] =	stream.indirect.gather [hbm4b:s2+s8], $0x80, s3, s8, $0xb8;
	[tilespmem:$0x10200] =	vst v63  }
0x20: {  	_ =	swait.ge [sflag:s9], $0x10000  }
.Ltmp0:
0x21: {  	[sflag:s9] =	ssyncset.done $0x0;
	(pc) =	sbr.rel @p0 .LBB2_2-.Ltmp0, $4  }
0x22: {  	[sflag:s9] =	ssyncadd.s32 $0xFFFF0000  }
0x23: {  	[hbm4b:s11+s3] =	stream.linear.scatter [tilespmem:s8], [sflag:$0x2], $0x10000, $0x38;
	[tilespmem:$0x10200] =	vst v63  }
0x24: {  	_ =	swait.ge [sflag:s7], $0x10000  }
0x25: {  	s13 =	smov.u32 s15;
	s11 =	sadd.s32 $0x2000, s11;
	[sflag:s7] =	ssyncset.done $0x0  }
0x26: {  	s12 =	sadd.s32 s12, s6;
	[sflag:s7] =	ssyncadd.s32 $0xFFFF0000  }
0x27: {  	[tilespmem:s3], [sflag:$0x2] =	stream.linear.gather [hbm4b:s12+s3], $0x200, $0x38;
	[tilespmem:$0x10200] =	vst v63  }
0x28: {  	_ =	swait.ge [sflag:s7], $0x200  }
0x29: {  	[sflag:s7] =	ssyncset.done $0x0  }
0x2a: {  	[sflag:s7] =	ssyncadd.s32 $0xFFFFFE00  }
0x2b: {  	[tilespmem:s8], [sflag:$0x1] =	stream.indirect.gather [hbm4b:s2+s8], $0x80, s3, s8, $0xb8;
	[tilespmem:$0x10200] =	vst v63  }
0x2c: {  	s10 =	sadd.s32 $0x1, s10;
	_ =	swait.ge [sflag:s9], $0x10000  }
0x2d: {  	p0 =	sne.s32 s10, s4;
	[sflag:s9] =	ssyncset.done $0x0  }
.Ltmp1:
0x2e: {  	[sflag:s9] =	ssyncadd.s32 $0xFFFF0000;
	(pc) =	sbr.rel @p0 .LBB2_1-.Ltmp1, $4  }
0x2f: {  	[hbm4b:s11+s3] =	stream.linear.scatter [tilespmem:s8], [sflag:$0x2], $0x10000, $0x38;
	[tilespmem:$0x10200] =	vst v63  }
0x30: {  	_ =	swait.ge [sflag:s7], $0x10000  }
0x31: {  	[sflag:s7] =	ssyncset.done $0x0  }
0x32: {  	[sflag:s7] =	ssyncadd.s32 $0xFFFF0000  }
0x33: {  	_ =	sfence.sel $0x180000  }
0x34: {  	[bflag:$0x0] =	sbarrier.arrive $0xFFFF  }
0x35: {  	p0 =	sne.s32 s1, $0x0;
	_ =	strace $0x90000047  }
0x36: {  	s0 =	sadd.s32 @!p0 $0x100000, s0;
	[bflag:$0x2] =	sbarrier.arrive $0xFFFF  }
0x37: {  	[sflag:s0] =	ssyncadd.tile.s32 @!p0 $0x1;
	_ =	shalt  }
.Lfunc_end2:
_tile_overlayer_lowered:
.L_overlay_start_2:
0x38: {  	(tag) =	ssettag $0x2  }
0x39: {  	s0 =	rddreg [dreg:$0x0];
	s2 =	stileid.u32  }
0x3a: {  	s1 =	rddreg [dreg:$0x1];
	p0 =	sne.s32 s2, $0x0  }
0x3b: {  	s3 =	rddreg [dreg:$0x2];
	[bflag:$0x3] =	sbarrier.arrive $0xFFFF;
	s2 =	simm.s32 @!p0 $0x1C02  }
0x3c: {  	[timem:s3], [sflag:s2] =	dma.local @!p0 [hbm:s0], s1  }
0x3d: {  	s0 =	simm.s32 @!p0 $0x2  }
0x3e: {  	_ =	swait.ge @!p0 [sflag:s0], s1  }
0x3f: {  	s1 =	ssub.s32 @!p0 $0x0, s1;
	[sflag:s0] =	ssyncset.done @!p0 $0x0  }
0x40: {  	[sflag:s0] =	ssyncadd.s32 @!p0 s1  }
0x41: {  	[bflag:$0x3] =	sbarrier.arrive $0xFFFF  }
0x42: {  	_ =	shalt  }

// kernel: kernel.22.cloned.1.call-start
scs
__scs_entry_jumppad:
0x0: {  	(pc) =	sbr.rel $0x88, $3  }
0x1: {  	(tag) =	ssettag $0x0;
	lr =	simm.s32 $0x1  }
0x2: {  	[smem:$0x3F99] =	sst lr;
	_ =	strace $0xD0000000  }
0x3: {  	_ = 	snop  }
0x4: {  	_ = 	snop  }
0x5: {  	_ = 	snop  }
0x6: {  	_ = 	snop  }
0x7: {  	_ = 	snop  }
__scs_overlays_trampoline_lowered:
0x8: {  	[smem:$0x3FA8] =	sst s0  }
0x9: {  	[smem:$0x3FA9] =	sst s1  }
0xa: {  	[smem:$0x3FAA] =	sst s2  }
0xb: {  	[smem:$0x3FAB] =	sst s3  }
0xc: {  	[smem:$0x3FAC] =	sst s4  }
0xd: {  	[smem:$0x3FAD] =	sst s5  }
0xe: {  	[smem:$0x3FAE] =	sst s6  }
0xf: {  	[smem:$0x3FAF] =	sst s7  }
0x10: {  	[smem:$0x3FB0] =	sst s8  }
0x11: {  	[smem:$0x3FB1] =	sst s9;
	s0 =	simm.s32 @!p0 $0x0  }
0x12: {  	s1 =	sld [smem:$0x3F97];
	s0 =	simm.s32 @p0 $0x1  }
0x13: {  	[smem:$0x3FB2] =	sst s0;
	s0 =	simm.s32 @!p1 $0x0  }
0x14: {  	s2 =	sld [smem:$0x3F96];
	s0 =	simm.s32 @p1 $0x1  }
0x15: {  	[smem:$0x3FB3] =	sst s0;
	s0 =	simm.s32 @!p2 $0x0  }
0x16: {  	s3 =	sld [smem:$0x3FDB];
	s0 =	simm.s32 @p2 $0x1  }
0x17: {  	s4 =	simm.s32 $0x1BF5;
	[smem:$0x3FB5] =	sst s0  }
0x18: {  	s0 =	sld [smem:$0x3F98];
	_ =	swait.ge [sflag:s4], $0x0  }
0x19: {  	s7 =	sld [smem:$0x3F99]  }
0x1a: {  	s8 =	sadd.s32 $0xFFFFE003, lr  }
0x1b: {  	s9 =	sadd.s32 $0xFFFFFEF7, lr;
	s5 =	simm.s32 $0xFFFFFFFF;
	p2 =	slt.u32 s8, $0xFFFFF086  }
0x1c: {  	p1 =	slt.u32 s9, $0xF7A;
	s5 =	simm.s32 @!p2 $0x0  }
0x1d: {  	s5 =	simm.s32 @p1 $0x1;
	p0 =	seq.s32 s7, s2  }
0x1e: {  	s7 =	smul.u32 @!p0 $0xF7A, s2;
	p2 =	seq.s32 @!p0 s5, $0x0  }
0x1f: {  	s9 =	smul.u32 $0xF7A, s1;
	s8 =	simm.s32 @!p0 $0x1BF5;
	p2 =	por !p2, p0  }
0x20: {  	[sflag:s8] =	ssyncset.s32 @!p0 $0xFFFFF086;
	s6 =	sadd.s32 @!p0 s3, s7;
	s7 =	simm.s32 @!p0 $0x108  }
0x21: {  	s3 =	sadd.s32 s3, s9;
	s6 =	sadd.s32 @!p0 $0x88, s6;
	s7 =	simm.s32 @p2 $0x1082  }
0x22: {  	[simem:s7], [sflag:s8] =	dma.local @!p0 [hbm:s6], $0xF7A  }
0x23: {  	s9 =	sor.u32 $0xD0000000, s2;
	s6 =	simm.s32 $0x108;
	_ =	swait.ge @!p0 [sflag:s8], $0x0  }
0x24: {  	s3 =	sadd.s32 $0x88, s3;
	s6 =	simm.s32 @!p1 $0x1082;
	[sflag:s4] =	ssyncset.s32 $0xFFFFF086  }
0x25: {  	[simem:s6], [sflag:s4] =	dma.local [hbm:s3], $0xF7A  }
0x26: {  	[smem:$0x3F99] =	sst s1;
	(tag) =	ssettag s2;
	_ =	strace s9  }
0x27: {  	s1 =	sld [smem:$0x3FA9]  }
0x28: {  	s2 =	sld [smem:$0x3FAA]  }
0x29: {  	s4 =	sld [smem:$0x3FAC]  }
0x2a: {  	p0 =	seq.s32 s5, $0x0;
	s5 =	sld [smem:$0x3FAD]  }
0x2b: {  	s6 =	sld [smem:$0x3FAE]  }
0x2c: {  	s7 =	sld [smem:$0x3FAF]  }
0x2d: {  	s3 =	simm.s32 $0x108;
	s8 =	sld [smem:$0x3FB0]  }
0x2e: {  	s3 =	simm.s32 @!p0 $0x1082;
	s9 =	sld [smem:$0x3FB1]  }
0x2f: {  	lr =	sadd.s32 s0, s3;
	s0 =	sld [smem:$0x3FA8]  }
0x30: {  	s3 =	sld [smem:$0x3FAB]  }
0x31: {  	[smem:$0x3FB4] =	sst s10  }
0x32: {  	s10 =	sld [smem:$0x3FB2];
	_ =	sdelay $0x3  }
0x33: {  	p0 =	seq.s32 s10, $0x1;
	s10 =	sld [smem:$0x3FB4];
	_ =	sdelay $0x3  }
0x34: {  	[smem:$0x3FB4] =	sst s10  }
0x35: {  	s10 =	sld [smem:$0x3FB3];
	_ =	sdelay $0x3  }
0x36: {  	p1 =	seq.s32 s10, $0x1;
	s10 =	sld [smem:$0x3FB4];
	_ =	sdelay $0x3  }
0x37: {  	[smem:$0x3FB4] =	sst s10  }
0x38: {  	s10 =	sld [smem:$0x3FB5]  }
0x39: {  	_ = 	snop;
	(pc) =	sbr.ind lr, $3  }
0x3a: {  	_ = 	snop  }
0x3b: {  	_ = 	snop  }
0x3c: {  	p2 =	seq.s32 s10, $0x1;
	s10 =	sld [smem:$0x3FB4]  }
0x3d: {  	_ =	shalt  }
0x3e: {  	_ =	shalt  }
0x3f: {  	_ =	shalt  }
0x40: {  	_ =	shalt  }
0x41: {  	_ =	shalt  }
0x42: {  	_ =	shalt  }
0x43: {  	_ =	shalt  }
0x44: {  	_ =	shalt  }
0x45: {  	_ =	shalt  }
0x46: {  	_ =	shalt  }
0x47: {  	_ =	shalt  }
0x48: {  	_ =	shalt  }
0x49: {  	_ =	shalt  }
0x4a: {  	_ =	shalt  }
0x4b: {  	_ =	shalt  }
0x4c: {  	_ =	shalt  }
0x4d: {  	_ =	shalt  }
0x4e: {  	_ =	shalt  }
0x4f: {  	_ =	shalt  }
0x50: {  	_ =	shalt  }
0x51: {  	_ =	shalt  }
0x52: {  	_ =	shalt  }
0x53: {  	_ =	shalt  }
0x54: {  	_ =	shalt  }
0x55: {  	_ =	shalt  }
0x56: {  	_ =	shalt  }
0x57: {  	_ =	shalt  }
0x58: {  	_ =	shalt  }
0x59: {  	_ =	shalt  }
0x5a: {  	_ =	shalt  }
0x5b: {  	_ =	shalt  }
0x5c: {  	_ =	shalt  }
0x5d: {  	_ =	shalt  }
0x5e: {  	_ =	shalt  }
0x5f: {  	_ =	shalt  }
0x60: {  	_ =	shalt  }
0x61: {  	_ =	shalt  }
0x62: {  	_ =	shalt  }
0x63: {  	_ =	shalt  }
0x64: {  	_ =	shalt  }
0x65: {  	_ =	shalt  }
0x66: {  	_ =	shalt  }
0x67: {  	_ =	shalt  }
0x68: {  	_ =	shalt  }
0x69: {  	_ =	shalt  }
0x6a: {  	_ =	shalt  }
0x6b: {  	_ =	shalt  }
0x6c: {  	_ =	shalt  }
0x6d: {  	_ =	shalt  }
0x6e: {  	_ =	shalt  }
0x6f: {  	_ =	shalt  }
0x70: {  	_ =	shalt  }
0x71: {  	_ =	shalt  }
0x72: {  	_ =	shalt  }
0x73: {  	_ =	shalt  }
0x74: {  	_ =	shalt  }
0x75: {  	_ =	shalt  }
0x76: {  	_ =	shalt  }
0x77: {  	_ =	shalt  }
0x78: {  	_ =	shalt  }
0x79: {  	_ =	shalt  }
0x7a: {  	_ =	shalt  }
0x7b: {  	_ =	shalt  }
0x7c: {  	_ =	shalt  }
0x7d: {  	_ =	shalt  }
0x7e: {  	_ =	shalt  }
0x7f: {  	_ =	shalt  }
0x80: {  	_ =	shalt  }
0x81: {  	_ =	shalt  }
0x82: {  	_ =	shalt  }
0x83: {  	_ =	shalt  }
0x84: {  	_ =	shalt  }
0x85: {  	_ =	shalt  }
0x86: {  	_ =	shalt  }
0x87: {  	_ =	shalt  }
.Lfunc_end0:
.L_simem_size_0:
called_computation.1_lowered:
.L_overlay_start_0:
0x88: {  	s2 =	sld [smem:$0x3FD9]  }
0x89: {  	s3 =	sld [smem:$0x3FFE];
	_ =	sdelay $0x1  }
0x8a: {  	s1 =	srdreg.scid  }
0x8b: {  	s0 =	sand.u32 $0x1, s1  }
0x8c: {  	s14 =	sshll.u32 s0, $0xA;
	s2 =	sadd.s32 s3, s2  }
0x8d: {  	s2 =	sadd.s32 s2, s14  }
0x8e: {  	[smem:$0x3FC0] =	sst s2  }
0x8f: {  	_ = 	snop  }
0x90: {  	s2 =	sld [smem:$0x3FD0];
	_ =	sdelay $0x2  }
0x91: {  	s15 =	simm.s32 $0xA;
	s4 =	simm.s32 $0x10  }
0x92: {  	[smem:s4], [sflag:s15] =	dma.local [hbm:s2], $0x1  }
0x93: {  	_ =	swait.eq [sflag:s15], $0x1  }
0x94: {  	[sflag:s15] =	ssyncset.done $0x0  }
0x95: {  	[sflag:s15] =	ssyncadd.s32 $0xFFFFFFFF  }
0x96: {  	s16 =	sld [smem:$0x11];
	(tm) =	ssettm $0x1  }
0x97: {  	s17 =	sld [smem:$0x3FFB];
	_ =	sdelay $0x3  }
0x98: {  	_ =	strace s17  }
0x99: {  	s3 =	sld [smem:$0x3FFC];
	_ =	sdelay $0x3  }
0x9a: {  	_ =	strace s3  }
0x9b: {  	s3 =	sld [smem:$0x3FFD];
	_ =	sdelay $0x3  }
0x9c: {  	_ =	strace s3  }
0x9d: {  	_ =	strace $0x8FFFFFFF  }
0x9e: {  	s18 =	sld [smem:$0x3FDB];
	_ =	sdelay $0x1  }
0x9f: {  	s19 =	simm.s32 $_scs_section_size  }
0xa0: {  	s5 =	simm.s32 $_size__tile_overlayer_lowered;
	s6 =	simm.s32 $_tile_overlayer_lowered  }
0xa1: {  	s22 =	simm.s32 $0x1BFF;
	s21 =	sshll.u32 s6, $0x1;
	s3 =	sadd.s32 s19, s18  }
0xa2: {  	s7 =	simm.s32 $0x0;
	s20 =	sshll.u32 s5, $0x1;
	s5 =	sadd.s32 s21, s3  }
0xa3: {  	[timem:s7], [sflag:s22] =	dma.local [hbm:s5], s20  }
0xa4: {  	_ =	swait.ge [sflag:s22], s20  }
0xa5: {  	s4 =	ssub.s32 $0x0, s20;
	[sflag:s22] =	ssyncset.done $0x0  }
0xa6: {  	[sflag:s22] =	ssyncadd.s32 s4;
	_ =	sdelay $0x1  }
0xa7: {  	s23 =	simm.s32 $0x1B8B  }
0xa8: {  	_ =	swait.ge [sflag:s23], $0x1  }
0xa9: {  	[sflag:s23] =	ssyncset.done $0x0  }
0xaa: {  	s25 =	simm.s32 $0x1B8E;
	s24 =	sld [smem:$0x3FFE];
	[sflag:s23] =	ssyncadd.s32 $0xFFFFFFFF  }
0xab: {  	s26 =	simm.s32 $execute0_lowered;
	[smem:$0x3FD2] =	sst s25  }
0xac: {  	s5 =	sshll.u32 s26, $0x1;
	_ =	strace $0x80000049;
	[dreg:$0x1] =	wrdreg $0xFFFFFFFF  }
0xad: {  	s28 =	simm.s32 $_size_execute0_lowered;
	s3 =	sadd.s32 s3, s5;
	[dreg:$0x0] =	wrdreg $0x0  }
0xae: {  	s5 =	sshll.u32 s28, $0x1;
	[dreg:$0x2] =	wrdreg s3  }
0xaf: {  	[dreg:$0x3] =	wrdreg s5  }
0xb0: {  	[dreg:$0x4] =	wrdreg $0xC0  }
0xb1: {  	_ =	task [dreg:s7], $0x5FFFF  }
0xb2: {  	[dreg:$0x1] =	wrdreg $0xFFFFFFFF  }
0xb3: {  	[dreg:$0x0] =	wrdreg $0x60  }
0xb4: {  	[dreg:$0x2] =	wrdreg s16  }
0xb5: {  	[dreg:$0x3] =	wrdreg s24  }
0xb6: {  	[dreg:$0x4] =	wrdreg $0x9  }
0xb7: {  	_ =	task.clear_ibuf [dreg:s7], $0x5FFFF;
	_ =	strace $0x90000049  }
0xb8: {  	s29 =	simm.s32 $0x9;
	_ =	strace $0x8000004B  }
0xb9: {  	_ =	swait.ge [sflag:s29], $0x1  }
0xba: {  	[sflag:s29] =	ssyncadd.s32 $0xFFFFFFFF  }
0xbb: {  	_ =	strace $0x9000004B  }
0xbc: {  	_ =	sfence  }
0xbd: {  	s30 =	sld [smem:$0x0];
	_ =	sdelay $0x2  }
0xbe: {  	s31 =	sshll.u32 s1, $0xD;
	s1 =	sshrl.u32 s1, $0x2  }
0xbf: {  	s3 =	sand.u32 $0x4000, s31;
	s1 =	sadd.s32 s1, s30  }
0xc0: {  	s0 =	sor.u32 s3, s0;
	s1 =	sshll.u32 s1, $0x11  }
0xc1: {  	s0 =	sor.u32 s1, s0  }
0xc2: {  	s0 =	sadd.s32 $0x8F2B, s0  }
0xc3: {  	[sflag:s0] =	ssyncadd.remote.s32 $0x1  }
0xc4: {  	_ =	sfence.sel $0xFFFF  }
0xc5: {  	[dreg:$0x0] =	wrdreg $0xFFFFFFFF;
	(pc) =	sbr.abs _section_cstart, $3  }
0xc6: {  	[dreg:$0x1] =	wrdreg $0xFFFFFFFF  }
0xc7: {  	_ =	task.clear_ibuf [dreg:s7], $0x2FFFF;
	_ =	strace $0x9FFFFFFF  }
0xc8: {  	(tm) =	ssettm $0x7FFFFFFF  }
0xc9: {  	_ =	shalt  }
tec
execute0_lowered:
.L_overlay_start_1:
0x0: {  	(tag) =	ssettag $0x1  }
0x1: {  	s2 =	rddreg [dreg:$0x0]  }
0x2: {  	s4 =	rddreg [dreg:$0x1]  }
0x3: {  	s0 =	rddreg [dreg:$0x2];
	s1 =	stileid.u32  }
0x4: {  	s5 =	srdreg.scid;
	s3 =	simm.s32 $0x0;
	s6 =	smul.u32 $0x5000, s1  }
0x5: {  	s10 =	simm.s32 $0x0;
	s5 =	sand.u32 $0x1, s5;
	s8 =	smul.u32 $0x50000, s1  }
0x6: {  	[smem:$0x7FF] =	sst s3;
	s7 =	smul.u32 $0x2800, s5;
	s9 =	ssub.s32 $0x2, s5  }
0x7: {  	_ =	strace $0x8000004A;
	s5 =	smul.u32 $0x28000, s5;
	s31 =	sshrl.u32 s9, $0x1  }
0x8: {  	s8 =	sadd.s32 s8, s4;
	s6 =	sadd.s32 s7, s6;
	s7 =	ssub.s32 s9, s31  }
0x9: {  	s5 =	sadd.s32 s5, s8;
	s8 =	simm.s32 $0x200;
	s6 =	sshrl.u32 s6, $0x3  }
0xa: {  	s9 =	simm.s32 $0x1;
	s5 =	sadd.s32 $0x4EE00, s5;
	s6 =	sadd.s32 s6, s4  }
0xb: {  	s4 =	smax.u32 s7, $0x1;
	s7 =	simm.s32 $0x2;
	s6 =	sadd.s32 $0x44E00, s6  }
.LBB2_1:
0xc: {  	s11 =	sadd.s32 $0x0, s6  }
0xd: {  	[tilespmem:s3], [sflag:$0x2] =	stream.linear.gather [hbm4b:s11+s3], $0x200, $0x38;
	[tilespmem:$0x10200] =	vst v63  }
0xe: {  	_ =	swait.ge [sflag:s7], $0x200  }
0xf: {  	[sflag:s7] =	ssyncset.done $0x0  }
0x10: {  	[sflag:s7] =	ssyncadd.s32 $0xFFFFFE00  }
0x11: {  	[tilespmem:s8], [sflag:$0x1] =	stream.indirect.gather [hbm4b:s2+s8], $0x80, s3, s8, $0xb8;
	[tilespmem:$0x10200] =	vst v63  }
0x12: {  	_ =	swait.ge [sflag:s9], $0x10000  }
0x13: {  	[sflag:s9] =	ssyncset.done $0x0  }
0x14: {  	[sflag:s9] =	ssyncadd.s32 $0xFFFF0000  }
0x15: {  	[hbm4b:s5+s3] =	stream.linear.scatter [tilespmem:s8], [sflag:$0x2], $0x10000, $0x38;
	[tilespmem:$0x10200] =	vst v63  }
0x16: {  	s12 =	simm.s32 $0x40;
	_ =	swait.ge [sflag:s7], $0x10000  }
0x17: {  	s13 =	simm.s32 $0x80;
	s11 =	sadd.s32 $0x2000, s5;
	[sflag:s7] =	ssyncset.done $0x0  }
.LBB2_2:
0x18: {  	s14 =	sadd.s32 s12, s6  }
0x19: {  	[sflag:s7] =	ssyncadd.s32 $0xFFFF0000;
	s12 =	smov.u32 s13;
	s15 =	sadd.s32 $0x40, s13  }
0x1a: {  	[tilespmem:s3], [sflag:$0x2] =	stream.linear.gather [hbm4b:s14+s3], $0x200, $0x38;
	[tilespmem:$0x10200] =	vst v63  }
0x1b: {  	p0 =	sne.s32 s13, $0x4C0;
	_ =	swait.ge [sflag:s7], $0x200  }
0x1c: {  	[sflag:s7] =	ssyncset.done $0x0  }
0x1d: {  	[sflag:s7] =	ssyncadd.s32 $0xFFFFFE00  }
0x1e: {  	[tilespmem:s8], [sflag:$0x1] =	stream.indirect.gather [hbm4b:s2+s8], $0x80, s3, s8, $0xb8;
	[tilespmem:$0x10200] =	vst v63  }
0x1f: {  	_ =	swait.ge [sflag:s9], $0x10000  }
.Ltmp0:
0x20: {  	[sflag:s9] =	ssyncset.done $0x0;
	(pc) =	sbr.rel @p0 .LBB2_2-.Ltmp0, $4  }
0x21: {  	[sflag:s9] =	ssyncadd.s32 $0xFFFF0000  }
0x22: {  	[hbm4b:s11+s3] =	stream.linear.scatter [tilespmem:s8], [sflag:$0x2], $0x10000, $0x38;
	[tilespmem:$0x10200] =	vst v63  }
0x23: {  	_ =	swait.ge [sflag:s7], $0x10000  }
0x24: {  	s13 =	smov.u32 s15;
	s11 =	sadd.s32 $0x2000, s11;
	[sflag:s7] =	ssyncset.done $0x0  }
0x25: {  	s12 =	sadd.s32 s12, s6;
	[sflag:s7] =	ssyncadd.s32 $0xFFFF0000  }
0x26: {  	[tilespmem:s3], [sflag:$0x2] =	stream.linear.gather [hbm4b:s12+s3], $0x200, $0x38;
	[tilespmem:$0x10200] =	vst v63  }
0x27: {  	_ =	swait.ge [sflag:s7], $0x200  }
0x28: {  	[sflag:s7] =	ssyncset.done $0x0  }
0x29: {  	[sflag:s7] =	ssyncadd.s32 $0xFFFFFE00  }
0x2a: {  	[tilespmem:s8], [sflag:$0x1] =	stream.indirect.gather [hbm4b:s2+s8], $0x80, s3, s8, $0xb8;
	[tilespmem:$0x10200] =	vst v63  }
0x2b: {  	s10 =	sadd.s32 $0x1, s10;
	_ =	swait.ge [sflag:s9], $0x10000  }
0x2c: {  	p0 =	sne.s32 s10, s4;
	[sflag:s9] =	ssyncset.done $0x0  }
.Ltmp1:
0x2d: {  	[sflag:s9] =	ssyncadd.s32 $0xFFFF0000;
	(pc) =	sbr.rel @p0 .LBB2_1-.Ltmp1, $4  }
0x2e: {  	[hbm4b:s11+s3] =	stream.linear.scatter [tilespmem:s8], [sflag:$0x2], $0x10000, $0x38;
	[tilespmem:$0x10200] =	vst v63  }
0x2f: {  	_ =	swait.ge [sflag:s7], $0x10000  }
0x30: {  	[sflag:s7] =	ssyncset.done $0x0  }
0x31: {  	[sflag:s7] =	ssyncadd.s32 $0xFFFF0000  }
0x32: {  	_ =	sfence.sel $0x180000  }
0x33: {  	[bflag:$0x0] =	sbarrier.arrive $0xFFFF  }
0x34: {  	p0 =	sne.s32 s1, $0x0;
	_ =	strace $0x9000004A  }
0x35: {  	s0 =	sadd.s32 @!p0 $0x100000, s0;
	[bflag:$0x2] =	sbarrier.arrive $0xFFFF  }
0x36: {  	[sflag:s0] =	ssyncadd.tile.s32 @!p0 $0x1;
	_ =	shalt  }
.Lfunc_end2:
_tile_overlayer_lowered:
.L_overlay_start_2:
0x37: {  	(tag) =	ssettag $0x2  }
0x38: {  	s0 =	rddreg [dreg:$0x0];
	s2 =	stileid.u32  }
0x39: {  	s1 =	rddreg [dreg:$0x1];
	p0 =	sne.s32 s2, $0x0  }
0x3a: {  	s3 =	rddreg [dreg:$0x2];
	[bflag:$0x3] =	sbarrier.arrive $0xFFFF;
	s2 =	simm.s32 @!p0 $0x1C02  }
0x3b: {  	[timem:s3], [sflag:s2] =	dma.local @!p0 [hbm:s0], s1  }
0x3c: {  	s0 =	simm.s32 @!p0 $0x2  }
0x3d: {  	_ =	swait.ge @!p0 [sflag:s0], s1  }
0x3e: {  	s1 =	ssub.s32 @!p0 $0x0, s1;
	[sflag:s0] =	ssyncset.done @!p0 $0x0  }
0x3f: {  	[sflag:s0] =	ssyncadd.s32 @!p0 s1  }
0x40: {  	[bflag:$0x3] =	sbarrier.arrive $0xFFFF  }
0x41: {  	_ =	shalt  }

// kernel: kernel.25.cloned.1.call-start
scs
__scs_entry_jumppad:
0x0: {  	(pc) =	sbr.rel $0x88, $3  }
0x1: {  	(tag) =	ssettag $0x0;
	lr =	simm.s32 $0x1  }
0x2: {  	[smem:$0x3F99] =	sst lr;
	_ =	strace $0xD0000000  }
0x3: {  	_ = 	snop  }
0x4: {  	_ = 	snop  }
0x5: {  	_ = 	snop  }
0x6: {  	_ = 	snop  }
0x7: {  	_ = 	snop  }
__scs_overlays_trampoline_lowered:
0x8: {  	[smem:$0x3FA8] =	sst s0  }
0x9: {  	[smem:$0x3FA9] =	sst s1  }
0xa: {  	[smem:$0x3FAA] =	sst s2  }
0xb: {  	[smem:$0x3FAB] =	sst s3  }
0xc: {  	[smem:$0x3FAC] =	sst s4  }
0xd: {  	[smem:$0x3FAD] =	sst s5  }
0xe: {  	[smem:$0x3FAE] =	sst s6  }
0xf: {  	[smem:$0x3FAF] =	sst s7  }
0x10: {  	[smem:$0x3FB0] =	sst s8  }
0x11: {  	[smem:$0x3FB1] =	sst s9;
	s0 =	simm.s32 @!p0 $0x0  }
0x12: {  	s1 =	sld [smem:$0x3F97];
	s0 =	simm.s32 @p0 $0x1  }
0x13: {  	[smem:$0x3FB2] =	sst s0;
	s0 =	simm.s32 @!p1 $0x0  }
0x14: {  	s2 =	sld [smem:$0x3F96];
	s0 =	simm.s32 @p1 $0x1  }
0x15: {  	[smem:$0x3FB3] =	sst s0;
	s0 =	simm.s32 @!p2 $0x0  }
0x16: {  	s3 =	sld [smem:$0x3FDB];
	s0 =	simm.s32 @p2 $0x1  }
0x17: {  	s4 =	simm.s32 $0x1BF5;
	[smem:$0x3FB5] =	sst s0  }
0x18: {  	s0 =	sld [smem:$0x3F98];
	_ =	swait.ge [sflag:s4], $0x0  }
0x19: {  	s7 =	sld [smem:$0x3F99]  }
0x1a: {  	s8 =	sadd.s32 $0xFFFFE003, lr  }
0x1b: {  	s9 =	sadd.s32 $0xFFFFFEF7, lr;
	s5 =	simm.s32 $0xFFFFFFFF;
	p2 =	slt.u32 s8, $0xFFFFF086  }
0x1c: {  	p1 =	slt.u32 s9, $0xF7A;
	s5 =	simm.s32 @!p2 $0x0  }
0x1d: {  	s5 =	simm.s32 @p1 $0x1;
	p0 =	seq.s32 s7, s2  }
0x1e: {  	s7 =	smul.u32 @!p0 $0xF7A, s2;
	p2 =	seq.s32 @!p0 s5, $0x0  }
0x1f: {  	s9 =	smul.u32 $0xF7A, s1;
	s8 =	simm.s32 @!p0 $0x1BF5;
	p2 =	por !p2, p0  }
0x20: {  	[sflag:s8] =	ssyncset.s32 @!p0 $0xFFFFF086;
	s6 =	sadd.s32 @!p0 s3, s7;
	s7 =	simm.s32 @!p0 $0x108  }
0x21: {  	s3 =	sadd.s32 s3, s9;
	s6 =	sadd.s32 @!p0 $0x88, s6;
	s7 =	simm.s32 @p2 $0x1082  }
0x22: {  	[simem:s7], [sflag:s8] =	dma.local @!p0 [hbm:s6], $0xF7A  }
0x23: {  	s9 =	sor.u32 $0xD0000000, s2;
	s6 =	simm.s32 $0x108;
	_ =	swait.ge @!p0 [sflag:s8], $0x0  }
0x24: {  	s3 =	sadd.s32 $0x88, s3;
	s6 =	simm.s32 @!p1 $0x1082;
	[sflag:s4] =	ssyncset.s32 $0xFFFFF086  }
0x25: {  	[simem:s6], [sflag:s4] =	dma.local [hbm:s3], $0xF7A  }
0x26: {  	[smem:$0x3F99] =	sst s1;
	(tag) =	ssettag s2;
	_ =	strace s9  }
0x27: {  	s1 =	sld [smem:$0x3FA9]  }
0x28: {  	s2 =	sld [smem:$0x3FAA]  }
0x29: {  	s4 =	sld [smem:$0x3FAC]  }
0x2a: {  	p0 =	seq.s32 s5, $0x0;
	s5 =	sld [smem:$0x3FAD]  }
0x2b: {  	s6 =	sld [smem:$0x3FAE]  }
0x2c: {  	s7 =	sld [smem:$0x3FAF]  }
0x2d: {  	s3 =	simm.s32 $0x108;
	s8 =	sld [smem:$0x3FB0]  }
0x2e: {  	s3 =	simm.s32 @!p0 $0x1082;
	s9 =	sld [smem:$0x3FB1]  }
0x2f: {  	lr =	sadd.s32 s0, s3;
	s0 =	sld [smem:$0x3FA8]  }
0x30: {  	s3 =	sld [smem:$0x3FAB]  }
0x31: {  	[smem:$0x3FB4] =	sst s10  }
0x32: {  	s10 =	sld [smem:$0x3FB2];
	_ =	sdelay $0x3  }
0x33: {  	p0 =	seq.s32 s10, $0x1;
	s10 =	sld [smem:$0x3FB4];
	_ =	sdelay $0x3  }
0x34: {  	[smem:$0x3FB4] =	sst s10  }
0x35: {  	s10 =	sld [smem:$0x3FB3];
	_ =	sdelay $0x3  }
0x36: {  	p1 =	seq.s32 s10, $0x1;
	s10 =	sld [smem:$0x3FB4];
	_ =	sdelay $0x3  }
0x37: {  	[smem:$0x3FB4] =	sst s10  }
0x38: {  	s10 =	sld [smem:$0x3FB5]  }
0x39: {  	_ = 	snop;
	(pc) =	sbr.ind lr, $3  }
0x3a: {  	_ = 	snop  }
0x3b: {  	_ = 	snop  }
0x3c: {  	p2 =	seq.s32 s10, $0x1;
	s10 =	sld [smem:$0x3FB4]  }
0x3d: {  	_ =	shalt  }
0x3e: {  	_ =	shalt  }
0x3f: {  	_ =	shalt  }
0x40: {  	_ =	shalt  }
0x41: {  	_ =	shalt  }
0x42: {  	_ =	shalt  }
0x43: {  	_ =	shalt  }
0x44: {  	_ =	shalt  }
0x45: {  	_ =	shalt  }
0x46: {  	_ =	shalt  }
0x47: {  	_ =	shalt  }
0x48: {  	_ =	shalt  }
0x49: {  	_ =	shalt  }
0x4a: {  	_ =	shalt  }
0x4b: {  	_ =	shalt  }
0x4c: {  	_ =	shalt  }
0x4d: {  	_ =	shalt  }
0x4e: {  	_ =	shalt  }
0x4f: {  	_ =	shalt  }
0x50: {  	_ =	shalt  }
0x51: {  	_ =	shalt  }
0x52: {  	_ =	shalt  }
0x53: {  	_ =	shalt  }
0x54: {  	_ =	shalt  }
0x55: {  	_ =	shalt  }
0x56: {  	_ =	shalt  }
0x57: {  	_ =	shalt  }
0x58: {  	_ =	shalt  }
0x59: {  	_ =	shalt  }
0x5a: {  	_ =	shalt  }
0x5b: {  	_ =	shalt  }
0x5c: {  	_ =	shalt  }
0x5d: {  	_ =	shalt  }
0x5e: {  	_ =	shalt  }
0x5f: {  	_ =	shalt  }
0x60: {  	_ =	shalt  }
0x61: {  	_ =	shalt  }
0x62: {  	_ =	shalt  }
0x63: {  	_ =	shalt  }
0x64: {  	_ =	shalt  }
0x65: {  	_ =	shalt  }
0x66: {  	_ =	shalt  }
0x67: {  	_ =	shalt  }
0x68: {  	_ =	shalt  }
0x69: {  	_ =	shalt  }
0x6a: {  	_ =	shalt  }
0x6b: {  	_ =	shalt  }
0x6c: {  	_ =	shalt  }
0x6d: {  	_ =	shalt  }
0x6e: {  	_ =	shalt  }
0x6f: {  	_ =	shalt  }
0x70: {  	_ =	shalt  }
0x71: {  	_ =	shalt  }
0x72: {  	_ =	shalt  }
0x73: {  	_ =	shalt  }
0x74: {  	_ =	shalt  }
0x75: {  	_ =	shalt  }
0x76: {  	_ =	shalt  }
0x77: {  	_ =	shalt  }
0x78: {  	_ =	shalt  }
0x79: {  	_ =	shalt  }
0x7a: {  	_ =	shalt  }
0x7b: {  	_ =	shalt  }
0x7c: {  	_ =	shalt  }
0x7d: {  	_ =	shalt  }
0x7e: {  	_ =	shalt  }
0x7f: {  	_ =	shalt  }
0x80: {  	_ =	shalt  }
0x81: {  	_ =	shalt  }
0x82: {  	_ =	shalt  }
0x83: {  	_ =	shalt  }
0x84: {  	_ =	shalt  }
0x85: {  	_ =	shalt  }
0x86: {  	_ =	shalt  }
0x87: {  	_ =	shalt  }
.Lfunc_end0:
.L_simem_size_0:
called_computation.2_lowered:
.L_overlay_start_0:
0x88: {  	s2 =	sld [smem:$0x3FD9]  }
0x89: {  	s3 =	sld [smem:$0x3FFE];
	_ =	sdelay $0x1  }
0x8a: {  	s1 =	srdreg.scid  }
0x8b: {  	s0 =	sand.u32 $0x1, s1  }
0x8c: {  	s14 =	sshll.u32 s0, $0xA;
	s2 =	sadd.s32 s3, s2  }
0x8d: {  	s2 =	sadd.s32 s2, s14  }
0x8e: {  	[smem:$0x3FC0] =	sst s2  }
0x8f: {  	_ = 	snop  }
0x90: {  	s2 =	sld [smem:$0x3FD0];
	_ =	sdelay $0x2  }
0x91: {  	s15 =	simm.s32 $0xA;
	s4 =	simm.s32 $0x10  }
0x92: {  	[smem:s4], [sflag:s15] =	dma.local [hbm:s2], $0x1  }
0x93: {  	_ =	swait.eq [sflag:s15], $0x1  }
0x94: {  	[sflag:s15] =	ssyncset.done $0x0  }
0x95: {  	[sflag:s15] =	ssyncadd.s32 $0xFFFFFFFF  }
0x96: {  	s16 =	sld [smem:$0x11];
	(tm) =	ssettm $0x1  }
0x97: {  	s17 =	sld [smem:$0x3FFB];
	_ =	sdelay $0x3  }
0x98: {  	_ =	strace s17  }
0x99: {  	s3 =	sld [smem:$0x3FFC];
	_ =	sdelay $0x3  }
0x9a: {  	_ =	strace s3  }
0x9b: {  	s3 =	sld [smem:$0x3FFD];
	_ =	sdelay $0x3  }
0x9c: {  	_ =	strace s3  }
0x9d: {  	_ =	strace $0x8FFFFFFF  }
0x9e: {  	s18 =	sld [smem:$0x3FDB];
	_ =	sdelay $0x1  }
0x9f: {  	s19 =	simm.s32 $_scs_section_size  }
0xa0: {  	s5 =	simm.s32 $_size__tile_overlayer_lowered;
	s6 =	simm.s32 $_tile_overlayer_lowered  }
0xa1: {  	s22 =	simm.s32 $0x1BFF;
	s21 =	sshll.u32 s6, $0x1;
	s3 =	sadd.s32 s19, s18  }
0xa2: {  	s7 =	simm.s32 $0x0;
	s20 =	sshll.u32 s5, $0x1;
	s5 =	sadd.s32 s21, s3  }
0xa3: {  	[timem:s7], [sflag:s22] =	dma.local [hbm:s5], s20  }
0xa4: {  	_ =	swait.ge [sflag:s22], s20  }
0xa5: {  	s4 =	ssub.s32 $0x0, s20;
	[sflag:s22] =	ssyncset.done $0x0  }
0xa6: {  	[sflag:s22] =	ssyncadd.s32 s4;
	_ =	sdelay $0x1  }
0xa7: {  	s23 =	simm.s32 $0x1B8B  }
0xa8: {  	_ =	swait.ge [sflag:s23], $0x1  }
0xa9: {  	[sflag:s23] =	ssyncset.done $0x0  }
0xaa: {  	s25 =	simm.s32 $0x1B8E;
	s24 =	sld [smem:$0x3FFE];
	[sflag:s23] =	ssyncadd.s32 $0xFFFFFFFF  }
0xab: {  	s26 =	simm.s32 $execute0_lowered;
	[smem:$0x3FD2] =	sst s25  }
0xac: {  	s5 =	sshll.u32 s26, $0x1;
	_ =	strace $0x8000004C;
	[dreg:$0x1] =	wrdreg $0xFFFFFFFF  }
0xad: {  	s28 =	simm.s32 $_size_execute0_lowered;
	s3 =	sadd.s32 s3, s5;
	[dreg:$0x0] =	wrdreg $0x0  }
0xae: {  	s5 =	sshll.u32 s28, $0x1;
	[dreg:$0x2] =	wrdreg s3  }
0xaf: {  	[dreg:$0x3] =	wrdreg s5  }
0xb0: {  	[dreg:$0x4] =	wrdreg $0xC0  }
0xb1: {  	_ =	task [dreg:s7], $0x5FFFF  }
0xb2: {  	[dreg:$0x1] =	wrdreg $0xFFFFFFFF  }
0xb3: {  	[dreg:$0x0] =	wrdreg $0x60  }
0xb4: {  	[dreg:$0x2] =	wrdreg s16  }
0xb5: {  	[dreg:$0x3] =	wrdreg s24  }
0xb6: {  	[dreg:$0x4] =	wrdreg $0x9  }
0xb7: {  	_ =	task.clear_ibuf [dreg:s7], $0x5FFFF;
	_ =	strace $0x9000004C  }
0xb8: {  	s29 =	simm.s32 $0x9;
	_ =	strace $0x8000004E  }
0xb9: {  	_ =	swait.ge [sflag:s29], $0x1  }
0xba: {  	[sflag:s29] =	ssyncadd.s32 $0xFFFFFFFF  }
0xbb: {  	_ =	strace $0x9000004E  }
0xbc: {  	_ =	sfence  }
0xbd: {  	s30 =	sld [smem:$0x0];
	_ =	sdelay $0x2  }
0xbe: {  	s31 =	sshll.u32 s1, $0xD;
	s1 =	sshrl.u32 s1, $0x2  }
0xbf: {  	s3 =	sand.u32 $0x4000, s31;
	s1 =	sadd.s32 s1, s30  }
0xc0: {  	s0 =	sor.u32 s3, s0;
	s1 =	sshll.u32 s1, $0x11  }
0xc1: {  	s0 =	sor.u32 s1, s0  }
0xc2: {  	s0 =	sadd.s32 $0x8F2B, s0  }
0xc3: {  	[sflag:s0] =	ssyncadd.remote.s32 $0x1  }
0xc4: {  	_ =	sfence.sel $0xFFFF  }
0xc5: {  	[dreg:$0x0] =	wrdreg $0xFFFFFFFF;
	(pc) =	sbr.abs _section_cstart, $3  }
0xc6: {  	[dreg:$0x1] =	wrdreg $0xFFFFFFFF  }
0xc7: {  	_ =	task.clear_ibuf [dreg:s7], $0x2FFFF;
	_ =	strace $0x9FFFFFFF  }
0xc8: {  	(tm) =	ssettm $0x7FFFFFFF  }
0xc9: {  	_ =	shalt  }
tec
execute0_lowered:
.L_overlay_start_1:
0x0: {  	(tag) =	ssettag $0x1  }
0x1: {  	s2 =	rddreg [dreg:$0x0]  }
0x2: {  	s4 =	rddreg [dreg:$0x1]  }
0x3: {  	s0 =	rddreg [dreg:$0x2];
	s1 =	stileid.u32  }
0x4: {  	s5 =	srdreg.scid;
	s3 =	simm.s32 $0x0;
	s6 =	smul.u32 $0x5000, s1  }
0x5: {  	s10 =	simm.s32 $0x0;
	s5 =	sand.u32 $0x1, s5;
	s8 =	smul.u32 $0x50000, s1  }
0x6: {  	[smem:$0x7FF] =	sst s3;
	s7 =	smul.u32 $0x2800, s5;
	s9 =	ssub.s32 $0x2, s5  }
0x7: {  	_ =	strace $0x8000004D;
	s5 =	smul.u32 $0x28000, s5;
	s31 =	sshrl.u32 s9, $0x1  }
0x8: {  	s8 =	sadd.s32 s8, s4;
	s6 =	sadd.s32 s7, s6;
	s7 =	ssub.s32 s9, s31  }
0x9: {  	s5 =	sadd.s32 s5, s8;
	s8 =	simm.s32 $0x200;
	s6 =	sshrl.u32 s6, $0x3  }
0xa: {  	s9 =	simm.s32 $0x1;
	s5 =	sadd.s32 $0x8EE00, s5;
	s6 =	sadd.s32 s6, s4  }
0xb: {  	s4 =	smax.u32 s7, $0x1;
	s7 =	simm.s32 $0x2;
	s6 =	sadd.s32 $0x84E00, s6  }
.LBB2_1:
0xc: {  	s11 =	sadd.s32 $0x0, s6  }
0xd: {  	[tilespmem:s3], [sflag:$0x2] =	stream.linear.gather [hbm4b:s11+s3], $0x200, $0x38;
	[tilespmem:$0x10200] =	vst v63  }
0xe: {  	_ =	swait.ge [sflag:s7], $0x200  }
0xf: {  	[sflag:s7] =	ssyncset.done $0x0  }
0x10: {  	[sflag:s7] =	ssyncadd.s32 $0xFFFFFE00  }
0x11: {  	[tilespmem:s8], [sflag:$0x1] =	stream.indirect.gather [hbm4b:s2+s8], $0x80, s3, s8, $0xb8;
	[tilespmem:$0x10200] =	vst v63  }
0x12: {  	_ =	swait.ge [sflag:s9], $0x10000  }
0x13: {  	[sflag:s9] =	ssyncset.done $0x0  }
0x14: {  	[sflag:s9] =	ssyncadd.s32 $0xFFFF0000  }
0x15: {  	[hbm4b:s5+s3] =	stream.linear.scatter [tilespmem:s8], [sflag:$0x2], $0x10000, $0x38;
	[tilespmem:$0x10200] =	vst v63  }
0x16: {  	s12 =	simm.s32 $0x40;
	_ =	swait.ge [sflag:s7], $0x10000  }
0x17: {  	s13 =	simm.s32 $0x80;
	s11 =	sadd.s32 $0x2000, s5;
	[sflag:s7] =	ssyncset.done $0x0  }
.LBB2_2:
0x18: {  	s14 =	sadd.s32 s12, s6  }
0x19: {  	[sflag:s7] =	ssyncadd.s32 $0xFFFF0000;
	s12 =	smov.u32 s13;
	s15 =	sadd.s32 $0x40, s13  }
0x1a: {  	[tilespmem:s3], [sflag:$0x2] =	stream.linear.gather [hbm4b:s14+s3], $0x200, $0x38;
	[tilespmem:$0x10200] =	vst v63  }
0x1b: {  	p0 =	sne.s32 s13, $0x4C0;
	_ =	swait.ge [sflag:s7], $0x200  }
0x1c: {  	[sflag:s7] =	ssyncset.done $0x0  }
0x1d: {  	[sflag:s7] =	ssyncadd.s32 $0xFFFFFE00  }
0x1e: {  	[tilespmem:s8], [sflag:$0x1] =	stream.indirect.gather [hbm4b:s2+s8], $0x80, s3, s8, $0xb8;
	[tilespmem:$0x10200] =	vst v63  }
0x1f: {  	_ =	swait.ge [sflag:s9], $0x10000  }
.Ltmp0:
0x20: {  	[sflag:s9] =	ssyncset.done $0x0;
	(pc) =	sbr.rel @p0 .LBB2_2-.Ltmp0, $4  }
0x21: {  	[sflag:s9] =	ssyncadd.s32 $0xFFFF0000  }
0x22: {  	[hbm4b:s11+s3] =	stream.linear.scatter [tilespmem:s8], [sflag:$0x2], $0x10000, $0x38;
	[tilespmem:$0x10200] =	vst v63  }
0x23: {  	_ =	swait.ge [sflag:s7], $0x10000  }
0x24: {  	s13 =	smov.u32 s15;
	s11 =	sadd.s32 $0x2000, s11;
	[sflag:s7] =	ssyncset.done $0x0  }
0x25: {  	s12 =	sadd.s32 s12, s6;
	[sflag:s7] =	ssyncadd.s32 $0xFFFF0000  }
0x26: {  	[tilespmem:s3], [sflag:$0x2] =	stream.linear.gather [hbm4b:s12+s3], $0x200, $0x38;
	[tilespmem:$0x10200] =	vst v63  }
0x27: {  	_ =	swait.ge [sflag:s7], $0x200  }
0x28: {  	[sflag:s7] =	ssyncset.done $0x0  }
0x29: {  	[sflag:s7] =	ssyncadd.s32 $0xFFFFFE00  }
0x2a: {  	[tilespmem:s8], [sflag:$0x1] =	stream.indirect.gather [hbm4b:s2+s8], $0x80, s3, s8, $0xb8;
	[tilespmem:$0x10200] =	vst v63  }
0x2b: {  	s10 =	sadd.s32 $0x1, s10;
	_ =	swait.ge [sflag:s9], $0x10000  }
0x2c: {  	p0 =	sne.s32 s10, s4;
	[sflag:s9] =	ssyncset.done $0x0  }
.Ltmp1:
0x2d: {  	[sflag:s9] =	ssyncadd.s32 $0xFFFF0000;
	(pc) =	sbr.rel @p0 .LBB2_1-.Ltmp1, $4  }
0x2e: {  	[hbm4b:s11+s3] =	stream.linear.scatter [tilespmem:s8], [sflag:$0x2], $0x10000, $0x38;
	[tilespmem:$0x10200] =	vst v63  }
0x2f: {  	_ =	swait.ge [sflag:s7], $0x10000  }
0x30: {  	[sflag:s7] =	ssyncset.done $0x0  }
0x31: {  	[sflag:s7] =	ssyncadd.s32 $0xFFFF0000  }
0x32: {  	_ =	sfence.sel $0x180000  }
0x33: {  	[bflag:$0x0] =	sbarrier.arrive $0xFFFF  }
0x34: {  	p0 =	sne.s32 s1, $0x0;
	_ =	strace $0x9000004D  }
0x35: {  	s0 =	sadd.s32 @!p0 $0x100000, s0;
	[bflag:$0x2] =	sbarrier.arrive $0xFFFF  }
0x36: {  	[sflag:s0] =	ssyncadd.tile.s32 @!p0 $0x1;
	_ =	shalt  }
.Lfunc_end2:
_tile_overlayer_lowered:
.L_overlay_start_2:
0x37: {  	(tag) =	ssettag $0x2  }
0x38: {  	s0 =	rddreg [dreg:$0x0];
	s2 =	stileid.u32  }
0x39: {  	s1 =	rddreg [dreg:$0x1];
	p0 =	sne.s32 s2, $0x0  }
0x3a: {  	s3 =	rddreg [dreg:$0x2];
	[bflag:$0x3] =	sbarrier.arrive $0xFFFF;
	s2 =	simm.s32 @!p0 $0x1C02  }
0x3b: {  	[timem:s3], [sflag:s2] =	dma.local @!p0 [hbm:s0], s1  }
0x3c: {  	s0 =	simm.s32 @!p0 $0x2  }
0x3d: {  	_ =	swait.ge @!p0 [sflag:s0], s1  }
0x3e: {  	s1 =	ssub.s32 @!p0 $0x0, s1;
	[sflag:s0] =	ssyncset.done @!p0 $0x0  }
0x3f: {  	[sflag:s0] =	ssyncadd.s32 @!p0 s1  }
0x40: {  	[bflag:$0x3] =	sbarrier.arrive $0xFFFF  }
0x41: {  	_ =	shalt  }

</sc_bundles>
